<compile_context>
chip_gen: v7x
topology: tpu7x:2x2x1
jax: 0.10.2.dev20260603
libtpu: 0.0.44.dev20260713+nightly
codegen_flags: <defaults>
</compile_context>

<pallas_src>
import functools

import jax
import jax.numpy as jnp
from jax import lax
from jax.experimental import pallas as pl
from jax.experimental.pallas import tpu as pltpu
from jax.experimental.pallas import tpu_sc as plsc

NC = 2
NS = 16
NW = NC * NS
LANES = 16
CHUNK = 128


def _sc_pool(x_chunks, emb_table, B, L, D, CB, n_chunks):
    bags_per_w = B // NW
    dregs = D // LANES
    inv_l = 1.0 / L
    mesh = plsc.VectorSubcoreMesh(
        core_axis_name="c", subcore_axis_name="s", num_cores=NC, num_subcores=NS
    )

    @functools.partial(
        pl.kernel,
        out_type=jax.ShapeDtypeStruct((B, D), jnp.float32),
        mesh=mesh,
        compiler_params=pltpu.CompilerParams(use_tc_tiling_on_sc=False),
        scratch_types=[
            pltpu.VMEM((n_chunks, CHUNK), jnp.int32),
            pltpu.VMEM((CHUNK, D), jnp.float32),
            pltpu.VMEM((CHUNK, D), jnp.float32),
            pltpu.VMEM((CHUNK, D), jnp.float32),
            pltpu.VMEM((CHUNK, D), jnp.float32),
            pltpu.VMEM((CHUNK, D), jnp.float32),
            pltpu.VMEM((CHUNK, D), jnp.float32),
            pltpu.VMEM((bags_per_w, D), jnp.float32),
            pltpu.SemaphoreType.DMA,
            pltpu.SemaphoreType.DMA,
            pltpu.SemaphoreType.DMA,
            pltpu.SemaphoreType.DMA,
            pltpu.SemaphoreType.DMA,
            pltpu.SemaphoreType.DMA,
        ],
    )
    def k(idx_hbm, table_hbm, out_hbm, idx_v, b0, b1, b2, b3, b4, b5,
          pooled_v, s0, s1, s2, s3, s4, s5):
        bufs = (b0, b1, b2, b3, b4, b5)
        sems = (s0, s1, s2, s3, s4, s5)
        wid = lax.axis_index("s") * NC + lax.axis_index("c")
        pltpu.sync_copy(idx_hbm.at[wid], idx_v)

        def accumulate(buf, g):
            def l_body(l, accs):
                out = []
                for bag in range(CB):
                    for dd in range(dregs):
                        v = buf[bag * L + l, pl.ds(dd * LANES, LANES)]
                        out.append(accs[bag * dregs + dd] + v)
                return tuple(out)

            zero = tuple(
                jnp.zeros((LANES,), jnp.float32) for _ in range(CB * dregs)
            )
            accs = lax.fori_loop(0, L, l_body, zero)
            for bag in range(CB):
                for dd in range(dregs):
                    pooled_v[g * CB + bag, pl.ds(dd * LANES, LANES)] = (
                        accs[bag * dregs + dd] * inv_l
                    )

        NBUF = 6
        R = n_chunks // NBUF
        REM = n_chunks - R * NBUF
        for b in range(NBUF - 1):
            pltpu.async_copy(table_hbm.at[idx_v.at[b]], bufs[b], sems[b])

        def round_body(p, carry):
            base = NBUF * p
            for b in range(NBUF):
                g = base + b
                gn = (g + NBUF - 1) % n_chunks
                bn = (b + NBUF - 1) % NBUF
                pltpu.async_copy(table_hbm.at[idx_v.at[gn]], bufs[bn], sems[bn])
                pltpu.make_async_copy(table_hbm.at[idx_v.at[g]], bufs[b], sems[b]).wait()
                accumulate(bufs[b], g)
            return carry

        lax.fori_loop(0, R, round_body, 0)
        for j in range(REM):
            g = R * NBUF + j
            bj = g % NBUF
            pltpu.make_async_copy(table_hbm.at[idx_v.at[g]], bufs[bj], sems[bj]).wait()
            accumulate(bufs[bj], g)
        for j in range(NBUF - 1 - REM):
            bj = (REM + j) % NBUF
            pltpu.make_async_copy(table_hbm.at[idx_v.at[j]], bufs[bj], sems[bj]).wait()
        pltpu.sync_copy(pooled_v, out_hbm.at[pl.ds(wid * bags_per_w, bags_per_w)])

    return k(x_chunks, emb_table)


def _tc_head(pooled, wt, b2, B, D, OUT):
    BB = 1024

    def body(p_ref, w_ref, b_ref, o_ref):
        y = jnp.dot(p_ref[...], w_ref[...], preferred_element_type=jnp.float32)
        y = y + b_ref[...]
        m = jnp.max(y, axis=1, keepdims=True)
        e = jnp.exp(y - m)
        o_ref[...] = e / jnp.sum(e, axis=1, keepdims=True)

    return pl.pallas_call(
        body,
        grid=(B // BB,),
        in_specs=[
            pl.BlockSpec((BB, D), lambda i: (i, 0)),
            pl.BlockSpec((D, OUT), lambda i: (0, 0)),
            pl.BlockSpec((1, OUT), lambda i: (0, 0)),
        ],
        out_specs=pl.BlockSpec((BB, OUT), lambda i: (i, 0)),
        out_shape=jax.ShapeDtypeStruct((B, OUT), jnp.float32),
    )(pooled, wt, b2)


def kernel(x, emb_table, W, b):
    B, L = x.shape
    _, D = emb_table.shape
    OUT = W.shape[0]
    CB = 2
    n_chunks = B // (NW * CB)
    xr = x.astype(jnp.int32).reshape(B // CB, CB * L)
    xp = jnp.concatenate([xr, xr[:, : CHUNK - CB * L]], axis=1)
    x_chunks = xp.reshape(NW, n_chunks, CHUNK)
    pooled = _sc_pool(x_chunks, emb_table, B, L, D, CB, n_chunks)
    return _tc_head(pooled, W.T, b.reshape(1, OUT), B, D, OUT)

# --- scband reference (transcript-rebuilt; emitter-appended) ---
"""Pipeline reference for scband-dummy-model-9337258901987 (READ-ONLY COPY).

The authoritative reference and input builder live on the scoring server;
editing this copy changes nothing except your own understanding.
"""

import jax, jax.numpy as jnp
import numpy as np

B = 16384
L = 50
VOCAB = 1000000
D = 64
OUT = 64

def setup_inputs(seed: int = 0) -> dict:
    key = jax.random.key(seed)
    k1, k2, k3, k4 = jax.random.split(key, 4)
    x = jax.random.randint(k1, (B, L), 0, VOCAB, dtype=jnp.int64 if jax.config.jax_enable_x64 else jnp.int32)
    emb_table = jax.random.normal(k2, (VOCAB, D), dtype=jnp.float32)
    # nn.Linear init: uniform(-1/sqrt(fan_in), 1/sqrt(fan_in))
    bound = 1.0 / np.sqrt(D)
    W = jax.random.uniform(k3, (OUT, D), minval=-bound, maxval=bound, dtype=jnp.float32)
    b = jax.random.uniform(k4, (OUT,), minval=-bound, maxval=bound, dtype=jnp.float32)
    return {"x": x, "emb_table": emb_table, "W": W, "b": b}

def reference(x, emb_table, W, b):
    # nn.EmbeddingBag with 2D input and default mode='mean':
    # gather rows then mean-pool over the bag (sequence) dimension.
    e = jnp.take(emb_table, x, axis=0)          # [B, L, D]
    pooled = jnp.mean(e, axis=1)                # [B, D]
    y = pooled @ W.T + b                        # [B, OUT]
    return jax.nn.softmax(y, axis=1)

if __name__ == "__main__":
    import jax
    _d = setup_inputs()
    print(jax.jit(kernel)(*tuple(_d.values())))

</pallas_src>

<mosaic_0001>
#map = affine_map<(d0, d1) -> (0, 0, 0)>
#map1 = affine_map<(d0, d1) -> (0, 0)>
module attributes {stable_mosaic.version = 14 : i64} {
  func.func @k(%arg0: i32, %arg1: i32, %arg2: memref<32x256x128xi32, #tpu.memory_space<hbm>>, %arg3: memref<1000000x64xf32, #tpu.memory_space<hbm>>, %arg4: memref<16384x64xf32, #tpu.memory_space<hbm>>, %arg5: memref<256x128xi32, #tpu.memory_space<vmem>>, %arg6: memref<128x64xf32, #tpu.memory_space<vmem>>, %arg7: memref<128x64xf32, #tpu.memory_space<vmem>>, %arg8: memref<128x64xf32, #tpu.memory_space<vmem>>, %arg9: memref<128x64xf32, #tpu.memory_space<vmem>>, %arg10: memref<128x64xf32, #tpu.memory_space<vmem>>, %arg11: memref<128x64xf32, #tpu.memory_space<vmem>>, %arg12: memref<512x64xf32, #tpu.memory_space<vmem>>, %arg13: memref<!tpu.dma_semaphore, #tpu.memory_space<semaphore_mem>>, %arg14: memref<!tpu.dma_semaphore, #tpu.memory_space<semaphore_mem>>, %arg15: memref<!tpu.dma_semaphore, #tpu.memory_space<semaphore_mem>>, %arg16: memref<!tpu.dma_semaphore, #tpu.memory_space<semaphore_mem>>, %arg17: memref<!tpu.dma_semaphore, #tpu.memory_space<semaphore_mem>>, %arg18: memref<!tpu.dma_semaphore, #tpu.memory_space<semaphore_mem>>) attributes {dimension_semantics = [#tpu.dimension_semantics<core_parallel>, #tpu.dimension_semantics<subcore_parallel>], iteration_bounds = array<i64: 2, 16>, scalar_prefetch = 0 : i64, scratch_operands = 14 : i64, tpu.core_type = #tpu.core_type<sc_vector_subcore>, window_params = [{transform_indices = #map}, {transform_indices = #map1}, {transform_indices = #map1}]} {
    %mul3A = arith.constant 2 : i32
    %mul3A_0 = arith.muli %arg1, %mul3A : i32
    %add3A = arith.addi %mul3A_0, %arg0 : i32
    "tpu.region"() ({
      %run_scoped3A = tpu.sem_alloc : memref<!tpu.dma_semaphore, #tpu.memory_space<semaphore_mem>>
      %dma_start3A_450 = arith.constant 0 : i32
      %dma_start3A_451 = arith.constant 0 : i32
      %dma_start3A_452 = tpu.memref_slice %arg2[%add3A, %dma_start3A_450, %dma_start3A_451] : memref<32x256x128xi32, #tpu.memory_space<hbm>> -> memref<1x256x128xi32, #tpu.memory_space<hbm>>
      %dma_start3A_453 = tpu.memref_squeeze %dma_start3A_452 : memref<1x256x128xi32, #tpu.memory_space<hbm>> -> memref<256x128xi32, #tpu.memory_space<hbm>>
      %dma_start3A_454 = arith.constant 0 : i32
      %dma_start3A_455 = arith.constant 0 : i32
      %dma_start3A_456 = tpu.memref_slice %arg2[%add3A, %dma_start3A_454, %dma_start3A_455] : memref<32x256x128xi32, #tpu.memory_space<hbm>> -> memref<1x256x128xi32, #tpu.memory_space<hbm>>
      %dma_start3A_457 = tpu.memref_squeeze %dma_start3A_456 : memref<1x256x128xi32, #tpu.memory_space<hbm>> -> memref<256x128xi32, #tpu.memory_space<hbm>>
      tpu.enqueue_dma source(%dma_start3A_457 : memref<256x128xi32, #tpu.memory_space<hbm>>) target(%arg5 : memref<256x128xi32, #tpu.memory_space<vmem>>) target_semaphore(%run_scoped3A : memref<!tpu.dma_semaphore, #tpu.memory_space<semaphore_mem>>)
      %dma_wait3A_458 = arith.constant 0 : i32
      %dma_wait3A_459 = arith.constant 0 : i32
      %dma_wait3A_460 = tpu.memref_slice %arg2[%add3A, %dma_wait3A_458, %dma_wait3A_459] : memref<32x256x128xi32, #tpu.memory_space<hbm>> -> memref<1x256x128xi32, #tpu.memory_space<hbm>>
      %dma_wait3A_461 = tpu.memref_squeeze %dma_wait3A_460 : memref<1x256x128xi32, #tpu.memory_space<hbm>> -> memref<256x128xi32, #tpu.memory_space<hbm>>
      %dma_wait3A_462 = arith.constant 0 : i32
      %dma_wait3A_463 = arith.constant 0 : i32
      %dma_wait3A_464 = tpu.memref_slice %arg2[%add3A, %dma_wait3A_462, %dma_wait3A_463] : memref<32x256x128xi32, #tpu.memory_space<hbm>> -> memref<1x256x128xi32, #tpu.memory_space<hbm>>
      %dma_wait3A_465 = tpu.memref_squeeze %dma_wait3A_464 : memref<1x256x128xi32, #tpu.memory_space<hbm>> -> memref<256x128xi32, #tpu.memory_space<hbm>>
      tpu.wait_dma2 semaphore(%run_scoped3A : memref<!tpu.dma_semaphore, #tpu.memory_space<semaphore_mem>>) src(%dma_wait3A_465 : memref<256x128xi32, #tpu.memory_space<hbm>>) dst(%arg5 : memref<256x128xi32, #tpu.memory_space<vmem>>)
      tpu.yield
    }) : () -> ()
    %dma_start3A = arith.constant 0 : i32
    %dma_start3A_1 = arith.constant 0 : i32
    %dma_start3A_2 = tpu.memref_slice %arg5[%dma_start3A, %dma_start3A_1] : memref<256x128xi32, #tpu.memory_space<vmem>> -> memref<1x128xi32, #tpu.memory_space<vmem>>
    %dma_start3A_3 = tpu.memref_squeeze %dma_start3A_2 : memref<1x128xi32, #tpu.memory_space<vmem>> -> memref<128xi32, #tpu.memory_space<vmem>>
    %dma_start3A_4 = arith.constant 0 : i32
    %dma_start3A_5 = arith.constant 0 : i32
    %dma_start3A_6 = tpu.memref_slice %arg3[%dma_start3A_4, %dma_start3A_5] : memref<1000000x64xf32, #tpu.memory_space<hbm>> -> memref<1000000x64xf32, #tpu.memory_space<hbm>>
    tpu.enqueue_indirect_dma source(%dma_start3A_6 : memref<1000000x64xf32, #tpu.memory_space<hbm>>) target(%arg6 : memref<128x64xf32, #tpu.memory_space<vmem>>) offsets(%dma_start3A_3 : memref<128xi32, #tpu.memory_space<vmem>>) semaphore(%arg13 : memref<!tpu.dma_semaphore, #tpu.memory_space<semaphore_mem>>)
    %dma_start3A_7 = arith.constant 1 : i32
    %dma_start3A_8 = arith.constant 0 : i32
    %dma_start3A_9 = tpu.memref_slice %arg5[%dma_start3A_7, %dma_start3A_8] : memref<256x128xi32, #tpu.memory_space<vmem>> -> memref<1x128xi32, #tpu.memory_space<vmem>>
    %dma_start3A_10 = tpu.memref_squeeze %dma_start3A_9 : memref<1x128xi32, #tpu.memory_space<vmem>> -> memref<128xi32, #tpu.memory_space<vmem>>
    %dma_start3A_11 = arith.constant 0 : i32
    %dma_start3A_12 = arith.constant 0 : i32
    %dma_start3A_13 = tpu.memref_slice %arg3[%dma_start3A_11, %dma_start3A_12] : memref<1000000x64xf32, #tpu.memory_space<hbm>> -> memref<1000000x64xf32, #tpu.memory_space<hbm>>
    tpu.enqueue_indirect_dma source(%dma_start3A_13 : memref<1000000x64xf32, #tpu.memory_space<hbm>>) target(%arg7 : memref<128x64xf32, #tpu.memory_space<vmem>>) offsets(%dma_start3A_10 : memref<128xi32, #tpu.memory_space<vmem>>) semaphore(%arg14 : memref<!tpu.dma_semaphore, #tpu.memory_space<semaphore_mem>>)
    %dma_start3A_14 = arith.constant 2 : i32
    %dma_start3A_15 = arith.constant 0 : i32
    %dma_start3A_16 = tpu.memref_slice %arg5[%dma_start3A_14, %dma_start3A_15] : memref<256x128xi32, #tpu.memory_space<vmem>> -> memref<1x128xi32, #tpu.memory_space<vmem>>
    %dma_start3A_17 = tpu.memref_squeeze %dma_start3A_16 : memref<1x128xi32, #tpu.memory_space<vmem>> -> memref<128xi32, #tpu.memory_space<vmem>>
    %dma_start3A_18 = arith.constant 0 : i32
    %dma_start3A_19 = arith.constant 0 : i32
    %dma_start3A_20 = tpu.memref_slice %arg3[%dma_start3A_18, %dma_start3A_19] : memref<1000000x64xf32, #tpu.memory_space<hbm>> -> memref<1000000x64xf32, #tpu.memory_space<hbm>>
    tpu.enqueue_indirect_dma source(%dma_start3A_20 : memref<1000000x64xf32, #tpu.memory_space<hbm>>) target(%arg8 : memref<128x64xf32, #tpu.memory_space<vmem>>) offsets(%dma_start3A_17 : memref<128xi32, #tpu.memory_space<vmem>>) semaphore(%arg15 : memref<!tpu.dma_semaphore, #tpu.memory_space<semaphore_mem>>)
    %dma_start3A_21 = arith.constant 3 : i32
    %dma_start3A_22 = arith.constant 0 : i32
    %dma_start3A_23 = tpu.memref_slice %arg5[%dma_start3A_21, %dma_start3A_22] : memref<256x128xi32, #tpu.memory_space<vmem>> -> memref<1x128xi32, #tpu.memory_space<vmem>>
    %dma_start3A_24 = tpu.memref_squeeze %dma_start3A_23 : memref<1x128xi32, #tpu.memory_space<vmem>> -> memref<128xi32, #tpu.memory_space<vmem>>
    %dma_start3A_25 = arith.constant 0 : i32
    %dma_start3A_26 = arith.constant 0 : i32
    %dma_start3A_27 = tpu.memref_slice %arg3[%dma_start3A_25, %dma_start3A_26] : memref<1000000x64xf32, #tpu.memory_space<hbm>> -> memref<1000000x64xf32, #tpu.memory_space<hbm>>
    tpu.enqueue_indirect_dma source(%dma_start3A_27 : memref<1000000x64xf32, #tpu.memory_space<hbm>>) target(%arg9 : memref<128x64xf32, #tpu.memory_space<vmem>>) offsets(%dma_start3A_24 : memref<128xi32, #tpu.memory_space<vmem>>) semaphore(%arg16 : memref<!tpu.dma_semaphore, #tpu.memory_space<semaphore_mem>>)
    %dma_start3A_28 = arith.constant 4 : i32
    %dma_start3A_29 = arith.constant 0 : i32
    %dma_start3A_30 = tpu.memref_slice %arg5[%dma_start3A_28, %dma_start3A_29] : memref<256x128xi32, #tpu.memory_space<vmem>> -> memref<1x128xi32, #tpu.memory_space<vmem>>
    %dma_start3A_31 = tpu.memref_squeeze %dma_start3A_30 : memref<1x128xi32, #tpu.memory_space<vmem>> -> memref<128xi32, #tpu.memory_space<vmem>>
    %dma_start3A_32 = arith.constant 0 : i32
    %dma_start3A_33 = arith.constant 0 : i32
    %dma_start3A_34 = tpu.memref_slice %arg3[%dma_start3A_32, %dma_start3A_33] : memref<1000000x64xf32, #tpu.memory_space<hbm>> -> memref<1000000x64xf32, #tpu.memory_space<hbm>>
    tpu.enqueue_indirect_dma source(%dma_start3A_34 : memref<1000000x64xf32, #tpu.memory_space<hbm>>) target(%arg10 : memref<128x64xf32, #tpu.memory_space<vmem>>) offsets(%dma_start3A_31 : memref<128xi32, #tpu.memory_space<vmem>>) semaphore(%arg17 : memref<!tpu.dma_semaphore, #tpu.memory_space<semaphore_mem>>)
    %scan3A = arith.constant 0 : i32
    %scan3A_35 = arith.constant 0 : i32
    %scan3A_36 = arith.constant 42 : i32
    %scan3A_37 = arith.addi %scan3A_35, %scan3A_36 : i32
    %scan3A_38 = arith.constant 1 : i32
    scf.for %scan3A_450 = %scan3A_35 to %scan3A_37 step %scan3A_38  : i32 {
      %mul3A_451 = arith.constant 6 : i32
      %mul3A_452 = arith.muli %mul3A_451, %scan3A_450 : i32
      %add3A_453 = arith.constant 0 : i32
      %add3A_454 = arith.addi %mul3A_452, %add3A_453 : i32
      %add3A_455 = arith.constant 6 : i32
      %add3A_456 = arith.addi %add3A_454, %add3A_455 : i32
      %sub3A = arith.constant 1 : i32
      %sub3A_457 = arith.subi %add3A_456, %sub3A : i32
      %jit3A = arith.constant 256 : i32
      %eq3A = arith.constant 0 : i32
      %eq3A_458 = arith.cmpi eq, %jit3A, %eq3A : i32
      %jit3A_459 = arith.constant 1 : i32
      %select_n3A = arith.select %eq3A_458, %jit3A_459, %jit3A : i32
      %rem3A = arith.remsi %sub3A_457, %select_n3A : i32
      %ne3A = arith.constant 0 : i32
      %ne3A_460 = arith.cmpi ne, %rem3A, %ne3A : i32
      %lt3A = arith.constant 0 : i32
      %lt3A_461 = arith.cmpi slt, %rem3A, %lt3A : i32
      %lt3A_462 = arith.constant 0 : i32
      %lt3A_463 = arith.cmpi slt, %select_n3A, %lt3A_462 : i32
      %ne3A_464 = arith.xori %lt3A_461, %lt3A_463 : i1
      %and3A = arith.andi %ne3A_464, %ne3A_460 : i1
      %add3A_465 = arith.addi %rem3A, %select_n3A : i32
      %select_n3A_466 = arith.select %and3A, %add3A_465, %rem3A : i32
      %dma_start3A_467 = arith.constant 0 : i32
      %dma_start3A_468 = tpu.memref_slice %arg5[%select_n3A_466, %dma_start3A_467] : memref<256x128xi32, #tpu.memory_space<vmem>> -> memref<1x128xi32, #tpu.memory_space<vmem>>
      %dma_start3A_469 = tpu.memref_squeeze %dma_start3A_468 : memref<1x128xi32, #tpu.memory_space<vmem>> -> memref<128xi32, #tpu.memory_space<vmem>>
      %dma_start3A_470 = arith.constant 0 : i32
      %dma_start3A_471 = arith.constant 0 : i32
      %dma_start3A_472 = tpu.memref_slice %arg3[%dma_start3A_470, %dma_start3A_471] : memref<1000000x64xf32, #tpu.memory_space<hbm>> -> memref<1000000x64xf32, #tpu.memory_space<hbm>>
      tpu.enqueue_indirect_dma source(%dma_start3A_472 : memref<1000000x64xf32, #tpu.memory_space<hbm>>) target(%arg11 : memref<128x64xf32, #tpu.memory_space<vmem>>) offsets(%dma_start3A_469 : memref<128xi32, #tpu.memory_space<vmem>>) semaphore(%arg18 : memref<!tpu.dma_semaphore, #tpu.memory_space<semaphore_mem>>)
      %dma_wait3A_473 = arith.constant 0 : i32
      %dma_wait3A_474 = tpu.memref_slice %arg5[%add3A_454, %dma_wait3A_473] : memref<256x128xi32, #tpu.memory_space<vmem>> -> memref<1x128xi32, #tpu.memory_space<vmem>>
      %dma_wait3A_475 = tpu.memref_squeeze %dma_wait3A_474 : memref<1x128xi32, #tpu.memory_space<vmem>> -> memref<128xi32, #tpu.memory_space<vmem>>
      %dma_wait3A_476 = arith.constant 0 : i32
      %dma_wait3A_477 = arith.constant 0 : i32
      %dma_wait3A_478 = tpu.memref_slice %arg3[%dma_wait3A_476, %dma_wait3A_477] : memref<1000000x64xf32, #tpu.memory_space<hbm>> -> memref<1000000x64xf32, #tpu.memory_space<hbm>>
      tpu.wait_indirect_dma semaphore(%arg13 : memref<!tpu.dma_semaphore, #tpu.memory_space<semaphore_mem>>) src(%dma_wait3A_478 : memref<1000000x64xf32, #tpu.memory_space<hbm>>) dst(%arg6 : memref<128x64xf32, #tpu.memory_space<vmem>>)
      %broadcast_in_dim3A_479 = arith.constant 0.000000e+00 : f32
      %broadcast_in_dim3A_480 = vector.broadcast %broadcast_in_dim3A_479 : f32 to vector<16xf32>
      %broadcast_in_dim3A_481 = arith.constant 0.000000e+00 : f32
      %broadcast_in_dim3A_482 = vector.broadcast %broadcast_in_dim3A_481 : f32 to vector<16xf32>
      %broadcast_in_dim3A_483 = arith.constant 0.000000e+00 : f32
      %broadcast_in_dim3A_484 = vector.broadcast %broadcast_in_dim3A_483 : f32 to vector<16xf32>
      %broadcast_in_dim3A_485 = arith.constant 0.000000e+00 : f32
      %broadcast_in_dim3A_486 = vector.broadcast %broadcast_in_dim3A_485 : f32 to vector<16xf32>
      %broadcast_in_dim3A_487 = arith.constant 0.000000e+00 : f32
      %broadcast_in_dim3A_488 = vector.broadcast %broadcast_in_dim3A_487 : f32 to vector<16xf32>
      %broadcast_in_dim3A_489 = arith.constant 0.000000e+00 : f32
      %broadcast_in_dim3A_490 = vector.broadcast %broadcast_in_dim3A_489 : f32 to vector<16xf32>
      %broadcast_in_dim3A_491 = arith.constant 0.000000e+00 : f32
      %broadcast_in_dim3A_492 = vector.broadcast %broadcast_in_dim3A_491 : f32 to vector<16xf32>
      %broadcast_in_dim3A_493 = arith.constant 0.000000e+00 : f32
      %broadcast_in_dim3A_494 = vector.broadcast %broadcast_in_dim3A_493 : f32 to vector<16xf32>
      %scan3A_495 = arith.constant 0 : i32
      %scan3A_496 = arith.constant 50 : i32
      %scan3A_497 = arith.addi %scan3A_495, %scan3A_496 : i32
      %scan3A_498 = arith.constant 1 : i32
      %scan3A_499:8 = scf.for %scan3A_1357 = %scan3A_495 to %scan3A_497 step %scan3A_498 iter_args(%scan3A_1358 = %broadcast_in_dim3A_480, %scan3A_1359 = %broadcast_in_dim3A_482, %scan3A_1360 = %broadcast_in_dim3A_484, %scan3A_1361 = %broadcast_in_dim3A_486, %scan3A_1362 = %broadcast_in_dim3A_488, %scan3A_1363 = %broadcast_in_dim3A_490, %scan3A_1364 = %broadcast_in_dim3A_492, %scan3A_1365 = %broadcast_in_dim3A_494) -> (vector<16xf32>, vector<16xf32>, vector<16xf32>, vector<16xf32>, vector<16xf32>, vector<16xf32>, vector<16xf32>, vector<16xf32>)  : i32 {
        %add3A_1366 = arith.constant 0 : i32
        %add3A_1367 = arith.addi %add3A_1366, %scan3A_1357 : i32
        %get3A = arith.index_cast %add3A_1367 : i32 to index
        %get3A_1368 = arith.constant 0 : index
        %get3A_1369 = tpu.vector_load %arg6[%get3A, %get3A_1368] {strides = array<i32>} : memref<128x64xf32, #tpu.memory_space<vmem>>, vector<1x16xf32>,
        %get3A_1370 = vector.shape_cast %get3A_1369 : vector<1x16xf32> to vector<16xf32>
        %add3A_1371 = arith.addf %scan3A_1358, %get3A_1370 : vector<16xf32>
        %add3A_1372 = arith.constant 0 : i32
        %add3A_1373 = arith.addi %add3A_1372, %scan3A_1357 : i32
        %get3A_1374 = arith.index_cast %add3A_1373 : i32 to index
        %get3A_1375 = arith.constant 16 : index
        %get3A_1376 = tpu.vector_load %arg6[%get3A_1374, %get3A_1375] {strides = array<i32>} : memref<128x64xf32, #tpu.memory_space<vmem>>, vector<1x16xf32>,
        %get3A_1377 = vector.shape_cast %get3A_1376 : vector<1x16xf32> to vector<16xf32>
        %add3A_1378 = arith.addf %scan3A_1359, %get3A_1377 : vector<16xf32>
        %add3A_1379 = arith.constant 0 : i32
        %add3A_1380 = arith.addi %add3A_1379, %scan3A_1357 : i32
        %get3A_1381 = arith.index_cast %add3A_1380 : i32 to index
        %get3A_1382 = arith.constant 32 : index
        %get3A_1383 = tpu.vector_load %arg6[%get3A_1381, %get3A_1382] {strides = array<i32>} : memref<128x64xf32, #tpu.memory_space<vmem>>, vector<1x16xf32>,
        %get3A_1384 = vector.shape_cast %get3A_1383 : vector<1x16xf32> to vector<16xf32>
        %add3A_1385 = arith.addf %scan3A_1360, %get3A_1384 : vector<16xf32>
        %add3A_1386 = arith.constant 0 : i32
        %add3A_1387 = arith.addi %add3A_1386, %scan3A_1357 : i32
        %get3A_1388 = arith.index_cast %add3A_1387 : i32 to index
        %get3A_1389 = arith.constant 48 : index
        %get3A_1390 = tpu.vector_load %arg6[%get3A_1388, %get3A_1389] {strides = array<i32>} : memref<128x64xf32, #tpu.memory_space<vmem>>, vector<1x16xf32>,
        %get3A_1391 = vector.shape_cast %get3A_1390 : vector<1x16xf32> to vector<16xf32>
        %add3A_1392 = arith.addf %scan3A_1361, %get3A_1391 : vector<16xf32>
        %add3A_1393 = arith.constant 50 : i32
        %add3A_1394 = arith.addi %add3A_1393, %scan3A_1357 : i32
        %get3A_1395 = arith.index_cast %add3A_1394 : i32 to index
        %get3A_1396 = arith.constant 0 : index
        %get3A_1397 = tpu.vector_load %arg6[%get3A_1395, %get3A_1396] {strides = array<i32>} : memref<128x64xf32, #tpu.memory_space<vmem>>, vector<1x16xf32>,
        %get3A_1398 = vector.shape_cast %get3A_1397 : vector<1x16xf32> to vector<16xf32>
        %add3A_1399 = arith.addf %scan3A_1362, %get3A_1398 : vector<16xf32>
        %add3A_1400 = arith.constant 50 : i32
        %add3A_1401 = arith.addi %add3A_1400, %scan3A_1357 : i32
        %get3A_1402 = arith.index_cast %add3A_1401 : i32 to index
        %get3A_1403 = arith.constant 16 : index
        %get3A_1404 = tpu.vector_load %arg6[%get3A_1402, %get3A_1403] {strides = array<i32>} : memref<128x64xf32, #tpu.memory_space<vmem>>, vector<1x16xf32>,
        %get3A_1405 = vector.shape_cast %get3A_1404 : vector<1x16xf32> to vector<16xf32>
        %add3A_1406 = arith.addf %scan3A_1363, %get3A_1405 : vector<16xf32>
        %add3A_1407 = arith.constant 50 : i32
        %add3A_1408 = arith.addi %add3A_1407, %scan3A_1357 : i32
        %get3A_1409 = arith.index_cast %add3A_1408 : i32 to index
        %get3A_1410 = arith.constant 32 : index
        %get3A_1411 = tpu.vector_load %arg6[%get3A_1409, %get3A_1410] {strides = array<i32>} : memref<128x64xf32, #tpu.memory_space<vmem>>, vector<1x16xf32>,
        %get3A_1412 = vector.shape_cast %get3A_1411 : vector<1x16xf32> to vector<16xf32>
        %add3A_1413 = arith.addf %scan3A_1364, %get3A_1412 : vector<16xf32>
        %add3A_1414 = arith.constant 50 : i32
        %add3A_1415 = arith.addi %add3A_1414, %scan3A_1357 : i32
        %get3A_1416 = arith.index_cast %add3A_1415 : i32 to index
        %get3A_1417 = arith.constant 48 : index
        %get3A_1418 = tpu.vector_load %arg6[%get3A_1416, %get3A_1417] {strides = array<i32>} : memref<128x64xf32, #tpu.memory_space<vmem>>, vector<1x16xf32>,
        %get3A_1419 = vector.shape_cast %get3A_1418 : vector<1x16xf32> to vector<16xf32>
        %add3A_1420 = arith.addf %scan3A_1365, %get3A_1419 : vector<16xf32>
        scf.yield %add3A_1371, %add3A_1378, %add3A_1385, %add3A_1392, %add3A_1399, %add3A_1406, %add3A_1413, %add3A_1420 : vector<16xf32>, vector<16xf32>, vector<16xf32>, vector<16xf32>, vector<16xf32>, vector<16xf32>, vector<16xf32>, vector<16xf32>
      }
      %scan3A_500 = arith.constant 50 : i32
      %mul3A_501 = arith.constant 2.000000e-02 : f32
      %mul3A_502 = vector.broadcast %mul3A_501 : f32 to vector<16xf32>
      %mul3A_503 = arith.mulf %scan3A_499#0, %mul3A_502 : vector<16xf32>
      %mul3A_504 = arith.constant 2 : i32
      %mul3A_505 = arith.muli %add3A_454, %mul3A_504 : i32
      %add3A_506 = arith.constant 0 : i32
      %add3A_507 = arith.addi %mul3A_505, %add3A_506 : i32
      %swap3A_508 = arith.index_cast %add3A_507 : i32 to index
      %swap3A_509 = arith.constant 0 : index
      %swap3A_510 = tpu.vector_load %arg12[%swap3A_508, %swap3A_509] {strides = array<i32>} : memref<512x64xf32, #tpu.memory_space<vmem>>, vector<1x16xf32>,
      %swap3A_511 = vector.shape_cast %swap3A_510 : vector<1x16xf32> to vector<16xf32>
      %swap3A_512 = vector.shape_cast %mul3A_503 : vector<16xf32> to vector<1x16xf32>
      tpu.vector_store %arg12[%swap3A_508, %swap3A_509], %swap3A_512 {strides = array<i32>} : memref<512x64xf32, #tpu.memory_space<vmem>>, vector<1x16xf32>,
      %mul3A_513 = arith.constant 2.000000e-02 : f32
      %mul3A_514 = vector.broadcast %mul3A_513 : f32 to vector<16xf32>
      %mul3A_515 = arith.mulf %scan3A_499#1, %mul3A_514 : vector<16xf32>
      %mul3A_516 = arith.constant 2 : i32
      %mul3A_517 = arith.muli %add3A_454, %mul3A_516 : i32
      %add3A_518 = arith.constant 0 : i32
      %add3A_519 = arith.addi %mul3A_517, %add3A_518 : i32
      %swap3A_520 = arith.index_cast %add3A_519 : i32 to index
      %swap3A_521 = arith.constant 16 : index
      %swap3A_522 = tpu.vector_load %arg12[%swap3A_520, %swap3A_521] {strides = array<i32>} : memref<512x64xf32, #tpu.memory_space<vmem>>, vector<1x16xf32>,
      %swap3A_523 = vector.shape_cast %swap3A_522 : vector<1x16xf32> to vector<16xf32>
      %swap3A_524 = vector.shape_cast %mul3A_515 : vector<16xf32> to vector<1x16xf32>
      tpu.vector_store %arg12[%swap3A_520, %swap3A_521], %swap3A_524 {strides = array<i32>} : memref<512x64xf32, #tpu.memory_space<vmem>>, vector<1x16xf32>,
      %mul3A_525 = arith.constant 2.000000e-02 : f32
      %mul3A_526 = vector.broadcast %mul3A_525 : f32 to vector<16xf32>
      %mul3A_527 = arith.mulf %scan3A_499#2, %mul3A_526 : vector<16xf32>
      %mul3A_528 = arith.constant 2 : i32
      %mul3A_529 = arith.muli %add3A_454, %mul3A_528 : i32
      %add3A_530 = arith.constant 0 : i32
      %add3A_531 = arith.addi %mul3A_529, %add3A_530 : i32
      %swap3A_532 = arith.index_cast %add3A_531 : i32 to index
      %swap3A_533 = arith.constant 32 : index
      %swap3A_534 = tpu.vector_load %arg12[%swap3A_532, %swap3A_533] {strides = array<i32>} : memref<512x64xf32, #tpu.memory_space<vmem>>, vector<1x16xf32>,
      %swap3A_535 = vector.shape_cast %swap3A_534 : vector<1x16xf32> to vector<16xf32>
      %swap3A_536 = vector.shape_cast %mul3A_527 : vector<16xf32> to vector<1x16xf32>
      tpu.vector_store %arg12[%swap3A_532, %swap3A_533], %swap3A_536 {strides = array<i32>} : memref<512x64xf32, #tpu.memory_space<vmem>>, vector<1x16xf32>,
      %mul3A_537 = arith.constant 2.000000e-02 : f32
      %mul3A_538 = vector.broadcast %mul3A_537 : f32 to vector<16xf32>
      %mul3A_539 = arith.mulf %scan3A_499#3, %mul3A_538 : vector<16xf32>
      %mul3A_540 = arith.constant 2 : i32
      %mul3A_541 = arith.muli %add3A_454, %mul3A_540 : i32
      %add3A_542 = arith.constant 0 : i32
      %add3A_543 = arith.addi %mul3A_541, %add3A_542 : i32
      %swap3A_544 = arith.index_cast %add3A_543 : i32 to index
      %swap3A_545 = arith.constant 48 : index
      %swap3A_546 = tpu.vector_load %arg12[%swap3A_544, %swap3A_545] {strides = array<i32>} : memref<512x64xf32, #tpu.memory_space<vmem>>, vector<1x16xf32>,
      %swap3A_547 = vector.shape_cast %swap3A_546 : vector<1x16xf32> to vector<16xf32>
      %swap3A_548 = vector.shape_cast %mul3A_539 : vector<16xf32> to vector<1x16xf32>
      tpu.vector_store %arg12[%swap3A_544, %swap3A_545], %swap3A_548 {strides = array<i32>} : memref<512x64xf32, #tpu.memory_space<vmem>>, vector<1x16xf32>,
      %mul3A_549 = arith.constant 2.000000e-02 : f32
      %mul3A_550 = vector.broadcast %mul3A_549 : f32 to vector<16xf32>
      %mul3A_551 = arith.mulf %scan3A_499#4, %mul3A_550 : vector<16xf32>
      %mul3A_552 = arith.constant 2 : i32
      %mul3A_553 = arith.muli %add3A_454, %mul3A_552 : i32
      %add3A_554 = arith.constant 1 : i32
      %add3A_555 = arith.addi %mul3A_553, %add3A_554 : i32
      %swap3A_556 = arith.index_cast %add3A_555 : i32 to index
      %swap3A_557 = arith.constant 0 : index
      %swap3A_558 = tpu.vector_load %arg12[%swap3A_556, %swap3A_557] {strides = array<i32>} : memref<512x64xf32, #tpu.memory_space<vmem>>, vector<1x16xf32>,
      %swap3A_559 = vector.shape_cast %swap3A_558 : vector<1x16xf32> to vector<16xf32>
      %swap3A_560 = vector.shape_cast %mul3A_551 : vector<16xf32> to vector<1x16xf32>
      tpu.vector_store %arg12[%swap3A_556, %swap3A_557], %swap3A_560 {strides = array<i32>} : memref<512x64xf32, #tpu.memory_space<vmem>>, vector<1x16xf32>,
      %mul3A_561 = arith.constant 2.000000e-02 : f32
      %mul3A_562 = vector.broadcast %mul3A_561 : f32 to vector<16xf32>
      %mul3A_563 = arith.mulf %scan3A_499#5, %mul3A_562 : vector<16xf32>
      %mul3A_564 = arith.constant 2 : i32
      %mul3A_565 = arith.muli %add3A_454, %mul3A_564 : i32
      %add3A_566 = arith.constant 1 : i32
      %add3A_567 = arith.addi %mul3A_565, %add3A_566 : i32
      %swap3A_568 = arith.index_cast %add3A_567 : i32 to index
      %swap3A_569 = arith.constant 16 : index
      %swap3A_570 = tpu.vector_load %arg12[%swap3A_568, %swap3A_569] {strides = array<i32>} : memref<512x64xf32, #tpu.memory_space<vmem>>, vector<1x16xf32>,
      %swap3A_571 = vector.shape_cast %swap3A_570 : vector<1x16xf32> to vector<16xf32>
      %swap3A_572 = vector.shape_cast %mul3A_563 : vector<16xf32> to vector<1x16xf32>
      tpu.vector_store %arg12[%swap3A_568, %swap3A_569], %swap3A_572 {strides = array<i32>} : memref<512x64xf32, #tpu.memory_space<vmem>>, vector<1x16xf32>,
      %mul3A_573 = arith.constant 2.000000e-02 : f32
      %mul3A_574 = vector.broadcast %mul3A_573 : f32 to vector<16xf32>
      %mul3A_575 = arith.mulf %scan3A_499#6, %mul3A_574 : vector<16xf32>
      %mul3A_576 = arith.constant 2 : i32
      %mul3A_577 = arith.muli %add3A_454, %mul3A_576 : i32
      %add3A_578 = arith.constant 1 : i32
      %add3A_579 = arith.addi %mul3A_577, %add3A_578 : i32
      %swap3A_580 = arith.index_cast %add3A_579 : i32 to index
      %swap3A_581 = arith.constant 32 : index
      %swap3A_582 = tpu.vector_load %arg12[%swap3A_580, %swap3A_581] {strides = array<i32>} : memref<512x64xf32, #tpu.memory_space<vmem>>, vector<1x16xf32>,
      %swap3A_583 = vector.shape_cast %swap3A_582 : vector<1x16xf32> to vector<16xf32>
      %swap3A_584 = vector.shape_cast %mul3A_575 : vector<16xf32> to vector<1x16xf32>
      tpu.vector_store %arg12[%swap3A_580, %swap3A_581], %swap3A_584 {strides = array<i32>} : memref<512x64xf32, #tpu.memory_space<vmem>>, vector<1x16xf32>,
      %mul3A_585 = arith.constant 2.000000e-02 : f32
      %mul3A_586 = vector.broadcast %mul3A_585 : f32 to vector<16xf32>
      %mul3A_587 = arith.mulf %scan3A_499#7, %mul3A_586 : vector<16xf32>
      %mul3A_588 = arith.constant 2 : i32
      %mul3A_589 = arith.muli %add3A_454, %mul3A_588 : i32
      %add3A_590 = arith.constant 1 : i32
      %add3A_591 = arith.addi %mul3A_589, %add3A_590 : i32
      %swap3A_592 = arith.index_cast %add3A_591 : i32 to index
      %swap3A_593 = arith.constant 48 : index
      %swap3A_594 = tpu.vector_load %arg12[%swap3A_592, %swap3A_593] {strides = array<i32>} : memref<512x64xf32, #tpu.memory_space<vmem>>, vector<1x16xf32>,
      %swap3A_595 = vector.shape_cast %swap3A_594 : vector<1x16xf32> to vector<16xf32>
      %swap3A_596 = vector.shape_cast %mul3A_587 : vector<16xf32> to vector<1x16xf32>
      tpu.vector_store %arg12[%swap3A_592, %swap3A_593], %swap3A_596 {strides = array<i32>} : memref<512x64xf32, #tpu.memory_space<vmem>>, vector<1x16xf32>,
      %add3A_597 = arith.constant 1 : i32
      %add3A_598 = arith.addi %mul3A_452, %add3A_597 : i32
      %add3A_599 = arith.constant 6 : i32
      %add3A_600 = arith.addi %add3A_598, %add3A_599 : i32
      %sub3A_601 = arith.constant 1 : i32
      %sub3A_602 = arith.subi %add3A_600, %sub3A_601 : i32
      %jit3A_603 = arith.constant 256 : i32
      %eq3A_604 = arith.constant 0 : i32
      %eq3A_605 = arith.cmpi eq, %jit3A_603, %eq3A_604 : i32
      %jit3A_606 = arith.constant 1 : i32
      %select_n3A_607 = arith.select %eq3A_605, %jit3A_606, %jit3A_603 : i32
      %rem3A_608 = arith.remsi %sub3A_602, %select_n3A_607 : i32
      %ne3A_609 = arith.constant 0 : i32
      %ne3A_610 = arith.cmpi ne, %rem3A_608, %ne3A_609 : i32
      %lt3A_611 = arith.constant 0 : i32
      %lt3A_612 = arith.cmpi slt, %rem3A_608, %lt3A_611 : i32
      %lt3A_613 = arith.constant 0 : i32
      %lt3A_614 = arith.cmpi slt, %select_n3A_607, %lt3A_613 : i32
      %ne3A_615 = arith.xori %lt3A_612, %lt3A_614 : i1
      %and3A_616 = arith.andi %ne3A_615, %ne3A_610 : i1
      %add3A_617 = arith.addi %rem3A_608, %select_n3A_607 : i32
      %select_n3A_618 = arith.select %and3A_616, %add3A_617, %rem3A_608 : i32
      %dma_start3A_619 = arith.constant 0 : i32
      %dma_start3A_620 = tpu.memref_slice %arg5[%select_n3A_618, %dma_start3A_619] : memref<256x128xi32, #tpu.memory_space<vmem>> -> memref<1x128xi32, #tpu.memory_space<vmem>>
      %dma_start3A_621 = tpu.memref_squeeze %dma_start3A_620 : memref<1x128xi32, #tpu.memory_space<vmem>> -> memref<128xi32, #tpu.memory_space<vmem>>
      %dma_start3A_622 = arith.constant 0 : i32
      %dma_start3A_623 = arith.constant 0 : i32
      %dma_start3A_624 = tpu.memref_slice %arg3[%dma_start3A_622, %dma_start3A_623] : memref<1000000x64xf32, #tpu.memory_space<hbm>> -> memref<1000000x64xf32, #tpu.memory_space<hbm>>
      tpu.enqueue_indirect_dma source(%dma_start3A_624 : memref<1000000x64xf32, #tpu.memory_space<hbm>>) target(%arg6 : memref<128x64xf32, #tpu.memory_space<vmem>>) offsets(%dma_start3A_621 : memref<128xi32, #tpu.memory_space<vmem>>) semaphore(%arg13 : memref<!tpu.dma_semaphore, #tpu.memory_space<semaphore_mem>>)
      %dma_wait3A_625 = arith.constant 0 : i32
      %dma_wait3A_626 = tpu.memref_slice %arg5[%add3A_598, %dma_wait3A_625] : memref<256x128xi32, #tpu.memory_space<vmem>> -> memref<1x128xi32, #tpu.memory_space<vmem>>
      %dma_wait3A_627 = tpu.memref_squeeze %dma_wait3A_626 : memref<1x128xi32, #tpu.memory_space<vmem>> -> memref<128xi32, #tpu.memory_space<vmem>>
      %dma_wait3A_628 = arith.constant 0 : i32
      %dma_wait3A_629 = arith.constant 0 : i32
      %dma_wait3A_630 = tpu.memref_slice %arg3[%dma_wait3A_628, %dma_wait3A_629] : memref<1000000x64xf32, #tpu.memory_space<hbm>> -> memref<1000000x64xf32, #tpu.memory_space<hbm>>
      tpu.wait_indirect_dma semaphore(%arg14 : memref<!tpu.dma_semaphore, #tpu.memory_space<semaphore_mem>>) src(%dma_wait3A_630 : memref<1000000x64xf32, #tpu.memory_space<hbm>>) dst(%arg7 : memref<128x64xf32, #tpu.memory_space<vmem>>)
      %broadcast_in_dim3A_631 = arith.constant 0.000000e+00 : f32
      %broadcast_in_dim3A_632 = vector.broadcast %broadcast_in_dim3A_631 : f32 to vector<16xf32>
      %broadcast_in_dim3A_633 = arith.constant 0.000000e+00 : f32
      %broadcast_in_dim3A_634 = vector.broadcast %broadcast_in_dim3A_633 : f32 to vector<16xf32>
      %broadcast_in_dim3A_635 = arith.constant 0.000000e+00 : f32
      %broadcast_in_dim3A_636 = vector.broadcast %broadcast_in_dim3A_635 : f32 to vector<16xf32>
      %broadcast_in_dim3A_637 = arith.constant 0.000000e+00 : f32
      %broadcast_in_dim3A_638 = vector.broadcast %broadcast_in_dim3A_637 : f32 to vector<16xf32>
      %broadcast_in_dim3A_639 = arith.constant 0.000000e+00 : f32
      %broadcast_in_dim3A_640 = vector.broadcast %broadcast_in_dim3A_639 : f32 to vector<16xf32>
      %broadcast_in_dim3A_641 = arith.constant 0.000000e+00 : f32
      %broadcast_in_dim3A_642 = vector.broadcast %broadcast_in_dim3A_641 : f32 to vector<16xf32>
      %broadcast_in_dim3A_643 = arith.constant 0.000000e+00 : f32
      %broadcast_in_dim3A_644 = vector.broadcast %broadcast_in_dim3A_643 : f32 to vector<16xf32>
      %broadcast_in_dim3A_645 = arith.constant 0.000000e+00 : f32
      %broadcast_in_dim3A_646 = vector.broadcast %broadcast_in_dim3A_645 : f32 to vector<16xf32>
      %scan3A_647 = arith.constant 0 : i32
      %scan3A_648 = arith.constant 50 : i32
      %scan3A_649 = arith.addi %scan3A_647, %scan3A_648 : i32
      %scan3A_650 = arith.constant 1 : i32
      %scan3A_651:8 = scf.for %scan3A_1357 = %scan3A_647 to %scan3A_649 step %scan3A_650 iter_args(%scan3A_1358 = %broadcast_in_dim3A_632, %scan3A_1359 = %broadcast_in_dim3A_634, %scan3A_1360 = %broadcast_in_dim3A_636, %scan3A_1361 = %broadcast_in_dim3A_638, %scan3A_1362 = %broadcast_in_dim3A_640, %scan3A_1363 = %broadcast_in_dim3A_642, %scan3A_1364 = %broadcast_in_dim3A_644, %scan3A_1365 = %broadcast_in_dim3A_646) -> (vector<16xf32>, vector<16xf32>, vector<16xf32>, vector<16xf32>, vector<16xf32>, vector<16xf32>, vector<16xf32>, vector<16xf32>)  : i32 {
        %add3A_1366 = arith.constant 0 : i32
        %add3A_1367 = arith.addi %add3A_1366, %scan3A_1357 : i32
        %get3A = arith.index_cast %add3A_1367 : i32 to index
        %get3A_1368 = arith.constant 0 : index
        %get3A_1369 = tpu.vector_load %arg7[%get3A, %get3A_1368] {strides = array<i32>} : memref<128x64xf32, #tpu.memory_space<vmem>>, vector<1x16xf32>,
        %get3A_1370 = vector.shape_cast %get3A_1369 : vector<1x16xf32> to vector<16xf32>
        %add3A_1371 = arith.addf %scan3A_1358, %get3A_1370 : vector<16xf32>
        %add3A_1372 = arith.constant 0 : i32
        %add3A_1373 = arith.addi %add3A_1372, %scan3A_1357 : i32
        %get3A_1374 = arith.index_cast %add3A_1373 : i32 to index
        %get3A_1375 = arith.constant 16 : index
        %get3A_1376 = tpu.vector_load %arg7[%get3A_1374, %get3A_1375] {strides = array<i32>} : memref<128x64xf32, #tpu.memory_space<vmem>>, vector<1x16xf32>,
        %get3A_1377 = vector.shape_cast %get3A_1376 : vector<1x16xf32> to vector<16xf32>
        %add3A_1378 = arith.addf %scan3A_1359, %get3A_1377 : vector<16xf32>
        %add3A_1379 = arith.constant 0 : i32
        %add3A_1380 = arith.addi %add3A_1379, %scan3A_1357 : i32
        %get3A_1381 = arith.index_cast %add3A_1380 : i32 to index
        %get3A_1382 = arith.constant 32 : index
        %get3A_1383 = tpu.vector_load %arg7[%get3A_1381, %get3A_1382] {strides = array<i32>} : memref<128x64xf32, #tpu.memory_space<vmem>>, vector<1x16xf32>,
        %get3A_1384 = vector.shape_cast %get3A_1383 : vector<1x16xf32> to vector<16xf32>
        %add3A_1385 = arith.addf %scan3A_1360, %get3A_1384 : vector<16xf32>
        %add3A_1386 = arith.constant 0 : i32
        %add3A_1387 = arith.addi %add3A_1386, %scan3A_1357 : i32
        %get3A_1388 = arith.index_cast %add3A_1387 : i32 to index
        %get3A_1389 = arith.constant 48 : index
        %get3A_1390 = tpu.vector_load %arg7[%get3A_1388, %get3A_1389] {strides = array<i32>} : memref<128x64xf32, #tpu.memory_space<vmem>>, vector<1x16xf32>,
        %get3A_1391 = vector.shape_cast %get3A_1390 : vector<1x16xf32> to vector<16xf32>
        %add3A_1392 = arith.addf %scan3A_1361, %get3A_1391 : vector<16xf32>
        %add3A_1393 = arith.constant 50 : i32
        %add3A_1394 = arith.addi %add3A_1393, %scan3A_1357 : i32
        %get3A_1395 = arith.index_cast %add3A_1394 : i32 to index
        %get3A_1396 = arith.constant 0 : index
        %get3A_1397 = tpu.vector_load %arg7[%get3A_1395, %get3A_1396] {strides = array<i32>} : memref<128x64xf32, #tpu.memory_space<vmem>>, vector<1x16xf32>,
        %get3A_1398 = vector.shape_cast %get3A_1397 : vector<1x16xf32> to vector<16xf32>
        %add3A_1399 = arith.addf %scan3A_1362, %get3A_1398 : vector<16xf32>
        %add3A_1400 = arith.constant 50 : i32
        %add3A_1401 = arith.addi %add3A_1400, %scan3A_1357 : i32
        %get3A_1402 = arith.index_cast %add3A_1401 : i32 to index
        %get3A_1403 = arith.constant 16 : index
        %get3A_1404 = tpu.vector_load %arg7[%get3A_1402, %get3A_1403] {strides = array<i32>} : memref<128x64xf32, #tpu.memory_space<vmem>>, vector<1x16xf32>,
        %get3A_1405 = vector.shape_cast %get3A_1404 : vector<1x16xf32> to vector<16xf32>
        %add3A_1406 = arith.addf %scan3A_1363, %get3A_1405 : vector<16xf32>
        %add3A_1407 = arith.constant 50 : i32
        %add3A_1408 = arith.addi %add3A_1407, %scan3A_1357 : i32
        %get3A_1409 = arith.index_cast %add3A_1408 : i32 to index
        %get3A_1410 = arith.constant 32 : index
        %get3A_1411 = tpu.vector_load %arg7[%get3A_1409, %get3A_1410] {strides = array<i32>} : memref<128x64xf32, #tpu.memory_space<vmem>>, vector<1x16xf32>,
        %get3A_1412 = vector.shape_cast %get3A_1411 : vector<1x16xf32> to vector<16xf32>
        %add3A_1413 = arith.addf %scan3A_1364, %get3A_1412 : vector<16xf32>
        %add3A_1414 = arith.constant 50 : i32
        %add3A_1415 = arith.addi %add3A_1414, %scan3A_1357 : i32
        %get3A_1416 = arith.index_cast %add3A_1415 : i32 to index
        %get3A_1417 = arith.constant 48 : index
        %get3A_1418 = tpu.vector_load %arg7[%get3A_1416, %get3A_1417] {strides = array<i32>} : memref<128x64xf32, #tpu.memory_space<vmem>>, vector<1x16xf32>,
        %get3A_1419 = vector.shape_cast %get3A_1418 : vector<1x16xf32> to vector<16xf32>
        %add3A_1420 = arith.addf %scan3A_1365, %get3A_1419 : vector<16xf32>
        scf.yield %add3A_1371, %add3A_1378, %add3A_1385, %add3A_1392, %add3A_1399, %add3A_1406, %add3A_1413, %add3A_1420 : vector<16xf32>, vector<16xf32>, vector<16xf32>, vector<16xf32>, vector<16xf32>, vector<16xf32>, vector<16xf32>, vector<16xf32>
      }
      %scan3A_652 = arith.constant 50 : i32
      %mul3A_653 = arith.constant 2.000000e-02 : f32
      %mul3A_654 = vector.broadcast %mul3A_653 : f32 to vector<16xf32>
      %mul3A_655 = arith.mulf %scan3A_651#0, %mul3A_654 : vector<16xf32>
      %mul3A_656 = arith.constant 2 : i32
      %mul3A_657 = arith.muli %add3A_598, %mul3A_656 : i32
      %add3A_658 = arith.constant 0 : i32
      %add3A_659 = arith.addi %mul3A_657, %add3A_658 : i32
      %swap3A_660 = arith.index_cast %add3A_659 : i32 to index
      %swap3A_661 = arith.constant 0 : index
      %swap3A_662 = tpu.vector_load %arg12[%swap3A_660, %swap3A_661] {strides = array<i32>} : memref<512x64xf32, #tpu.memory_space<vmem>>, vector<1x16xf32>,
      %swap3A_663 = vector.shape_cast %swap3A_662 : vector<1x16xf32> to vector<16xf32>
      %swap3A_664 = vector.shape_cast %mul3A_655 : vector<16xf32> to vector<1x16xf32>
      tpu.vector_store %arg12[%swap3A_660, %swap3A_661], %swap3A_664 {strides = array<i32>} : memref<512x64xf32, #tpu.memory_space<vmem>>, vector<1x16xf32>,
      %mul3A_665 = arith.constant 2.000000e-02 : f32
      %mul3A_666 = vector.broadcast %mul3A_665 : f32 to vector<16xf32>
      %mul3A_667 = arith.mulf %scan3A_651#1, %mul3A_666 : vector<16xf32>
      %mul3A_668 = arith.constant 2 : i32
      %mul3A_669 = arith.muli %add3A_598, %mul3A_668 : i32
      %add3A_670 = arith.constant 0 : i32
      %add3A_671 = arith.addi %mul3A_669, %add3A_670 : i32
      %swap3A_672 = arith.index_cast %add3A_671 : i32 to index
      %swap3A_673 = arith.constant 16 : index
      %swap3A_674 = tpu.vector_load %arg12[%swap3A_672, %swap3A_673] {strides = array<i32>} : memref<512x64xf32, #tpu.memory_space<vmem>>, vector<1x16xf32>,
      %swap3A_675 = vector.shape_cast %swap3A_674 : vector<1x16xf32> to vector<16xf32>
      %swap3A_676 = vector.shape_cast %mul3A_667 : vector<16xf32> to vector<1x16xf32>
      tpu.vector_store %arg12[%swap3A_672, %swap3A_673], %swap3A_676 {strides = array<i32>} : memref<512x64xf32, #tpu.memory_space<vmem>>, vector<1x16xf32>,
      %mul3A_677 = arith.constant 2.000000e-02 : f32
      %mul3A_678 = vector.broadcast %mul3A_677 : f32 to vector<16xf32>
      %mul3A_679 = arith.mulf %scan3A_651#2, %mul3A_678 : vector<16xf32>
      %mul3A_680 = arith.constant 2 : i32
      %mul3A_681 = arith.muli %add3A_598, %mul3A_680 : i32
      %add3A_682 = arith.constant 0 : i32
      %add3A_683 = arith.addi %mul3A_681, %add3A_682 : i32
      %swap3A_684 = arith.index_cast %add3A_683 : i32 to index
      %swap3A_685 = arith.constant 32 : index
      %swap3A_686 = tpu.vector_load %arg12[%swap3A_684, %swap3A_685] {strides = array<i32>} : memref<512x64xf32, #tpu.memory_space<vmem>>, vector<1x16xf32>,
      %swap3A_687 = vector.shape_cast %swap3A_686 : vector<1x16xf32> to vector<16xf32>
      %swap3A_688 = vector.shape_cast %mul3A_679 : vector<16xf32> to vector<1x16xf32>
      tpu.vector_store %arg12[%swap3A_684, %swap3A_685], %swap3A_688 {strides = array<i32>} : memref<512x64xf32, #tpu.memory_space<vmem>>, vector<1x16xf32>,
      %mul3A_689 = arith.constant 2.000000e-02 : f32
      %mul3A_690 = vector.broadcast %mul3A_689 : f32 to vector<16xf32>
      %mul3A_691 = arith.mulf %scan3A_651#3, %mul3A_690 : vector<16xf32>
      %mul3A_692 = arith.constant 2 : i32
      %mul3A_693 = arith.muli %add3A_598, %mul3A_692 : i32
      %add3A_694 = arith.constant 0 : i32
      %add3A_695 = arith.addi %mul3A_693, %add3A_694 : i32
      %swap3A_696 = arith.index_cast %add3A_695 : i32 to index
      %swap3A_697 = arith.constant 48 : index
      %swap3A_698 = tpu.vector_load %arg12[%swap3A_696, %swap3A_697] {strides = array<i32>} : memref<512x64xf32, #tpu.memory_space<vmem>>, vector<1x16xf32>,
      %swap3A_699 = vector.shape_cast %swap3A_698 : vector<1x16xf32> to vector<16xf32>
      %swap3A_700 = vector.shape_cast %mul3A_691 : vector<16xf32> to vector<1x16xf32>
      tpu.vector_store %arg12[%swap3A_696, %swap3A_697], %swap3A_700 {strides = array<i32>} : memref<512x64xf32, #tpu.memory_space<vmem>>, vector<1x16xf32>,
      %mul3A_701 = arith.constant 2.000000e-02 : f32
      %mul3A_702 = vector.broadcast %mul3A_701 : f32 to vector<16xf32>
      %mul3A_703 = arith.mulf %scan3A_651#4, %mul3A_702 : vector<16xf32>
      %mul3A_704 = arith.constant 2 : i32
      %mul3A_705 = arith.muli %add3A_598, %mul3A_704 : i32
      %add3A_706 = arith.constant 1 : i32
      %add3A_707 = arith.addi %mul3A_705, %add3A_706 : i32
      %swap3A_708 = arith.index_cast %add3A_707 : i32 to index
      %swap3A_709 = arith.constant 0 : index
      %swap3A_710 = tpu.vector_load %arg12[%swap3A_708, %swap3A_709] {strides = array<i32>} : memref<512x64xf32, #tpu.memory_space<vmem>>, vector<1x16xf32>,
      %swap3A_711 = vector.shape_cast %swap3A_710 : vector<1x16xf32> to vector<16xf32>
      %swap3A_712 = vector.shape_cast %mul3A_703 : vector<16xf32> to vector<1x16xf32>
      tpu.vector_store %arg12[%swap3A_708, %swap3A_709], %swap3A_712 {strides = array<i32>} : memref<512x64xf32, #tpu.memory_space<vmem>>, vector<1x16xf32>,
      %mul3A_713 = arith.constant 2.000000e-02 : f32
      %mul3A_714 = vector.broadcast %mul3A_713 : f32 to vector<16xf32>
      %mul3A_715 = arith.mulf %scan3A_651#5, %mul3A_714 : vector<16xf32>
      %mul3A_716 = arith.constant 2 : i32
      %mul3A_717 = arith.muli %add3A_598, %mul3A_716 : i32
      %add3A_718 = arith.constant 1 : i32
      %add3A_719 = arith.addi %mul3A_717, %add3A_718 : i32
      %swap3A_720 = arith.index_cast %add3A_719 : i32 to index
      %swap3A_721 = arith.constant 16 : index
      %swap3A_722 = tpu.vector_load %arg12[%swap3A_720, %swap3A_721] {strides = array<i32>} : memref<512x64xf32, #tpu.memory_space<vmem>>, vector<1x16xf32>,
      %swap3A_723 = vector.shape_cast %swap3A_722 : vector<1x16xf32> to vector<16xf32>
      %swap3A_724 = vector.shape_cast %mul3A_715 : vector<16xf32> to vector<1x16xf32>
      tpu.vector_store %arg12[%swap3A_720, %swap3A_721], %swap3A_724 {strides = array<i32>} : memref<512x64xf32, #tpu.memory_space<vmem>>, vector<1x16xf32>,
      %mul3A_725 = arith.constant 2.000000e-02 : f32
      %mul3A_726 = vector.broadcast %mul3A_725 : f32 to vector<16xf32>
      %mul3A_727 = arith.mulf %scan3A_651#6, %mul3A_726 : vector<16xf32>
      %mul3A_728 = arith.constant 2 : i32
      %mul3A_729 = arith.muli %add3A_598, %mul3A_728 : i32
      %add3A_730 = arith.constant 1 : i32
      %add3A_731 = arith.addi %mul3A_729, %add3A_730 : i32
      %swap3A_732 = arith.index_cast %add3A_731 : i32 to index
      %swap3A_733 = arith.constant 32 : index
      %swap3A_734 = tpu.vector_load %arg12[%swap3A_732, %swap3A_733] {strides = array<i32>} : memref<512x64xf32, #tpu.memory_space<vmem>>, vector<1x16xf32>,
      %swap3A_735 = vector.shape_cast %swap3A_734 : vector<1x16xf32> to vector<16xf32>
      %swap3A_736 = vector.shape_cast %mul3A_727 : vector<16xf32> to vector<1x16xf32>
      tpu.vector_store %arg12[%swap3A_732, %swap3A_733], %swap3A_736 {strides = array<i32>} : memref<512x64xf32, #tpu.memory_space<vmem>>, vector<1x16xf32>,
      %mul3A_737 = arith.constant 2.000000e-02 : f32
      %mul3A_738 = vector.broadcast %mul3A_737 : f32 to vector<16xf32>
      %mul3A_739 = arith.mulf %scan3A_651#7, %mul3A_738 : vector<16xf32>
      %mul3A_740 = arith.constant 2 : i32
      %mul3A_741 = arith.muli %add3A_598, %mul3A_740 : i32
      %add3A_742 = arith.constant 1 : i32
      %add3A_743 = arith.addi %mul3A_741, %add3A_742 : i32
      %swap3A_744 = arith.index_cast %add3A_743 : i32 to index
      %swap3A_745 = arith.constant 48 : index
      %swap3A_746 = tpu.vector_load %arg12[%swap3A_744, %swap3A_745] {strides = array<i32>} : memref<512x64xf32, #tpu.memory_space<vmem>>, vector<1x16xf32>,
      %swap3A_747 = vector.shape_cast %swap3A_746 : vector<1x16xf32> to vector<16xf32>
      %swap3A_748 = vector.shape_cast %mul3A_739 : vector<16xf32> to vector<1x16xf32>
      tpu.vector_store %arg12[%swap3A_744, %swap3A_745], %swap3A_748 {strides = array<i32>} : memref<512x64xf32, #tpu.memory_space<vmem>>, vector<1x16xf32>,
      %add3A_749 = arith.constant 2 : i32
      %add3A_750 = arith.addi %mul3A_452, %add3A_749 : i32
      %add3A_751 = arith.constant 6 : i32
      %add3A_752 = arith.addi %add3A_750, %add3A_751 : i32
      %sub3A_753 = arith.constant 1 : i32
      %sub3A_754 = arith.subi %add3A_752, %sub3A_753 : i32
      %jit3A_755 = arith.constant 256 : i32
      %eq3A_756 = arith.constant 0 : i32
      %eq3A_757 = arith.cmpi eq, %jit3A_755, %eq3A_756 : i32
      %jit3A_758 = arith.constant 1 : i32
      %select_n3A_759 = arith.select %eq3A_757, %jit3A_758, %jit3A_755 : i32
      %rem3A_760 = arith.remsi %sub3A_754, %select_n3A_759 : i32
      %ne3A_761 = arith.constant 0 : i32
      %ne3A_762 = arith.cmpi ne, %rem3A_760, %ne3A_761 : i32
      %lt3A_763 = arith.constant 0 : i32
      %lt3A_764 = arith.cmpi slt, %rem3A_760, %lt3A_763 : i32
      %lt3A_765 = arith.constant 0 : i32
      %lt3A_766 = arith.cmpi slt, %select_n3A_759, %lt3A_765 : i32
      %ne3A_767 = arith.xori %lt3A_764, %lt3A_766 : i1
      %and3A_768 = arith.andi %ne3A_767, %ne3A_762 : i1
      %add3A_769 = arith.addi %rem3A_760, %select_n3A_759 : i32
      %select_n3A_770 = arith.select %and3A_768, %add3A_769, %rem3A_760 : i32
      %dma_start3A_771 = arith.constant 0 : i32
      %dma_start3A_772 = tpu.memref_slice %arg5[%select_n3A_770, %dma_start3A_771] : memref<256x128xi32, #tpu.memory_space<vmem>> -> memref<1x128xi32, #tpu.memory_space<vmem>>
      %dma_start3A_773 = tpu.memref_squeeze %dma_start3A_772 : memref<1x128xi32, #tpu.memory_space<vmem>> -> memref<128xi32, #tpu.memory_space<vmem>>
      %dma_start3A_774 = arith.constant 0 : i32
      %dma_start3A_775 = arith.constant 0 : i32
      %dma_start3A_776 = tpu.memref_slice %arg3[%dma_start3A_774, %dma_start3A_775] : memref<1000000x64xf32, #tpu.memory_space<hbm>> -> memref<1000000x64xf32, #tpu.memory_space<hbm>>
      tpu.enqueue_indirect_dma source(%dma_start3A_776 : memref<1000000x64xf32, #tpu.memory_space<hbm>>) target(%arg7 : memref<128x64xf32, #tpu.memory_space<vmem>>) offsets(%dma_start3A_773 : memref<128xi32, #tpu.memory_space<vmem>>) semaphore(%arg14 : memref<!tpu.dma_semaphore, #tpu.memory_space<semaphore_mem>>)
      %dma_wait3A_777 = arith.constant 0 : i32
      %dma_wait3A_778 = tpu.memref_slice %arg5[%add3A_750, %dma_wait3A_777] : memref<256x128xi32, #tpu.memory_space<vmem>> -> memref<1x128xi32, #tpu.memory_space<vmem>>
      %dma_wait3A_779 = tpu.memref_squeeze %dma_wait3A_778 : memref<1x128xi32, #tpu.memory_space<vmem>> -> memref<128xi32, #tpu.memory_space<vmem>>
      %dma_wait3A_780 = arith.constant 0 : i32
      %dma_wait3A_781 = arith.constant 0 : i32
      %dma_wait3A_782 = tpu.memref_slice %arg3[%dma_wait3A_780, %dma_wait3A_781] : memref<1000000x64xf32, #tpu.memory_space<hbm>> -> memref<1000000x64xf32, #tpu.memory_space<hbm>>
      tpu.wait_indirect_dma semaphore(%arg15 : memref<!tpu.dma_semaphore, #tpu.memory_space<semaphore_mem>>) src(%dma_wait3A_782 : memref<1000000x64xf32, #tpu.memory_space<hbm>>) dst(%arg8 : memref<128x64xf32, #tpu.memory_space<vmem>>)
      %broadcast_in_dim3A_783 = arith.constant 0.000000e+00 : f32
      %broadcast_in_dim3A_784 = vector.broadcast %broadcast_in_dim3A_783 : f32 to vector<16xf32>
      %broadcast_in_dim3A_785 = arith.constant 0.000000e+00 : f32
      %broadcast_in_dim3A_786 = vector.broadcast %broadcast_in_dim3A_785 : f32 to vector<16xf32>
      %broadcast_in_dim3A_787 = arith.constant 0.000000e+00 : f32
      %broadcast_in_dim3A_788 = vector.broadcast %broadcast_in_dim3A_787 : f32 to vector<16xf32>
      %broadcast_in_dim3A_789 = arith.constant 0.000000e+00 : f32
      %broadcast_in_dim3A_790 = vector.broadcast %broadcast_in_dim3A_789 : f32 to vector<16xf32>
      %broadcast_in_dim3A_791 = arith.constant 0.000000e+00 : f32
      %broadcast_in_dim3A_792 = vector.broadcast %broadcast_in_dim3A_791 : f32 to vector<16xf32>
      %broadcast_in_dim3A_793 = arith.constant 0.000000e+00 : f32
      %broadcast_in_dim3A_794 = vector.broadcast %broadcast_in_dim3A_793 : f32 to vector<16xf32>
      %broadcast_in_dim3A_795 = arith.constant 0.000000e+00 : f32
      %broadcast_in_dim3A_796 = vector.broadcast %broadcast_in_dim3A_795 : f32 to vector<16xf32>
      %broadcast_in_dim3A_797 = arith.constant 0.000000e+00 : f32
      %broadcast_in_dim3A_798 = vector.broadcast %broadcast_in_dim3A_797 : f32 to vector<16xf32>
      %scan3A_799 = arith.constant 0 : i32
      %scan3A_800 = arith.constant 50 : i32
      %scan3A_801 = arith.addi %scan3A_799, %scan3A_800 : i32
      %scan3A_802 = arith.constant 1 : i32
      %scan3A_803:8 = scf.for %scan3A_1357 = %scan3A_799 to %scan3A_801 step %scan3A_802 iter_args(%scan3A_1358 = %broadcast_in_dim3A_784, %scan3A_1359 = %broadcast_in_dim3A_786, %scan3A_1360 = %broadcast_in_dim3A_788, %scan3A_1361 = %broadcast_in_dim3A_790, %scan3A_1362 = %broadcast_in_dim3A_792, %scan3A_1363 = %broadcast_in_dim3A_794, %scan3A_1364 = %broadcast_in_dim3A_796, %scan3A_1365 = %broadcast_in_dim3A_798) -> (vector<16xf32>, vector<16xf32>, vector<16xf32>, vector<16xf32>, vector<16xf32>, vector<16xf32>, vector<16xf32>, vector<16xf32>)  : i32 {
        %add3A_1366 = arith.constant 0 : i32
        %add3A_1367 = arith.addi %add3A_1366, %scan3A_1357 : i32
        %get3A = arith.index_cast %add3A_1367 : i32 to index
        %get3A_1368 = arith.constant 0 : index
        %get3A_1369 = tpu.vector_load %arg8[%get3A, %get3A_1368] {strides = array<i32>} : memref<128x64xf32, #tpu.memory_space<vmem>>, vector<1x16xf32>,
        %get3A_1370 = vector.shape_cast %get3A_1369 : vector<1x16xf32> to vector<16xf32>
        %add3A_1371 = arith.addf %scan3A_1358, %get3A_1370 : vector<16xf32>
        %add3A_1372 = arith.constant 0 : i32
        %add3A_1373 = arith.addi %add3A_1372, %scan3A_1357 : i32
        %get3A_1374 = arith.index_cast %add3A_1373 : i32 to index
        %get3A_1375 = arith.constant 16 : index
        %get3A_1376 = tpu.vector_load %arg8[%get3A_1374, %get3A_1375] {strides = array<i32>} : memref<128x64xf32, #tpu.memory_space<vmem>>, vector<1x16xf32>,
        %get3A_1377 = vector.shape_cast %get3A_1376 : vector<1x16xf32> to vector<16xf32>
        %add3A_1378 = arith.addf %scan3A_1359, %get3A_1377 : vector<16xf32>
        %add3A_1379 = arith.constant 0 : i32
        %add3A_1380 = arith.addi %add3A_1379, %scan3A_1357 : i32
        %get3A_1381 = arith.index_cast %add3A_1380 : i32 to index
        %get3A_1382 = arith.constant 32 : index
        %get3A_1383 = tpu.vector_load %arg8[%get3A_1381, %get3A_1382] {strides = array<i32>} : memref<128x64xf32, #tpu.memory_space<vmem>>, vector<1x16xf32>,
        %get3A_1384 = vector.shape_cast %get3A_1383 : vector<1x16xf32> to vector<16xf32>
        %add3A_1385 = arith.addf %scan3A_1360, %get3A_1384 : vector<16xf32>
        %add3A_1386 = arith.constant 0 : i32
        %add3A_1387 = arith.addi %add3A_1386, %scan3A_1357 : i32
        %get3A_1388 = arith.index_cast %add3A_1387 : i32 to index
        %get3A_1389 = arith.constant 48 : index
        %get3A_1390 = tpu.vector_load %arg8[%get3A_1388, %get3A_1389] {strides = array<i32>} : memref<128x64xf32, #tpu.memory_space<vmem>>, vector<1x16xf32>,
        %get3A_1391 = vector.shape_cast %get3A_1390 : vector<1x16xf32> to vector<16xf32>
        %add3A_1392 = arith.addf %scan3A_1361, %get3A_1391 : vector<16xf32>
        %add3A_1393 = arith.constant 50 : i32
        %add3A_1394 = arith.addi %add3A_1393, %scan3A_1357 : i32
        %get3A_1395 = arith.index_cast %add3A_1394 : i32 to index
        %get3A_1396 = arith.constant 0 : index
        %get3A_1397 = tpu.vector_load %arg8[%get3A_1395, %get3A_1396] {strides = array<i32>} : memref<128x64xf32, #tpu.memory_space<vmem>>, vector<1x16xf32>,
        %get3A_1398 = vector.shape_cast %get3A_1397 : vector<1x16xf32> to vector<16xf32>
        %add3A_1399 = arith.addf %scan3A_1362, %get3A_1398 : vector<16xf32>
        %add3A_1400 = arith.constant 50 : i32
        %add3A_1401 = arith.addi %add3A_1400, %scan3A_1357 : i32
        %get3A_1402 = arith.index_cast %add3A_1401 : i32 to index
        %get3A_1403 = arith.constant 16 : index
        %get3A_1404 = tpu.vector_load %arg8[%get3A_1402, %get3A_1403] {strides = array<i32>} : memref<128x64xf32, #tpu.memory_space<vmem>>, vector<1x16xf32>,
        %get3A_1405 = vector.shape_cast %get3A_1404 : vector<1x16xf32> to vector<16xf32>
        %add3A_1406 = arith.addf %scan3A_1363, %get3A_1405 : vector<16xf32>
        %add3A_1407 = arith.constant 50 : i32
        %add3A_1408 = arith.addi %add3A_1407, %scan3A_1357 : i32
        %get3A_1409 = arith.index_cast %add3A_1408 : i32 to index
        %get3A_1410 = arith.constant 32 : index
        %get3A_1411 = tpu.vector_load %arg8[%get3A_1409, %get3A_1410] {strides = array<i32>} : memref<128x64xf32, #tpu.memory_space<vmem>>, vector<1x16xf32>,
        %get3A_1412 = vector.shape_cast %get3A_1411 : vector<1x16xf32> to vector<16xf32>
        %add3A_1413 = arith.addf %scan3A_1364, %get3A_1412 : vector<16xf32>
        %add3A_1414 = arith.constant 50 : i32
        %add3A_1415 = arith.addi %add3A_1414, %scan3A_1357 : i32
        %get3A_1416 = arith.index_cast %add3A_1415 : i32 to index
        %get3A_1417 = arith.constant 48 : index
        %get3A_1418 = tpu.vector_load %arg8[%get3A_1416, %get3A_1417] {strides = array<i32>} : memref<128x64xf32, #tpu.memory_space<vmem>>, vector<1x16xf32>,
        %get3A_1419 = vector.shape_cast %get3A_1418 : vector<1x16xf32> to vector<16xf32>
        %add3A_1420 = arith.addf %scan3A_1365, %get3A_1419 : vector<16xf32>
        scf.yield %add3A_1371, %add3A_1378, %add3A_1385, %add3A_1392, %add3A_1399, %add3A_1406, %add3A_1413, %add3A_1420 : vector<16xf32>, vector<16xf32>, vector<16xf32>, vector<16xf32>, vector<16xf32>, vector<16xf32>, vector<16xf32>, vector<16xf32>
      }
      %scan3A_804 = arith.constant 50 : i32
      %mul3A_805 = arith.constant 2.000000e-02 : f32
      %mul3A_806 = vector.broadcast %mul3A_805 : f32 to vector<16xf32>
      %mul3A_807 = arith.mulf %scan3A_803#0, %mul3A_806 : vector<16xf32>
      %mul3A_808 = arith.constant 2 : i32
      %mul3A_809 = arith.muli %add3A_750, %mul3A_808 : i32
      %add3A_810 = arith.constant 0 : i32
      %add3A_811 = arith.addi %mul3A_809, %add3A_810 : i32
      %swap3A_812 = arith.index_cast %add3A_811 : i32 to index
      %swap3A_813 = arith.constant 0 : index
      %swap3A_814 = tpu.vector_load %arg12[%swap3A_812, %swap3A_813] {strides = array<i32>} : memref<512x64xf32, #tpu.memory_space<vmem>>, vector<1x16xf32>,
      %swap3A_815 = vector.shape_cast %swap3A_814 : vector<1x16xf32> to vector<16xf32>
      %swap3A_816 = vector.shape_cast %mul3A_807 : vector<16xf32> to vector<1x16xf32>
      tpu.vector_store %arg12[%swap3A_812, %swap3A_813], %swap3A_816 {strides = array<i32>} : memref<512x64xf32, #tpu.memory_space<vmem>>, vector<1x16xf32>,
      %mul3A_817 = arith.constant 2.000000e-02 : f32
      %mul3A_818 = vector.broadcast %mul3A_817 : f32 to vector<16xf32>
      %mul3A_819 = arith.mulf %scan3A_803#1, %mul3A_818 : vector<16xf32>
      %mul3A_820 = arith.constant 2 : i32
      %mul3A_821 = arith.muli %add3A_750, %mul3A_820 : i32
      %add3A_822 = arith.constant 0 : i32
      %add3A_823 = arith.addi %mul3A_821, %add3A_822 : i32
      %swap3A_824 = arith.index_cast %add3A_823 : i32 to index
      %swap3A_825 = arith.constant 16 : index
      %swap3A_826 = tpu.vector_load %arg12[%swap3A_824, %swap3A_825] {strides = array<i32>} : memref<512x64xf32, #tpu.memory_space<vmem>>, vector<1x16xf32>,
      %swap3A_827 = vector.shape_cast %swap3A_826 : vector<1x16xf32> to vector<16xf32>
      %swap3A_828 = vector.shape_cast %mul3A_819 : vector<16xf32> to vector<1x16xf32>
      tpu.vector_store %arg12[%swap3A_824, %swap3A_825], %swap3A_828 {strides = array<i32>} : memref<512x64xf32, #tpu.memory_space<vmem>>, vector<1x16xf32>,
      %mul3A_829 = arith.constant 2.000000e-02 : f32
      %mul3A_830 = vector.broadcast %mul3A_829 : f32 to vector<16xf32>
      %mul3A_831 = arith.mulf %scan3A_803#2, %mul3A_830 : vector<16xf32>
      %mul3A_832 = arith.constant 2 : i32
      %mul3A_833 = arith.muli %add3A_750, %mul3A_832 : i32
      %add3A_834 = arith.constant 0 : i32
      %add3A_835 = arith.addi %mul3A_833, %add3A_834 : i32
      %swap3A_836 = arith.index_cast %add3A_835 : i32 to index
      %swap3A_837 = arith.constant 32 : index
      %swap3A_838 = tpu.vector_load %arg12[%swap3A_836, %swap3A_837] {strides = array<i32>} : memref<512x64xf32, #tpu.memory_space<vmem>>, vector<1x16xf32>,
      %swap3A_839 = vector.shape_cast %swap3A_838 : vector<1x16xf32> to vector<16xf32>
      %swap3A_840 = vector.shape_cast %mul3A_831 : vector<16xf32> to vector<1x16xf32>
      tpu.vector_store %arg12[%swap3A_836, %swap3A_837], %swap3A_840 {strides = array<i32>} : memref<512x64xf32, #tpu.memory_space<vmem>>, vector<1x16xf32>,
      %mul3A_841 = arith.constant 2.000000e-02 : f32
      %mul3A_842 = vector.broadcast %mul3A_841 : f32 to vector<16xf32>
      %mul3A_843 = arith.mulf %scan3A_803#3, %mul3A_842 : vector<16xf32>
      %mul3A_844 = arith.constant 2 : i32
      %mul3A_845 = arith.muli %add3A_750, %mul3A_844 : i32
      %add3A_846 = arith.constant 0 : i32
      %add3A_847 = arith.addi %mul3A_845, %add3A_846 : i32
      %swap3A_848 = arith.index_cast %add3A_847 : i32 to index
      %swap3A_849 = arith.constant 48 : index
      %swap3A_850 = tpu.vector_load %arg12[%swap3A_848, %swap3A_849] {strides = array<i32>} : memref<512x64xf32, #tpu.memory_space<vmem>>, vector<1x16xf32>,
      %swap3A_851 = vector.shape_cast %swap3A_850 : vector<1x16xf32> to vector<16xf32>
      %swap3A_852 = vector.shape_cast %mul3A_843 : vector<16xf32> to vector<1x16xf32>
      tpu.vector_store %arg12[%swap3A_848, %swap3A_849], %swap3A_852 {strides = array<i32>} : memref<512x64xf32, #tpu.memory_space<vmem>>, vector<1x16xf32>,
      %mul3A_853 = arith.constant 2.000000e-02 : f32
      %mul3A_854 = vector.broadcast %mul3A_853 : f32 to vector<16xf32>
      %mul3A_855 = arith.mulf %scan3A_803#4, %mul3A_854 : vector<16xf32>
      %mul3A_856 = arith.constant 2 : i32
      %mul3A_857 = arith.muli %add3A_750, %mul3A_856 : i32
      %add3A_858 = arith.constant 1 : i32
      %add3A_859 = arith.addi %mul3A_857, %add3A_858 : i32
      %swap3A_860 = arith.index_cast %add3A_859 : i32 to index
      %swap3A_861 = arith.constant 0 : index
      %swap3A_862 = tpu.vector_load %arg12[%swap3A_860, %swap3A_861] {strides = array<i32>} : memref<512x64xf32, #tpu.memory_space<vmem>>, vector<1x16xf32>,
      %swap3A_863 = vector.shape_cast %swap3A_862 : vector<1x16xf32> to vector<16xf32>
      %swap3A_864 = vector.shape_cast %mul3A_855 : vector<16xf32> to vector<1x16xf32>
      tpu.vector_store %arg12[%swap3A_860, %swap3A_861], %swap3A_864 {strides = array<i32>} : memref<512x64xf32, #tpu.memory_space<vmem>>, vector<1x16xf32>,
      %mul3A_865 = arith.constant 2.000000e-02 : f32
      %mul3A_866 = vector.broadcast %mul3A_865 : f32 to vector<16xf32>
      %mul3A_867 = arith.mulf %scan3A_803#5, %mul3A_866 : vector<16xf32>
      %mul3A_868 = arith.constant 2 : i32
      %mul3A_869 = arith.muli %add3A_750, %mul3A_868 : i32
      %add3A_870 = arith.constant 1 : i32
      %add3A_871 = arith.addi %mul3A_869, %add3A_870 : i32
      %swap3A_872 = arith.index_cast %add3A_871 : i32 to index
      %swap3A_873 = arith.constant 16 : index
      %swap3A_874 = tpu.vector_load %arg12[%swap3A_872, %swap3A_873] {strides = array<i32>} : memref<512x64xf32, #tpu.memory_space<vmem>>, vector<1x16xf32>,
      %swap3A_875 = vector.shape_cast %swap3A_874 : vector<1x16xf32> to vector<16xf32>
      %swap3A_876 = vector.shape_cast %mul3A_867 : vector<16xf32> to vector<1x16xf32>
      tpu.vector_store %arg12[%swap3A_872, %swap3A_873], %swap3A_876 {strides = array<i32>} : memref<512x64xf32, #tpu.memory_space<vmem>>, vector<1x16xf32>,
      %mul3A_877 = arith.constant 2.000000e-02 : f32
      %mul3A_878 = vector.broadcast %mul3A_877 : f32 to vector<16xf32>
      %mul3A_879 = arith.mulf %scan3A_803#6, %mul3A_878 : vector<16xf32>
      %mul3A_880 = arith.constant 2 : i32
      %mul3A_881 = arith.muli %add3A_750, %mul3A_880 : i32
      %add3A_882 = arith.constant 1 : i32
      %add3A_883 = arith.addi %mul3A_881, %add3A_882 : i32
      %swap3A_884 = arith.index_cast %add3A_883 : i32 to index
      %swap3A_885 = arith.constant 32 : index
      %swap3A_886 = tpu.vector_load %arg12[%swap3A_884, %swap3A_885] {strides = array<i32>} : memref<512x64xf32, #tpu.memory_space<vmem>>, vector<1x16xf32>,
      %swap3A_887 = vector.shape_cast %swap3A_886 : vector<1x16xf32> to vector<16xf32>
      %swap3A_888 = vector.shape_cast %mul3A_879 : vector<16xf32> to vector<1x16xf32>
      tpu.vector_store %arg12[%swap3A_884, %swap3A_885], %swap3A_888 {strides = array<i32>} : memref<512x64xf32, #tpu.memory_space<vmem>>, vector<1x16xf32>,
      %mul3A_889 = arith.constant 2.000000e-02 : f32
      %mul3A_890 = vector.broadcast %mul3A_889 : f32 to vector<16xf32>
      %mul3A_891 = arith.mulf %scan3A_803#7, %mul3A_890 : vector<16xf32>
      %mul3A_892 = arith.constant 2 : i32
      %mul3A_893 = arith.muli %add3A_750, %mul3A_892 : i32
      %add3A_894 = arith.constant 1 : i32
      %add3A_895 = arith.addi %mul3A_893, %add3A_894 : i32
      %swap3A_896 = arith.index_cast %add3A_895 : i32 to index
      %swap3A_897 = arith.constant 48 : index
      %swap3A_898 = tpu.vector_load %arg12[%swap3A_896, %swap3A_897] {strides = array<i32>} : memref<512x64xf32, #tpu.memory_space<vmem>>, vector<1x16xf32>,
      %swap3A_899 = vector.shape_cast %swap3A_898 : vector<1x16xf32> to vector<16xf32>
      %swap3A_900 = vector.shape_cast %mul3A_891 : vector<16xf32> to vector<1x16xf32>
      tpu.vector_store %arg12[%swap3A_896, %swap3A_897], %swap3A_900 {strides = array<i32>} : memref<512x64xf32, #tpu.memory_space<vmem>>, vector<1x16xf32>,
      %add3A_901 = arith.constant 3 : i32
      %add3A_902 = arith.addi %mul3A_452, %add3A_901 : i32
      %add3A_903 = arith.constant 6 : i32
      %add3A_904 = arith.addi %add3A_902, %add3A_903 : i32
      %sub3A_905 = arith.constant 1 : i32
      %sub3A_906 = arith.subi %add3A_904, %sub3A_905 : i32
      %jit3A_907 = arith.constant 256 : i32
      %eq3A_908 = arith.constant 0 : i32
      %eq3A_909 = arith.cmpi eq, %jit3A_907, %eq3A_908 : i32
      %jit3A_910 = arith.constant 1 : i32
      %select_n3A_911 = arith.select %eq3A_909, %jit3A_910, %jit3A_907 : i32
      %rem3A_912 = arith.remsi %sub3A_906, %select_n3A_911 : i32
      %ne3A_913 = arith.constant 0 : i32
      %ne3A_914 = arith.cmpi ne, %rem3A_912, %ne3A_913 : i32
      %lt3A_915 = arith.constant 0 : i32
      %lt3A_916 = arith.cmpi slt, %rem3A_912, %lt3A_915 : i32
      %lt3A_917 = arith.constant 0 : i32
      %lt3A_918 = arith.cmpi slt, %select_n3A_911, %lt3A_917 : i32
      %ne3A_919 = arith.xori %lt3A_916, %lt3A_918 : i1
      %and3A_920 = arith.andi %ne3A_919, %ne3A_914 : i1
      %add3A_921 = arith.addi %rem3A_912, %select_n3A_911 : i32
      %select_n3A_922 = arith.select %and3A_920, %add3A_921, %rem3A_912 : i32
      %dma_start3A_923 = arith.constant 0 : i32
      %dma_start3A_924 = tpu.memref_slice %arg5[%select_n3A_922, %dma_start3A_923] : memref<256x128xi32, #tpu.memory_space<vmem>> -> memref<1x128xi32, #tpu.memory_space<vmem>>
      %dma_start3A_925 = tpu.memref_squeeze %dma_start3A_924 : memref<1x128xi32, #tpu.memory_space<vmem>> -> memref<128xi32, #tpu.memory_space<vmem>>
      %dma_start3A_926 = arith.constant 0 : i32
      %dma_start3A_927 = arith.constant 0 : i32
      %dma_start3A_928 = tpu.memref_slice %arg3[%dma_start3A_926, %dma_start3A_927] : memref<1000000x64xf32, #tpu.memory_space<hbm>> -> memref<1000000x64xf32, #tpu.memory_space<hbm>>
      tpu.enqueue_indirect_dma source(%dma_start3A_928 : memref<1000000x64xf32, #tpu.memory_space<hbm>>) target(%arg8 : memref<128x64xf32, #tpu.memory_space<vmem>>) offsets(%dma_start3A_925 : memref<128xi32, #tpu.memory_space<vmem>>) semaphore(%arg15 : memref<!tpu.dma_semaphore, #tpu.memory_space<semaphore_mem>>)
      %dma_wait3A_929 = arith.constant 0 : i32
      %dma_wait3A_930 = tpu.memref_slice %arg5[%add3A_902, %dma_wait3A_929] : memref<256x128xi32, #tpu.memory_space<vmem>> -> memref<1x128xi32, #tpu.memory_space<vmem>>
      %dma_wait3A_931 = tpu.memref_squeeze %dma_wait3A_930 : memref<1x128xi32, #tpu.memory_space<vmem>> -> memref<128xi32, #tpu.memory_space<vmem>>
      %dma_wait3A_932 = arith.constant 0 : i32
      %dma_wait3A_933 = arith.constant 0 : i32
      %dma_wait3A_934 = tpu.memref_slice %arg3[%dma_wait3A_932, %dma_wait3A_933] : memref<1000000x64xf32, #tpu.memory_space<hbm>> -> memref<1000000x64xf32, #tpu.memory_space<hbm>>
      tpu.wait_indirect_dma semaphore(%arg16 : memref<!tpu.dma_semaphore, #tpu.memory_space<semaphore_mem>>) src(%dma_wait3A_934 : memref<1000000x64xf32, #tpu.memory_space<hbm>>) dst(%arg9 : memref<128x64xf32, #tpu.memory_space<vmem>>)
      %broadcast_in_dim3A_935 = arith.constant 0.000000e+00 : f32
      %broadcast_in_dim3A_936 = vector.broadcast %broadcast_in_dim3A_935 : f32 to vector<16xf32>
      %broadcast_in_dim3A_937 = arith.constant 0.000000e+00 : f32
      %broadcast_in_dim3A_938 = vector.broadcast %broadcast_in_dim3A_937 : f32 to vector<16xf32>
      %broadcast_in_dim3A_939 = arith.constant 0.000000e+00 : f32
      %broadcast_in_dim3A_940 = vector.broadcast %broadcast_in_dim3A_939 : f32 to vector<16xf32>
      %broadcast_in_dim3A_941 = arith.constant 0.000000e+00 : f32
      %broadcast_in_dim3A_942 = vector.broadcast %broadcast_in_dim3A_941 : f32 to vector<16xf32>
      %broadcast_in_dim3A_943 = arith.constant 0.000000e+00 : f32
      %broadcast_in_dim3A_944 = vector.broadcast %broadcast_in_dim3A_943 : f32 to vector<16xf32>
      %broadcast_in_dim3A_945 = arith.constant 0.000000e+00 : f32
      %broadcast_in_dim3A_946 = vector.broadcast %broadcast_in_dim3A_945 : f32 to vector<16xf32>
      %broadcast_in_dim3A_947 = arith.constant 0.000000e+00 : f32
      %broadcast_in_dim3A_948 = vector.broadcast %broadcast_in_dim3A_947 : f32 to vector<16xf32>
      %broadcast_in_dim3A_949 = arith.constant 0.000000e+00 : f32
      %broadcast_in_dim3A_950 = vector.broadcast %broadcast_in_dim3A_949 : f32 to vector<16xf32>
      %scan3A_951 = arith.constant 0 : i32
      %scan3A_952 = arith.constant 50 : i32
      %scan3A_953 = arith.addi %scan3A_951, %scan3A_952 : i32
      %scan3A_954 = arith.constant 1 : i32
      %scan3A_955:8 = scf.for %scan3A_1357 = %scan3A_951 to %scan3A_953 step %scan3A_954 iter_args(%scan3A_1358 = %broadcast_in_dim3A_936, %scan3A_1359 = %broadcast_in_dim3A_938, %scan3A_1360 = %broadcast_in_dim3A_940, %scan3A_1361 = %broadcast_in_dim3A_942, %scan3A_1362 = %broadcast_in_dim3A_944, %scan3A_1363 = %broadcast_in_dim3A_946, %scan3A_1364 = %broadcast_in_dim3A_948, %scan3A_1365 = %broadcast_in_dim3A_950) -> (vector<16xf32>, vector<16xf32>, vector<16xf32>, vector<16xf32>, vector<16xf32>, vector<16xf32>, vector<16xf32>, vector<16xf32>)  : i32 {
        %add3A_1366 = arith.constant 0 : i32
        %add3A_1367 = arith.addi %add3A_1366, %scan3A_1357 : i32
        %get3A = arith.index_cast %add3A_1367 : i32 to index
        %get3A_1368 = arith.constant 0 : index
        %get3A_1369 = tpu.vector_load %arg9[%get3A, %get3A_1368] {strides = array<i32>} : memref<128x64xf32, #tpu.memory_space<vmem>>, vector<1x16xf32>,
        %get3A_1370 = vector.shape_cast %get3A_1369 : vector<1x16xf32> to vector<16xf32>
        %add3A_1371 = arith.addf %scan3A_1358, %get3A_1370 : vector<16xf32>
        %add3A_1372 = arith.constant 0 : i32
        %add3A_1373 = arith.addi %add3A_1372, %scan3A_1357 : i32
        %get3A_1374 = arith.index_cast %add3A_1373 : i32 to index
        %get3A_1375 = arith.constant 16 : index
        %get3A_1376 = tpu.vector_load %arg9[%get3A_1374, %get3A_1375] {strides = array<i32>} : memref<128x64xf32, #tpu.memory_space<vmem>>, vector<1x16xf32>,
        %get3A_1377 = vector.shape_cast %get3A_1376 : vector<1x16xf32> to vector<16xf32>
        %add3A_1378 = arith.addf %scan3A_1359, %get3A_1377 : vector<16xf32>
        %add3A_1379 = arith.constant 0 : i32
        %add3A_1380 = arith.addi %add3A_1379, %scan3A_1357 : i32
        %get3A_1381 = arith.index_cast %add3A_1380 : i32 to index
        %get3A_1382 = arith.constant 32 : index
        %get3A_1383 = tpu.vector_load %arg9[%get3A_1381, %get3A_1382] {strides = array<i32>} : memref<128x64xf32, #tpu.memory_space<vmem>>, vector<1x16xf32>,
        %get3A_1384 = vector.shape_cast %get3A_1383 : vector<1x16xf32> to vector<16xf32>
        %add3A_1385 = arith.addf %scan3A_1360, %get3A_1384 : vector<16xf32>
        %add3A_1386 = arith.constant 0 : i32
        %add3A_1387 = arith.addi %add3A_1386, %scan3A_1357 : i32
        %get3A_1388 = arith.index_cast %add3A_1387 : i32 to index
        %get3A_1389 = arith.constant 48 : index
        %get3A_1390 = tpu.vector_load %arg9[%get3A_1388, %get3A_1389] {strides = array<i32>} : memref<128x64xf32, #tpu.memory_space<vmem>>, vector<1x16xf32>,
        %get3A_1391 = vector.shape_cast %get3A_1390 : vector<1x16xf32> to vector<16xf32>
        %add3A_1392 = arith.addf %scan3A_1361, %get3A_1391 : vector<16xf32>
        %add3A_1393 = arith.constant 50 : i32
        %add3A_1394 = arith.addi %add3A_1393, %scan3A_1357 : i32
        %get3A_1395 = arith.index_cast %add3A_1394 : i32 to index
        %get3A_1396 = arith.constant 0 : index
        %get3A_1397 = tpu.vector_load %arg9[%get3A_1395, %get3A_1396] {strides = array<i32>} : memref<128x64xf32, #tpu.memory_space<vmem>>, vector<1x16xf32>,
        %get3A_1398 = vector.shape_cast %get3A_1397 : vector<1x16xf32> to vector<16xf32>
        %add3A_1399 = arith.addf %scan3A_1362, %get3A_1398 : vector<16xf32>
        %add3A_1400 = arith.constant 50 : i32
        %add3A_1401 = arith.addi %add3A_1400, %scan3A_1357 : i32
        %get3A_1402 = arith.index_cast %add3A_1401 : i32 to index
        %get3A_1403 = arith.constant 16 : index
        %get3A_1404 = tpu.vector_load %arg9[%get3A_1402, %get3A_1403] {strides = array<i32>} : memref<128x64xf32, #tpu.memory_space<vmem>>, vector<1x16xf32>,
        %get3A_1405 = vector.shape_cast %get3A_1404 : vector<1x16xf32> to vector<16xf32>
        %add3A_1406 = arith.addf %scan3A_1363, %get3A_1405 : vector<16xf32>
        %add3A_1407 = arith.constant 50 : i32
        %add3A_1408 = arith.addi %add3A_1407, %scan3A_1357 : i32
        %get3A_1409 = arith.index_cast %add3A_1408 : i32 to index
        %get3A_1410 = arith.constant 32 : index
        %get3A_1411 = tpu.vector_load %arg9[%get3A_1409, %get3A_1410] {strides = array<i32>} : memref<128x64xf32, #tpu.memory_space<vmem>>, vector<1x16xf32>,
        %get3A_1412 = vector.shape_cast %get3A_1411 : vector<1x16xf32> to vector<16xf32>
        %add3A_1413 = arith.addf %scan3A_1364, %get3A_1412 : vector<16xf32>
        %add3A_1414 = arith.constant 50 : i32
        %add3A_1415 = arith.addi %add3A_1414, %scan3A_1357 : i32
        %get3A_1416 = arith.index_cast %add3A_1415 : i32 to index
        %get3A_1417 = arith.constant 48 : index
        %get3A_1418 = tpu.vector_load %arg9[%get3A_1416, %get3A_1417] {strides = array<i32>} : memref<128x64xf32, #tpu.memory_space<vmem>>, vector<1x16xf32>,
        %get3A_1419 = vector.shape_cast %get3A_1418 : vector<1x16xf32> to vector<16xf32>
        %add3A_1420 = arith.addf %scan3A_1365, %get3A_1419 : vector<16xf32>
        scf.yield %add3A_1371, %add3A_1378, %add3A_1385, %add3A_1392, %add3A_1399, %add3A_1406, %add3A_1413, %add3A_1420 : vector<16xf32>, vector<16xf32>, vector<16xf32>, vector<16xf32>, vector<16xf32>, vector<16xf32>, vector<16xf32>, vector<16xf32>
      }
      %scan3A_956 = arith.constant 50 : i32
      %mul3A_957 = arith.constant 2.000000e-02 : f32
      %mul3A_958 = vector.broadcast %mul3A_957 : f32 to vector<16xf32>
      %mul3A_959 = arith.mulf %scan3A_955#0, %mul3A_958 : vector<16xf32>
      %mul3A_960 = arith.constant 2 : i32
      %mul3A_961 = arith.muli %add3A_902, %mul3A_960 : i32
      %add3A_962 = arith.constant 0 : i32
      %add3A_963 = arith.addi %mul3A_961, %add3A_962 : i32
      %swap3A_964 = arith.index_cast %add3A_963 : i32 to index
      %swap3A_965 = arith.constant 0 : index
      %swap3A_966 = tpu.vector_load %arg12[%swap3A_964, %swap3A_965] {strides = array<i32>} : memref<512x64xf32, #tpu.memory_space<vmem>>, vector<1x16xf32>,
      %swap3A_967 = vector.shape_cast %swap3A_966 : vector<1x16xf32> to vector<16xf32>
      %swap3A_968 = vector.shape_cast %mul3A_959 : vector<16xf32> to vector<1x16xf32>
      tpu.vector_store %arg12[%swap3A_964, %swap3A_965], %swap3A_968 {strides = array<i32>} : memref<512x64xf32, #tpu.memory_space<vmem>>, vector<1x16xf32>,
      %mul3A_969 = arith.constant 2.000000e-02 : f32
      %mul3A_970 = vector.broadcast %mul3A_969 : f32 to vector<16xf32>
      %mul3A_971 = arith.mulf %scan3A_955#1, %mul3A_970 : vector<16xf32>
      %mul3A_972 = arith.constant 2 : i32
      %mul3A_973 = arith.muli %add3A_902, %mul3A_972 : i32
      %add3A_974 = arith.constant 0 : i32
      %add3A_975 = arith.addi %mul3A_973, %add3A_974 : i32
      %swap3A_976 = arith.index_cast %add3A_975 : i32 to index
      %swap3A_977 = arith.constant 16 : index
      %swap3A_978 = tpu.vector_load %arg12[%swap3A_976, %swap3A_977] {strides = array<i32>} : memref<512x64xf32, #tpu.memory_space<vmem>>, vector<1x16xf32>,
      %swap3A_979 = vector.shape_cast %swap3A_978 : vector<1x16xf32> to vector<16xf32>
      %swap3A_980 = vector.shape_cast %mul3A_971 : vector<16xf32> to vector<1x16xf32>
      tpu.vector_store %arg12[%swap3A_976, %swap3A_977], %swap3A_980 {strides = array<i32>} : memref<512x64xf32, #tpu.memory_space<vmem>>, vector<1x16xf32>,
      %mul3A_981 = arith.constant 2.000000e-02 : f32
      %mul3A_982 = vector.broadcast %mul3A_981 : f32 to vector<16xf32>
      %mul3A_983 = arith.mulf %scan3A_955#2, %mul3A_982 : vector<16xf32>
      %mul3A_984 = arith.constant 2 : i32
      %mul3A_985 = arith.muli %add3A_902, %mul3A_984 : i32
      %add3A_986 = arith.constant 0 : i32
      %add3A_987 = arith.addi %mul3A_985, %add3A_986 : i32
      %swap3A_988 = arith.index_cast %add3A_987 : i32 to index
      %swap3A_989 = arith.constant 32 : index
      %swap3A_990 = tpu.vector_load %arg12[%swap3A_988, %swap3A_989] {strides = array<i32>} : memref<512x64xf32, #tpu.memory_space<vmem>>, vector<1x16xf32>,
      %swap3A_991 = vector.shape_cast %swap3A_990 : vector<1x16xf32> to vector<16xf32>
      %swap3A_992 = vector.shape_cast %mul3A_983 : vector<16xf32> to vector<1x16xf32>
      tpu.vector_store %arg12[%swap3A_988, %swap3A_989], %swap3A_992 {strides = array<i32>} : memref<512x64xf32, #tpu.memory_space<vmem>>, vector<1x16xf32>,
      %mul3A_993 = arith.constant 2.000000e-02 : f32
      %mul3A_994 = vector.broadcast %mul3A_993 : f32 to vector<16xf32>
      %mul3A_995 = arith.mulf %scan3A_955#3, %mul3A_994 : vector<16xf32>
      %mul3A_996 = arith.constant 2 : i32
      %mul3A_997 = arith.muli %add3A_902, %mul3A_996 : i32
      %add3A_998 = arith.constant 0 : i32
      %add3A_999 = arith.addi %mul3A_997, %add3A_998 : i32
      %swap3A_1000 = arith.index_cast %add3A_999 : i32 to index
      %swap3A_1001 = arith.constant 48 : index
      %swap3A_1002 = tpu.vector_load %arg12[%swap3A_1000, %swap3A_1001] {strides = array<i32>} : memref<512x64xf32, #tpu.memory_space<vmem>>, vector<1x16xf32>,
      %swap3A_1003 = vector.shape_cast %swap3A_1002 : vector<1x16xf32> to vector<16xf32>
      %swap3A_1004 = vector.shape_cast %mul3A_995 : vector<16xf32> to vector<1x16xf32>
      tpu.vector_store %arg12[%swap3A_1000, %swap3A_1001], %swap3A_1004 {strides = array<i32>} : memref<512x64xf32, #tpu.memory_space<vmem>>, vector<1x16xf32>,
      %mul3A_1005 = arith.constant 2.000000e-02 : f32
      %mul3A_1006 = vector.broadcast %mul3A_1005 : f32 to vector<16xf32>
      %mul3A_1007 = arith.mulf %scan3A_955#4, %mul3A_1006 : vector<16xf32>
      %mul3A_1008 = arith.constant 2 : i32
      %mul3A_1009 = arith.muli %add3A_902, %mul3A_1008 : i32
      %add3A_1010 = arith.constant 1 : i32
      %add3A_1011 = arith.addi %mul3A_1009, %add3A_1010 : i32
      %swap3A_1012 = arith.index_cast %add3A_1011 : i32 to index
      %swap3A_1013 = arith.constant 0 : index
      %swap3A_1014 = tpu.vector_load %arg12[%swap3A_1012, %swap3A_1013] {strides = array<i32>} : memref<512x64xf32, #tpu.memory_space<vmem>>, vector<1x16xf32>,
      %swap3A_1015 = vector.shape_cast %swap3A_1014 : vector<1x16xf32> to vector<16xf32>
      %swap3A_1016 = vector.shape_cast %mul3A_1007 : vector<16xf32> to vector<1x16xf32>
      tpu.vector_store %arg12[%swap3A_1012, %swap3A_1013], %swap3A_1016 {strides = array<i32>} : memref<512x64xf32, #tpu.memory_space<vmem>>, vector<1x16xf32>,
      %mul3A_1017 = arith.constant 2.000000e-02 : f32
      %mul3A_1018 = vector.broadcast %mul3A_1017 : f32 to vector<16xf32>
      %mul3A_1019 = arith.mulf %scan3A_955#5, %mul3A_1018 : vector<16xf32>
      %mul3A_1020 = arith.constant 2 : i32
      %mul3A_1021 = arith.muli %add3A_902, %mul3A_1020 : i32
      %add3A_1022 = arith.constant 1 : i32
      %add3A_1023 = arith.addi %mul3A_1021, %add3A_1022 : i32
      %swap3A_1024 = arith.index_cast %add3A_1023 : i32 to index
      %swap3A_1025 = arith.constant 16 : index
      %swap3A_1026 = tpu.vector_load %arg12[%swap3A_1024, %swap3A_1025] {strides = array<i32>} : memref<512x64xf32, #tpu.memory_space<vmem>>, vector<1x16xf32>,
      %swap3A_1027 = vector.shape_cast %swap3A_1026 : vector<1x16xf32> to vector<16xf32>
      %swap3A_1028 = vector.shape_cast %mul3A_1019 : vector<16xf32> to vector<1x16xf32>
      tpu.vector_store %arg12[%swap3A_1024, %swap3A_1025], %swap3A_1028 {strides = array<i32>} : memref<512x64xf32, #tpu.memory_space<vmem>>, vector<1x16xf32>,
      %mul3A_1029 = arith.constant 2.000000e-02 : f32
      %mul3A_1030 = vector.broadcast %mul3A_1029 : f32 to vector<16xf32>
      %mul3A_1031 = arith.mulf %scan3A_955#6, %mul3A_1030 : vector<16xf32>
      %mul3A_1032 = arith.constant 2 : i32
      %mul3A_1033 = arith.muli %add3A_902, %mul3A_1032 : i32
      %add3A_1034 = arith.constant 1 : i32
      %add3A_1035 = arith.addi %mul3A_1033, %add3A_1034 : i32
      %swap3A_1036 = arith.index_cast %add3A_1035 : i32 to index
      %swap3A_1037 = arith.constant 32 : index
      %swap3A_1038 = tpu.vector_load %arg12[%swap3A_1036, %swap3A_1037] {strides = array<i32>} : memref<512x64xf32, #tpu.memory_space<vmem>>, vector<1x16xf32>,
      %swap3A_1039 = vector.shape_cast %swap3A_1038 : vector<1x16xf32> to vector<16xf32>
      %swap3A_1040 = vector.shape_cast %mul3A_1031 : vector<16xf32> to vector<1x16xf32>
      tpu.vector_store %arg12[%swap3A_1036, %swap3A_1037], %swap3A_1040 {strides = array<i32>} : memref<512x64xf32, #tpu.memory_space<vmem>>, vector<1x16xf32>,
      %mul3A_1041 = arith.constant 2.000000e-02 : f32
      %mul3A_1042 = vector.broadcast %mul3A_1041 : f32 to vector<16xf32>
      %mul3A_1043 = arith.mulf %scan3A_955#7, %mul3A_1042 : vector<16xf32>
      %mul3A_1044 = arith.constant 2 : i32
      %mul3A_1045 = arith.muli %add3A_902, %mul3A_1044 : i32
      %add3A_1046 = arith.constant 1 : i32
      %add3A_1047 = arith.addi %mul3A_1045, %add3A_1046 : i32
      %swap3A_1048 = arith.index_cast %add3A_1047 : i32 to index
      %swap3A_1049 = arith.constant 48 : index
      %swap3A_1050 = tpu.vector_load %arg12[%swap3A_1048, %swap3A_1049] {strides = array<i32>} : memref<512x64xf32, #tpu.memory_space<vmem>>, vector<1x16xf32>,
      %swap3A_1051 = vector.shape_cast %swap3A_1050 : vector<1x16xf32> to vector<16xf32>
      %swap3A_1052 = vector.shape_cast %mul3A_1043 : vector<16xf32> to vector<1x16xf32>
      tpu.vector_store %arg12[%swap3A_1048, %swap3A_1049], %swap3A_1052 {strides = array<i32>} : memref<512x64xf32, #tpu.memory_space<vmem>>, vector<1x16xf32>,
      %add3A_1053 = arith.constant 4 : i32
      %add3A_1054 = arith.addi %mul3A_452, %add3A_1053 : i32
      %add3A_1055 = arith.constant 6 : i32
      %add3A_1056 = arith.addi %add3A_1054, %add3A_1055 : i32
      %sub3A_1057 = arith.constant 1 : i32
      %sub3A_1058 = arith.subi %add3A_1056, %sub3A_1057 : i32
      %jit3A_1059 = arith.constant 256 : i32
      %eq3A_1060 = arith.constant 0 : i32
      %eq3A_1061 = arith.cmpi eq, %jit3A_1059, %eq3A_1060 : i32
      %jit3A_1062 = arith.constant 1 : i32
      %select_n3A_1063 = arith.select %eq3A_1061, %jit3A_1062, %jit3A_1059 : i32
      %rem3A_1064 = arith.remsi %sub3A_1058, %select_n3A_1063 : i32
      %ne3A_1065 = arith.constant 0 : i32
      %ne3A_1066 = arith.cmpi ne, %rem3A_1064, %ne3A_1065 : i32
      %lt3A_1067 = arith.constant 0 : i32
      %lt3A_1068 = arith.cmpi slt, %rem3A_1064, %lt3A_1067 : i32
      %lt3A_1069 = arith.constant 0 : i32
      %lt3A_1070 = arith.cmpi slt, %select_n3A_1063, %lt3A_1069 : i32
      %ne3A_1071 = arith.xori %lt3A_1068, %lt3A_1070 : i1
      %and3A_1072 = arith.andi %ne3A_1071, %ne3A_1066 : i1
      %add3A_1073 = arith.addi %rem3A_1064, %select_n3A_1063 : i32
      %select_n3A_1074 = arith.select %and3A_1072, %add3A_1073, %rem3A_1064 : i32
      %dma_start3A_1075 = arith.constant 0 : i32
      %dma_start3A_1076 = tpu.memref_slice %arg5[%select_n3A_1074, %dma_start3A_1075] : memref<256x128xi32, #tpu.memory_space<vmem>> -> memref<1x128xi32, #tpu.memory_space<vmem>>
      %dma_start3A_1077 = tpu.memref_squeeze %dma_start3A_1076 : memref<1x128xi32, #tpu.memory_space<vmem>> -> memref<128xi32, #tpu.memory_space<vmem>>
      %dma_start3A_1078 = arith.constant 0 : i32
      %dma_start3A_1079 = arith.constant 0 : i32
      %dma_start3A_1080 = tpu.memref_slice %arg3[%dma_start3A_1078, %dma_start3A_1079] : memref<1000000x64xf32, #tpu.memory_space<hbm>> -> memref<1000000x64xf32, #tpu.memory_space<hbm>>
      tpu.enqueue_indirect_dma source(%dma_start3A_1080 : memref<1000000x64xf32, #tpu.memory_space<hbm>>) target(%arg9 : memref<128x64xf32, #tpu.memory_space<vmem>>) offsets(%dma_start3A_1077 : memref<128xi32, #tpu.memory_space<vmem>>) semaphore(%arg16 : memref<!tpu.dma_semaphore, #tpu.memory_space<semaphore_mem>>)
      %dma_wait3A_1081 = arith.constant 0 : i32
      %dma_wait3A_1082 = tpu.memref_slice %arg5[%add3A_1054, %dma_wait3A_1081] : memref<256x128xi32, #tpu.memory_space<vmem>> -> memref<1x128xi32, #tpu.memory_space<vmem>>
      %dma_wait3A_1083 = tpu.memref_squeeze %dma_wait3A_1082 : memref<1x128xi32, #tpu.memory_space<vmem>> -> memref<128xi32, #tpu.memory_space<vmem>>
      %dma_wait3A_1084 = arith.constant 0 : i32
      %dma_wait3A_1085 = arith.constant 0 : i32
      %dma_wait3A_1086 = tpu.memref_slice %arg3[%dma_wait3A_1084, %dma_wait3A_1085] : memref<1000000x64xf32, #tpu.memory_space<hbm>> -> memref<1000000x64xf32, #tpu.memory_space<hbm>>
      tpu.wait_indirect_dma semaphore(%arg17 : memref<!tpu.dma_semaphore, #tpu.memory_space<semaphore_mem>>) src(%dma_wait3A_1086 : memref<1000000x64xf32, #tpu.memory_space<hbm>>) dst(%arg10 : memref<128x64xf32, #tpu.memory_space<vmem>>)
      %broadcast_in_dim3A_1087 = arith.constant 0.000000e+00 : f32
      %broadcast_in_dim3A_1088 = vector.broadcast %broadcast_in_dim3A_1087 : f32 to vector<16xf32>
      %broadcast_in_dim3A_1089 = arith.constant 0.000000e+00 : f32
      %broadcast_in_dim3A_1090 = vector.broadcast %broadcast_in_dim3A_1089 : f32 to vector<16xf32>
      %broadcast_in_dim3A_1091 = arith.constant 0.000000e+00 : f32
      %broadcast_in_dim3A_1092 = vector.broadcast %broadcast_in_dim3A_1091 : f32 to vector<16xf32>
      %broadcast_in_dim3A_1093 = arith.constant 0.000000e+00 : f32
      %broadcast_in_dim3A_1094 = vector.broadcast %broadcast_in_dim3A_1093 : f32 to vector<16xf32>
      %broadcast_in_dim3A_1095 = arith.constant 0.000000e+00 : f32
      %broadcast_in_dim3A_1096 = vector.broadcast %broadcast_in_dim3A_1095 : f32 to vector<16xf32>
      %broadcast_in_dim3A_1097 = arith.constant 0.000000e+00 : f32
      %broadcast_in_dim3A_1098 = vector.broadcast %broadcast_in_dim3A_1097 : f32 to vector<16xf32>
      %broadcast_in_dim3A_1099 = arith.constant 0.000000e+00 : f32
      %broadcast_in_dim3A_1100 = vector.broadcast %broadcast_in_dim3A_1099 : f32 to vector<16xf32>
      %broadcast_in_dim3A_1101 = arith.constant 0.000000e+00 : f32
      %broadcast_in_dim3A_1102 = vector.broadcast %broadcast_in_dim3A_1101 : f32 to vector<16xf32>
      %scan3A_1103 = arith.constant 0 : i32
      %scan3A_1104 = arith.constant 50 : i32
      %scan3A_1105 = arith.addi %scan3A_1103, %scan3A_1104 : i32
      %scan3A_1106 = arith.constant 1 : i32
      %scan3A_1107:8 = scf.for %scan3A_1357 = %scan3A_1103 to %scan3A_1105 step %scan3A_1106 iter_args(%scan3A_1358 = %broadcast_in_dim3A_1088, %scan3A_1359 = %broadcast_in_dim3A_1090, %scan3A_1360 = %broadcast_in_dim3A_1092, %scan3A_1361 = %broadcast_in_dim3A_1094, %scan3A_1362 = %broadcast_in_dim3A_1096, %scan3A_1363 = %broadcast_in_dim3A_1098, %scan3A_1364 = %broadcast_in_dim3A_1100, %scan3A_1365 = %broadcast_in_dim3A_1102) -> (vector<16xf32>, vector<16xf32>, vector<16xf32>, vector<16xf32>, vector<16xf32>, vector<16xf32>, vector<16xf32>, vector<16xf32>)  : i32 {
        %add3A_1366 = arith.constant 0 : i32
        %add3A_1367 = arith.addi %add3A_1366, %scan3A_1357 : i32
        %get3A = arith.index_cast %add3A_1367 : i32 to index
        %get3A_1368 = arith.constant 0 : index
        %get3A_1369 = tpu.vector_load %arg10[%get3A, %get3A_1368] {strides = array<i32>} : memref<128x64xf32, #tpu.memory_space<vmem>>, vector<1x16xf32>,
        %get3A_1370 = vector.shape_cast %get3A_1369 : vector<1x16xf32> to vector<16xf32>
        %add3A_1371 = arith.addf %scan3A_1358, %get3A_1370 : vector<16xf32>
        %add3A_1372 = arith.constant 0 : i32
        %add3A_1373 = arith.addi %add3A_1372, %scan3A_1357 : i32
        %get3A_1374 = arith.index_cast %add3A_1373 : i32 to index
        %get3A_1375 = arith.constant 16 : index
        %get3A_1376 = tpu.vector_load %arg10[%get3A_1374, %get3A_1375] {strides = array<i32>} : memref<128x64xf32, #tpu.memory_space<vmem>>, vector<1x16xf32>,
        %get3A_1377 = vector.shape_cast %get3A_1376 : vector<1x16xf32> to vector<16xf32>
        %add3A_1378 = arith.addf %scan3A_1359, %get3A_1377 : vector<16xf32>
        %add3A_1379 = arith.constant 0 : i32
        %add3A_1380 = arith.addi %add3A_1379, %scan3A_1357 : i32
        %get3A_1381 = arith.index_cast %add3A_1380 : i32 to index
        %get3A_1382 = arith.constant 32 : index
        %get3A_1383 = tpu.vector_load %arg10[%get3A_1381, %get3A_1382] {strides = array<i32>} : memref<128x64xf32, #tpu.memory_space<vmem>>, vector<1x16xf32>,
        %get3A_1384 = vector.shape_cast %get3A_1383 : vector<1x16xf32> to vector<16xf32>
        %add3A_1385 = arith.addf %scan3A_1360, %get3A_1384 : vector<16xf32>
        %add3A_1386 = arith.constant 0 : i32
        %add3A_1387 = arith.addi %add3A_1386, %scan3A_1357 : i32
        %get3A_1388 = arith.index_cast %add3A_1387 : i32 to index
        %get3A_1389 = arith.constant 48 : index
        %get3A_1390 = tpu.vector_load %arg10[%get3A_1388, %get3A_1389] {strides = array<i32>} : memref<128x64xf32, #tpu.memory_space<vmem>>, vector<1x16xf32>,
        %get3A_1391 = vector.shape_cast %get3A_1390 : vector<1x16xf32> to vector<16xf32>
        %add3A_1392 = arith.addf %scan3A_1361, %get3A_1391 : vector<16xf32>
        %add3A_1393 = arith.constant 50 : i32
        %add3A_1394 = arith.addi %add3A_1393, %scan3A_1357 : i32
        %get3A_1395 = arith.index_cast %add3A_1394 : i32 to index
        %get3A_1396 = arith.constant 0 : index
        %get3A_1397 = tpu.vector_load %arg10[%get3A_1395, %get3A_1396] {strides = array<i32>} : memref<128x64xf32, #tpu.memory_space<vmem>>, vector<1x16xf32>,
        %get3A_1398 = vector.shape_cast %get3A_1397 : vector<1x16xf32> to vector<16xf32>
        %add3A_1399 = arith.addf %scan3A_1362, %get3A_1398 : vector<16xf32>
        %add3A_1400 = arith.constant 50 : i32
        %add3A_1401 = arith.addi %add3A_1400, %scan3A_1357 : i32
        %get3A_1402 = arith.index_cast %add3A_1401 : i32 to index
        %get3A_1403 = arith.constant 16 : index
        %get3A_1404 = tpu.vector_load %arg10[%get3A_1402, %get3A_1403] {strides = array<i32>} : memref<128x64xf32, #tpu.memory_space<vmem>>, vector<1x16xf32>,
        %get3A_1405 = vector.shape_cast %get3A_1404 : vector<1x16xf32> to vector<16xf32>
        %add3A_1406 = arith.addf %scan3A_1363, %get3A_1405 : vector<16xf32>
        %add3A_1407 = arith.constant 50 : i32
        %add3A_1408 = arith.addi %add3A_1407, %scan3A_1357 : i32
        %get3A_1409 = arith.index_cast %add3A_1408 : i32 to index
        %get3A_1410 = arith.constant 32 : index
        %get3A_1411 = tpu.vector_load %arg10[%get3A_1409, %get3A_1410] {strides = array<i32>} : memref<128x64xf32, #tpu.memory_space<vmem>>, vector<1x16xf32>,
        %get3A_1412 = vector.shape_cast %get3A_1411 : vector<1x16xf32> to vector<16xf32>
        %add3A_1413 = arith.addf %scan3A_1364, %get3A_1412 : vector<16xf32>
        %add3A_1414 = arith.constant 50 : i32
        %add3A_1415 = arith.addi %add3A_1414, %scan3A_1357 : i32
        %get3A_1416 = arith.index_cast %add3A_1415 : i32 to index
        %get3A_1417 = arith.constant 48 : index
        %get3A_1418 = tpu.vector_load %arg10[%get3A_1416, %get3A_1417] {strides = array<i32>} : memref<128x64xf32, #tpu.memory_space<vmem>>, vector<1x16xf32>,
        %get3A_1419 = vector.shape_cast %get3A_1418 : vector<1x16xf32> to vector<16xf32>
        %add3A_1420 = arith.addf %scan3A_1365, %get3A_1419 : vector<16xf32>
        scf.yield %add3A_1371, %add3A_1378, %add3A_1385, %add3A_1392, %add3A_1399, %add3A_1406, %add3A_1413, %add3A_1420 : vector<16xf32>, vector<16xf32>, vector<16xf32>, vector<16xf32>, vector<16xf32>, vector<16xf32>, vector<16xf32>, vector<16xf32>
      }
      %scan3A_1108 = arith.constant 50 : i32
      %mul3A_1109 = arith.constant 2.000000e-02 : f32
      %mul3A_1110 = vector.broadcast %mul3A_1109 : f32 to vector<16xf32>
      %mul3A_1111 = arith.mulf %scan3A_1107#0, %mul3A_1110 : vector<16xf32>
      %mul3A_1112 = arith.constant 2 : i32
      %mul3A_1113 = arith.muli %add3A_1054, %mul3A_1112 : i32
      %add3A_1114 = arith.constant 0 : i32
      %add3A_1115 = arith.addi %mul3A_1113, %add3A_1114 : i32
      %swap3A_1116 = arith.index_cast %add3A_1115 : i32 to index
      %swap3A_1117 = arith.constant 0 : index
      %swap3A_1118 = tpu.vector_load %arg12[%swap3A_1116, %swap3A_1117] {strides = array<i32>} : memref<512x64xf32, #tpu.memory_space<vmem>>, vector<1x16xf32>,
      %swap3A_1119 = vector.shape_cast %swap3A_1118 : vector<1x16xf32> to vector<16xf32>
      %swap3A_1120 = vector.shape_cast %mul3A_1111 : vector<16xf32> to vector<1x16xf32>
      tpu.vector_store %arg12[%swap3A_1116, %swap3A_1117], %swap3A_1120 {strides = array<i32>} : memref<512x64xf32, #tpu.memory_space<vmem>>, vector<1x16xf32>,
      %mul3A_1121 = arith.constant 2.000000e-02 : f32
      %mul3A_1122 = vector.broadcast %mul3A_1121 : f32 to vector<16xf32>
      %mul3A_1123 = arith.mulf %scan3A_1107#1, %mul3A_1122 : vector<16xf32>
      %mul3A_1124 = arith.constant 2 : i32
      %mul3A_1125 = arith.muli %add3A_1054, %mul3A_1124 : i32
      %add3A_1126 = arith.constant 0 : i32
      %add3A_1127 = arith.addi %mul3A_1125, %add3A_1126 : i32
      %swap3A_1128 = arith.index_cast %add3A_1127 : i32 to index
      %swap3A_1129 = arith.constant 16 : index
      %swap3A_1130 = tpu.vector_load %arg12[%swap3A_1128, %swap3A_1129] {strides = array<i32>} : memref<512x64xf32, #tpu.memory_space<vmem>>, vector<1x16xf32>,
      %swap3A_1131 = vector.shape_cast %swap3A_1130 : vector<1x16xf32> to vector<16xf32>
      %swap3A_1132 = vector.shape_cast %mul3A_1123 : vector<16xf32> to vector<1x16xf32>
      tpu.vector_store %arg12[%swap3A_1128, %swap3A_1129], %swap3A_1132 {strides = array<i32>} : memref<512x64xf32, #tpu.memory_space<vmem>>, vector<1x16xf32>,
      %mul3A_1133 = arith.constant 2.000000e-02 : f32
      %mul3A_1134 = vector.broadcast %mul3A_1133 : f32 to vector<16xf32>
      %mul3A_1135 = arith.mulf %scan3A_1107#2, %mul3A_1134 : vector<16xf32>
      %mul3A_1136 = arith.constant 2 : i32
      %mul3A_1137 = arith.muli %add3A_1054, %mul3A_1136 : i32
      %add3A_1138 = arith.constant 0 : i32
      %add3A_1139 = arith.addi %mul3A_1137, %add3A_1138 : i32
      %swap3A_1140 = arith.index_cast %add3A_1139 : i32 to index
      %swap3A_1141 = arith.constant 32 : index
      %swap3A_1142 = tpu.vector_load %arg12[%swap3A_1140, %swap3A_1141] {strides = array<i32>} : memref<512x64xf32, #tpu.memory_space<vmem>>, vector<1x16xf32>,
      %swap3A_1143 = vector.shape_cast %swap3A_1142 : vector<1x16xf32> to vector<16xf32>
      %swap3A_1144 = vector.shape_cast %mul3A_1135 : vector<16xf32> to vector<1x16xf32>
      tpu.vector_store %arg12[%swap3A_1140, %swap3A_1141], %swap3A_1144 {strides = array<i32>} : memref<512x64xf32, #tpu.memory_space<vmem>>, vector<1x16xf32>,
      %mul3A_1145 = arith.constant 2.000000e-02 : f32
      %mul3A_1146 = vector.broadcast %mul3A_1145 : f32 to vector<16xf32>
      %mul3A_1147 = arith.mulf %scan3A_1107#3, %mul3A_1146 : vector<16xf32>
      %mul3A_1148 = arith.constant 2 : i32
      %mul3A_1149 = arith.muli %add3A_1054, %mul3A_1148 : i32
      %add3A_1150 = arith.constant 0 : i32
      %add3A_1151 = arith.addi %mul3A_1149, %add3A_1150 : i32
      %swap3A_1152 = arith.index_cast %add3A_1151 : i32 to index
      %swap3A_1153 = arith.constant 48 : index
      %swap3A_1154 = tpu.vector_load %arg12[%swap3A_1152, %swap3A_1153] {strides = array<i32>} : memref<512x64xf32, #tpu.memory_space<vmem>>, vector<1x16xf32>,
      %swap3A_1155 = vector.shape_cast %swap3A_1154 : vector<1x16xf32> to vector<16xf32>
      %swap3A_1156 = vector.shape_cast %mul3A_1147 : vector<16xf32> to vector<1x16xf32>
      tpu.vector_store %arg12[%swap3A_1152, %swap3A_1153], %swap3A_1156 {strides = array<i32>} : memref<512x64xf32, #tpu.memory_space<vmem>>, vector<1x16xf32>,
      %mul3A_1157 = arith.constant 2.000000e-02 : f32
      %mul3A_1158 = vector.broadcast %mul3A_1157 : f32 to vector<16xf32>
      %mul3A_1159 = arith.mulf %scan3A_1107#4, %mul3A_1158 : vector<16xf32>
      %mul3A_1160 = arith.constant 2 : i32
      %mul3A_1161 = arith.muli %add3A_1054, %mul3A_1160 : i32
      %add3A_1162 = arith.constant 1 : i32
      %add3A_1163 = arith.addi %mul3A_1161, %add3A_1162 : i32
      %swap3A_1164 = arith.index_cast %add3A_1163 : i32 to index
      %swap3A_1165 = arith.constant 0 : index
      %swap3A_1166 = tpu.vector_load %arg12[%swap3A_1164, %swap3A_1165] {strides = array<i32>} : memref<512x64xf32, #tpu.memory_space<vmem>>, vector<1x16xf32>,
      %swap3A_1167 = vector.shape_cast %swap3A_1166 : vector<1x16xf32> to vector<16xf32>
      %swap3A_1168 = vector.shape_cast %mul3A_1159 : vector<16xf32> to vector<1x16xf32>
      tpu.vector_store %arg12[%swap3A_1164, %swap3A_1165], %swap3A_1168 {strides = array<i32>} : memref<512x64xf32, #tpu.memory_space<vmem>>, vector<1x16xf32>,
      %mul3A_1169 = arith.constant 2.000000e-02 : f32
      %mul3A_1170 = vector.broadcast %mul3A_1169 : f32 to vector<16xf32>
      %mul3A_1171 = arith.mulf %scan3A_1107#5, %mul3A_1170 : vector<16xf32>
      %mul3A_1172 = arith.constant 2 : i32
      %mul3A_1173 = arith.muli %add3A_1054, %mul3A_1172 : i32
      %add3A_1174 = arith.constant 1 : i32
      %add3A_1175 = arith.addi %mul3A_1173, %add3A_1174 : i32
      %swap3A_1176 = arith.index_cast %add3A_1175 : i32 to index
      %swap3A_1177 = arith.constant 16 : index
      %swap3A_1178 = tpu.vector_load %arg12[%swap3A_1176, %swap3A_1177] {strides = array<i32>} : memref<512x64xf32, #tpu.memory_space<vmem>>, vector<1x16xf32>,
      %swap3A_1179 = vector.shape_cast %swap3A_1178 : vector<1x16xf32> to vector<16xf32>
      %swap3A_1180 = vector.shape_cast %mul3A_1171 : vector<16xf32> to vector<1x16xf32>
      tpu.vector_store %arg12[%swap3A_1176, %swap3A_1177], %swap3A_1180 {strides = array<i32>} : memref<512x64xf32, #tpu.memory_space<vmem>>, vector<1x16xf32>,
      %mul3A_1181 = arith.constant 2.000000e-02 : f32
      %mul3A_1182 = vector.broadcast %mul3A_1181 : f32 to vector<16xf32>
      %mul3A_1183 = arith.mulf %scan3A_1107#6, %mul3A_1182 : vector<16xf32>
      %mul3A_1184 = arith.constant 2 : i32
      %mul3A_1185 = arith.muli %add3A_1054, %mul3A_1184 : i32
      %add3A_1186 = arith.constant 1 : i32
      %add3A_1187 = arith.addi %mul3A_1185, %add3A_1186 : i32
      %swap3A_1188 = arith.index_cast %add3A_1187 : i32 to index
      %swap3A_1189 = arith.constant 32 : index
      %swap3A_1190 = tpu.vector_load %arg12[%swap3A_1188, %swap3A_1189] {strides = array<i32>} : memref<512x64xf32, #tpu.memory_space<vmem>>, vector<1x16xf32>,
      %swap3A_1191 = vector.shape_cast %swap3A_1190 : vector<1x16xf32> to vector<16xf32>
      %swap3A_1192 = vector.shape_cast %mul3A_1183 : vector<16xf32> to vector<1x16xf32>
      tpu.vector_store %arg12[%swap3A_1188, %swap3A_1189], %swap3A_1192 {strides = array<i32>} : memref<512x64xf32, #tpu.memory_space<vmem>>, vector<1x16xf32>,
      %mul3A_1193 = arith.constant 2.000000e-02 : f32
      %mul3A_1194 = vector.broadcast %mul3A_1193 : f32 to vector<16xf32>
      %mul3A_1195 = arith.mulf %scan3A_1107#7, %mul3A_1194 : vector<16xf32>
      %mul3A_1196 = arith.constant 2 : i32
      %mul3A_1197 = arith.muli %add3A_1054, %mul3A_1196 : i32
      %add3A_1198 = arith.constant 1 : i32
      %add3A_1199 = arith.addi %mul3A_1197, %add3A_1198 : i32
      %swap3A_1200 = arith.index_cast %add3A_1199 : i32 to index
      %swap3A_1201 = arith.constant 48 : index
      %swap3A_1202 = tpu.vector_load %arg12[%swap3A_1200, %swap3A_1201] {strides = array<i32>} : memref<512x64xf32, #tpu.memory_space<vmem>>, vector<1x16xf32>,
      %swap3A_1203 = vector.shape_cast %swap3A_1202 : vector<1x16xf32> to vector<16xf32>
      %swap3A_1204 = vector.shape_cast %mul3A_1195 : vector<16xf32> to vector<1x16xf32>
      tpu.vector_store %arg12[%swap3A_1200, %swap3A_1201], %swap3A_1204 {strides = array<i32>} : memref<512x64xf32, #tpu.memory_space<vmem>>, vector<1x16xf32>,
      %add3A_1205 = arith.constant 5 : i32
      %add3A_1206 = arith.addi %mul3A_452, %add3A_1205 : i32
      %add3A_1207 = arith.constant 6 : i32
      %add3A_1208 = arith.addi %add3A_1206, %add3A_1207 : i32
      %sub3A_1209 = arith.constant 1 : i32
      %sub3A_1210 = arith.subi %add3A_1208, %sub3A_1209 : i32
      %jit3A_1211 = arith.constant 256 : i32
      %eq3A_1212 = arith.constant 0 : i32
      %eq3A_1213 = arith.cmpi eq, %jit3A_1211, %eq3A_1212 : i32
      %jit3A_1214 = arith.constant 1 : i32
      %select_n3A_1215 = arith.select %eq3A_1213, %jit3A_1214, %jit3A_1211 : i32
      %rem3A_1216 = arith.remsi %sub3A_1210, %select_n3A_1215 : i32
      %ne3A_1217 = arith.constant 0 : i32
      %ne3A_1218 = arith.cmpi ne, %rem3A_1216, %ne3A_1217 : i32
      %lt3A_1219 = arith.constant 0 : i32
      %lt3A_1220 = arith.cmpi slt, %rem3A_1216, %lt3A_1219 : i32
      %lt3A_1221 = arith.constant 0 : i32
      %lt3A_1222 = arith.cmpi slt, %select_n3A_1215, %lt3A_1221 : i32
      %ne3A_1223 = arith.xori %lt3A_1220, %lt3A_1222 : i1
      %and3A_1224 = arith.andi %ne3A_1223, %ne3A_1218 : i1
      %add3A_1225 = arith.addi %rem3A_1216, %select_n3A_1215 : i32
      %select_n3A_1226 = arith.select %and3A_1224, %add3A_1225, %rem3A_1216 : i32
      %dma_start3A_1227 = arith.constant 0 : i32
      %dma_start3A_1228 = tpu.memref_slice %arg5[%select_n3A_1226, %dma_start3A_1227] : memref<256x128xi32, #tpu.memory_space<vmem>> -> memref<1x128xi32, #tpu.memory_space<vmem>>
      %dma_start3A_1229 = tpu.memref_squeeze %dma_start3A_1228 : memref<1x128xi32, #tpu.memory_space<vmem>> -> memref<128xi32, #tpu.memory_space<vmem>>
      %dma_start3A_1230 = arith.constant 0 : i32
      %dma_start3A_1231 = arith.constant 0 : i32
      %dma_start3A_1232 = tpu.memref_slice %arg3[%dma_start3A_1230, %dma_start3A_1231] : memref<1000000x64xf32, #tpu.memory_space<hbm>> -> memref<1000000x64xf32, #tpu.memory_space<hbm>>
      tpu.enqueue_indirect_dma source(%dma_start3A_1232 : memref<1000000x64xf32, #tpu.memory_space<hbm>>) target(%arg10 : memref<128x64xf32, #tpu.memory_space<vmem>>) offsets(%dma_start3A_1229 : memref<128xi32, #tpu.memory_space<vmem>>) semaphore(%arg17 : memref<!tpu.dma_semaphore, #tpu.memory_space<semaphore_mem>>)
      %dma_wait3A_1233 = arith.constant 0 : i32
      %dma_wait3A_1234 = tpu.memref_slice %arg5[%add3A_1206, %dma_wait3A_1233] : memref<256x128xi32, #tpu.memory_space<vmem>> -> memref<1x128xi32, #tpu.memory_space<vmem>>
      %dma_wait3A_1235 = tpu.memref_squeeze %dma_wait3A_1234 : memref<1x128xi32, #tpu.memory_space<vmem>> -> memref<128xi32, #tpu.memory_space<vmem>>
      %dma_wait3A_1236 = arith.constant 0 : i32
      %dma_wait3A_1237 = arith.constant 0 : i32
      %dma_wait3A_1238 = tpu.memref_slice %arg3[%dma_wait3A_1236, %dma_wait3A_1237] : memref<1000000x64xf32, #tpu.memory_space<hbm>> -> memref<1000000x64xf32, #tpu.memory_space<hbm>>
      tpu.wait_indirect_dma semaphore(%arg18 : memref<!tpu.dma_semaphore, #tpu.memory_space<semaphore_mem>>) src(%dma_wait3A_1238 : memref<1000000x64xf32, #tpu.memory_space<hbm>>) dst(%arg11 : memref<128x64xf32, #tpu.memory_space<vmem>>)
      %broadcast_in_dim3A_1239 = arith.constant 0.000000e+00 : f32
      %broadcast_in_dim3A_1240 = vector.broadcast %broadcast_in_dim3A_1239 : f32 to vector<16xf32>
      %broadcast_in_dim3A_1241 = arith.constant 0.000000e+00 : f32
      %broadcast_in_dim3A_1242 = vector.broadcast %broadcast_in_dim3A_1241 : f32 to vector<16xf32>
      %broadcast_in_dim3A_1243 = arith.constant 0.000000e+00 : f32
      %broadcast_in_dim3A_1244 = vector.broadcast %broadcast_in_dim3A_1243 : f32 to vector<16xf32>
      %broadcast_in_dim3A_1245 = arith.constant 0.000000e+00 : f32
      %broadcast_in_dim3A_1246 = vector.broadcast %broadcast_in_dim3A_1245 : f32 to vector<16xf32>
      %broadcast_in_dim3A_1247 = arith.constant 0.000000e+00 : f32
      %broadcast_in_dim3A_1248 = vector.broadcast %broadcast_in_dim3A_1247 : f32 to vector<16xf32>
      %broadcast_in_dim3A_1249 = arith.constant 0.000000e+00 : f32
      %broadcast_in_dim3A_1250 = vector.broadcast %broadcast_in_dim3A_1249 : f32 to vector<16xf32>
      %broadcast_in_dim3A_1251 = arith.constant 0.000000e+00 : f32
      %broadcast_in_dim3A_1252 = vector.broadcast %broadcast_in_dim3A_1251 : f32 to vector<16xf32>
      %broadcast_in_dim3A_1253 = arith.constant 0.000000e+00 : f32
      %broadcast_in_dim3A_1254 = vector.broadcast %broadcast_in_dim3A_1253 : f32 to vector<16xf32>
      %scan3A_1255 = arith.constant 0 : i32
      %scan3A_1256 = arith.constant 50 : i32
      %scan3A_1257 = arith.addi %scan3A_1255, %scan3A_1256 : i32
      %scan3A_1258 = arith.constant 1 : i32
      %scan3A_1259:8 = scf.for %scan3A_1357 = %scan3A_1255 to %scan3A_1257 step %scan3A_1258 iter_args(%scan3A_1358 = %broadcast_in_dim3A_1240, %scan3A_1359 = %broadcast_in_dim3A_1242, %scan3A_1360 = %broadcast_in_dim3A_1244, %scan3A_1361 = %broadcast_in_dim3A_1246, %scan3A_1362 = %broadcast_in_dim3A_1248, %scan3A_1363 = %broadcast_in_dim3A_1250, %scan3A_1364 = %broadcast_in_dim3A_1252, %scan3A_1365 = %broadcast_in_dim3A_1254) -> (vector<16xf32>, vector<16xf32>, vector<16xf32>, vector<16xf32>, vector<16xf32>, vector<16xf32>, vector<16xf32>, vector<16xf32>)  : i32 {
        %add3A_1366 = arith.constant 0 : i32
        %add3A_1367 = arith.addi %add3A_1366, %scan3A_1357 : i32
        %get3A = arith.index_cast %add3A_1367 : i32 to index
        %get3A_1368 = arith.constant 0 : index
        %get3A_1369 = tpu.vector_load %arg11[%get3A, %get3A_1368] {strides = array<i32>} : memref<128x64xf32, #tpu.memory_space<vmem>>, vector<1x16xf32>,
        %get3A_1370 = vector.shape_cast %get3A_1369 : vector<1x16xf32> to vector<16xf32>
        %add3A_1371 = arith.addf %scan3A_1358, %get3A_1370 : vector<16xf32>
        %add3A_1372 = arith.constant 0 : i32
        %add3A_1373 = arith.addi %add3A_1372, %scan3A_1357 : i32
        %get3A_1374 = arith.index_cast %add3A_1373 : i32 to index
        %get3A_1375 = arith.constant 16 : index
        %get3A_1376 = tpu.vector_load %arg11[%get3A_1374, %get3A_1375] {strides = array<i32>} : memref<128x64xf32, #tpu.memory_space<vmem>>, vector<1x16xf32>,
        %get3A_1377 = vector.shape_cast %get3A_1376 : vector<1x16xf32> to vector<16xf32>
        %add3A_1378 = arith.addf %scan3A_1359, %get3A_1377 : vector<16xf32>
        %add3A_1379 = arith.constant 0 : i32
        %add3A_1380 = arith.addi %add3A_1379, %scan3A_1357 : i32
        %get3A_1381 = arith.index_cast %add3A_1380 : i32 to index
        %get3A_1382 = arith.constant 32 : index
        %get3A_1383 = tpu.vector_load %arg11[%get3A_1381, %get3A_1382] {strides = array<i32>} : memref<128x64xf32, #tpu.memory_space<vmem>>, vector<1x16xf32>,
        %get3A_1384 = vector.shape_cast %get3A_1383 : vector<1x16xf32> to vector<16xf32>
        %add3A_1385 = arith.addf %scan3A_1360, %get3A_1384 : vector<16xf32>
        %add3A_1386 = arith.constant 0 : i32
        %add3A_1387 = arith.addi %add3A_1386, %scan3A_1357 : i32
        %get3A_1388 = arith.index_cast %add3A_1387 : i32 to index
        %get3A_1389 = arith.constant 48 : index
        %get3A_1390 = tpu.vector_load %arg11[%get3A_1388, %get3A_1389] {strides = array<i32>} : memref<128x64xf32, #tpu.memory_space<vmem>>, vector<1x16xf32>,
        %get3A_1391 = vector.shape_cast %get3A_1390 : vector<1x16xf32> to vector<16xf32>
        %add3A_1392 = arith.addf %scan3A_1361, %get3A_1391 : vector<16xf32>
        %add3A_1393 = arith.constant 50 : i32
        %add3A_1394 = arith.addi %add3A_1393, %scan3A_1357 : i32
        %get3A_1395 = arith.index_cast %add3A_1394 : i32 to index
        %get3A_1396 = arith.constant 0 : index
        %get3A_1397 = tpu.vector_load %arg11[%get3A_1395, %get3A_1396] {strides = array<i32>} : memref<128x64xf32, #tpu.memory_space<vmem>>, vector<1x16xf32>,
        %get3A_1398 = vector.shape_cast %get3A_1397 : vector<1x16xf32> to vector<16xf32>
        %add3A_1399 = arith.addf %scan3A_1362, %get3A_1398 : vector<16xf32>
        %add3A_1400 = arith.constant 50 : i32
        %add3A_1401 = arith.addi %add3A_1400, %scan3A_1357 : i32
        %get3A_1402 = arith.index_cast %add3A_1401 : i32 to index
        %get3A_1403 = arith.constant 16 : index
        %get3A_1404 = tpu.vector_load %arg11[%get3A_1402, %get3A_1403] {strides = array<i32>} : memref<128x64xf32, #tpu.memory_space<vmem>>, vector<1x16xf32>,
        %get3A_1405 = vector.shape_cast %get3A_1404 : vector<1x16xf32> to vector<16xf32>
        %add3A_1406 = arith.addf %scan3A_1363, %get3A_1405 : vector<16xf32>
        %add3A_1407 = arith.constant 50 : i32
        %add3A_1408 = arith.addi %add3A_1407, %scan3A_1357 : i32
        %get3A_1409 = arith.index_cast %add3A_1408 : i32 to index
        %get3A_1410 = arith.constant 32 : index
        %get3A_1411 = tpu.vector_load %arg11[%get3A_1409, %get3A_1410] {strides = array<i32>} : memref<128x64xf32, #tpu.memory_space<vmem>>, vector<1x16xf32>,
        %get3A_1412 = vector.shape_cast %get3A_1411 : vector<1x16xf32> to vector<16xf32>
        %add3A_1413 = arith.addf %scan3A_1364, %get3A_1412 : vector<16xf32>
        %add3A_1414 = arith.constant 50 : i32
        %add3A_1415 = arith.addi %add3A_1414, %scan3A_1357 : i32
        %get3A_1416 = arith.index_cast %add3A_1415 : i32 to index
        %get3A_1417 = arith.constant 48 : index
        %get3A_1418 = tpu.vector_load %arg11[%get3A_1416, %get3A_1417] {strides = array<i32>} : memref<128x64xf32, #tpu.memory_space<vmem>>, vector<1x16xf32>,
        %get3A_1419 = vector.shape_cast %get3A_1418 : vector<1x16xf32> to vector<16xf32>
        %add3A_1420 = arith.addf %scan3A_1365, %get3A_1419 : vector<16xf32>
        scf.yield %add3A_1371, %add3A_1378, %add3A_1385, %add3A_1392, %add3A_1399, %add3A_1406, %add3A_1413, %add3A_1420 : vector<16xf32>, vector<16xf32>, vector<16xf32>, vector<16xf32>, vector<16xf32>, vector<16xf32>, vector<16xf32>, vector<16xf32>
      }
      %scan3A_1260 = arith.constant 50 : i32
      %mul3A_1261 = arith.constant 2.000000e-02 : f32
      %mul3A_1262 = vector.broadcast %mul3A_1261 : f32 to vector<16xf32>
      %mul3A_1263 = arith.mulf %scan3A_1259#0, %mul3A_1262 : vector<16xf32>
      %mul3A_1264 = arith.constant 2 : i32
      %mul3A_1265 = arith.muli %add3A_1206, %mul3A_1264 : i32
      %add3A_1266 = arith.constant 0 : i32
      %add3A_1267 = arith.addi %mul3A_1265, %add3A_1266 : i32
      %swap3A_1268 = arith.index_cast %add3A_1267 : i32 to index
      %swap3A_1269 = arith.constant 0 : index
      %swap3A_1270 = tpu.vector_load %arg12[%swap3A_1268, %swap3A_1269] {strides = array<i32>} : memref<512x64xf32, #tpu.memory_space<vmem>>, vector<1x16xf32>,
      %swap3A_1271 = vector.shape_cast %swap3A_1270 : vector<1x16xf32> to vector<16xf32>
      %swap3A_1272 = vector.shape_cast %mul3A_1263 : vector<16xf32> to vector<1x16xf32>
      tpu.vector_store %arg12[%swap3A_1268, %swap3A_1269], %swap3A_1272 {strides = array<i32>} : memref<512x64xf32, #tpu.memory_space<vmem>>, vector<1x16xf32>,
      %mul3A_1273 = arith.constant 2.000000e-02 : f32
      %mul3A_1274 = vector.broadcast %mul3A_1273 : f32 to vector<16xf32>
      %mul3A_1275 = arith.mulf %scan3A_1259#1, %mul3A_1274 : vector<16xf32>
      %mul3A_1276 = arith.constant 2 : i32
      %mul3A_1277 = arith.muli %add3A_1206, %mul3A_1276 : i32
      %add3A_1278 = arith.constant 0 : i32
      %add3A_1279 = arith.addi %mul3A_1277, %add3A_1278 : i32
      %swap3A_1280 = arith.index_cast %add3A_1279 : i32 to index
      %swap3A_1281 = arith.constant 16 : index
      %swap3A_1282 = tpu.vector_load %arg12[%swap3A_1280, %swap3A_1281] {strides = array<i32>} : memref<512x64xf32, #tpu.memory_space<vmem>>, vector<1x16xf32>,
      %swap3A_1283 = vector.shape_cast %swap3A_1282 : vector<1x16xf32> to vector<16xf32>
      %swap3A_1284 = vector.shape_cast %mul3A_1275 : vector<16xf32> to vector<1x16xf32>
      tpu.vector_store %arg12[%swap3A_1280, %swap3A_1281], %swap3A_1284 {strides = array<i32>} : memref<512x64xf32, #tpu.memory_space<vmem>>, vector<1x16xf32>,
      %mul3A_1285 = arith.constant 2.000000e-02 : f32
      %mul3A_1286 = vector.broadcast %mul3A_1285 : f32 to vector<16xf32>
      %mul3A_1287 = arith.mulf %scan3A_1259#2, %mul3A_1286 : vector<16xf32>
      %mul3A_1288 = arith.constant 2 : i32
      %mul3A_1289 = arith.muli %add3A_1206, %mul3A_1288 : i32
      %add3A_1290 = arith.constant 0 : i32
      %add3A_1291 = arith.addi %mul3A_1289, %add3A_1290 : i32
      %swap3A_1292 = arith.index_cast %add3A_1291 : i32 to index
      %swap3A_1293 = arith.constant 32 : index
      %swap3A_1294 = tpu.vector_load %arg12[%swap3A_1292, %swap3A_1293] {strides = array<i32>} : memref<512x64xf32, #tpu.memory_space<vmem>>, vector<1x16xf32>,
      %swap3A_1295 = vector.shape_cast %swap3A_1294 : vector<1x16xf32> to vector<16xf32>
      %swap3A_1296 = vector.shape_cast %mul3A_1287 : vector<16xf32> to vector<1x16xf32>
      tpu.vector_store %arg12[%swap3A_1292, %swap3A_1293], %swap3A_1296 {strides = array<i32>} : memref<512x64xf32, #tpu.memory_space<vmem>>, vector<1x16xf32>,
      %mul3A_1297 = arith.constant 2.000000e-02 : f32
      %mul3A_1298 = vector.broadcast %mul3A_1297 : f32 to vector<16xf32>
      %mul3A_1299 = arith.mulf %scan3A_1259#3, %mul3A_1298 : vector<16xf32>
      %mul3A_1300 = arith.constant 2 : i32
      %mul3A_1301 = arith.muli %add3A_1206, %mul3A_1300 : i32
      %add3A_1302 = arith.constant 0 : i32
      %add3A_1303 = arith.addi %mul3A_1301, %add3A_1302 : i32
      %swap3A_1304 = arith.index_cast %add3A_1303 : i32 to index
      %swap3A_1305 = arith.constant 48 : index
      %swap3A_1306 = tpu.vector_load %arg12[%swap3A_1304, %swap3A_1305] {strides = array<i32>} : memref<512x64xf32, #tpu.memory_space<vmem>>, vector<1x16xf32>,
      %swap3A_1307 = vector.shape_cast %swap3A_1306 : vector<1x16xf32> to vector<16xf32>
      %swap3A_1308 = vector.shape_cast %mul3A_1299 : vector<16xf32> to vector<1x16xf32>
      tpu.vector_store %arg12[%swap3A_1304, %swap3A_1305], %swap3A_1308 {strides = array<i32>} : memref<512x64xf32, #tpu.memory_space<vmem>>, vector<1x16xf32>,
      %mul3A_1309 = arith.constant 2.000000e-02 : f32
      %mul3A_1310 = vector.broadcast %mul3A_1309 : f32 to vector<16xf32>
      %mul3A_1311 = arith.mulf %scan3A_1259#4, %mul3A_1310 : vector<16xf32>
      %mul3A_1312 = arith.constant 2 : i32
      %mul3A_1313 = arith.muli %add3A_1206, %mul3A_1312 : i32
      %add3A_1314 = arith.constant 1 : i32
      %add3A_1315 = arith.addi %mul3A_1313, %add3A_1314 : i32
      %swap3A_1316 = arith.index_cast %add3A_1315 : i32 to index
      %swap3A_1317 = arith.constant 0 : index
      %swap3A_1318 = tpu.vector_load %arg12[%swap3A_1316, %swap3A_1317] {strides = array<i32>} : memref<512x64xf32, #tpu.memory_space<vmem>>, vector<1x16xf32>,
      %swap3A_1319 = vector.shape_cast %swap3A_1318 : vector<1x16xf32> to vector<16xf32>
      %swap3A_1320 = vector.shape_cast %mul3A_1311 : vector<16xf32> to vector<1x16xf32>
      tpu.vector_store %arg12[%swap3A_1316, %swap3A_1317], %swap3A_1320 {strides = array<i32>} : memref<512x64xf32, #tpu.memory_space<vmem>>, vector<1x16xf32>,
      %mul3A_1321 = arith.constant 2.000000e-02 : f32
      %mul3A_1322 = vector.broadcast %mul3A_1321 : f32 to vector<16xf32>
      %mul3A_1323 = arith.mulf %scan3A_1259#5, %mul3A_1322 : vector<16xf32>
      %mul3A_1324 = arith.constant 2 : i32
      %mul3A_1325 = arith.muli %add3A_1206, %mul3A_1324 : i32
      %add3A_1326 = arith.constant 1 : i32
      %add3A_1327 = arith.addi %mul3A_1325, %add3A_1326 : i32
      %swap3A_1328 = arith.index_cast %add3A_1327 : i32 to index
      %swap3A_1329 = arith.constant 16 : index
      %swap3A_1330 = tpu.vector_load %arg12[%swap3A_1328, %swap3A_1329] {strides = array<i32>} : memref<512x64xf32, #tpu.memory_space<vmem>>, vector<1x16xf32>,
      %swap3A_1331 = vector.shape_cast %swap3A_1330 : vector<1x16xf32> to vector<16xf32>
      %swap3A_1332 = vector.shape_cast %mul3A_1323 : vector<16xf32> to vector<1x16xf32>
      tpu.vector_store %arg12[%swap3A_1328, %swap3A_1329], %swap3A_1332 {strides = array<i32>} : memref<512x64xf32, #tpu.memory_space<vmem>>, vector<1x16xf32>,
      %mul3A_1333 = arith.constant 2.000000e-02 : f32
      %mul3A_1334 = vector.broadcast %mul3A_1333 : f32 to vector<16xf32>
      %mul3A_1335 = arith.mulf %scan3A_1259#6, %mul3A_1334 : vector<16xf32>
      %mul3A_1336 = arith.constant 2 : i32
      %mul3A_1337 = arith.muli %add3A_1206, %mul3A_1336 : i32
      %add3A_1338 = arith.constant 1 : i32
      %add3A_1339 = arith.addi %mul3A_1337, %add3A_1338 : i32
      %swap3A_1340 = arith.index_cast %add3A_1339 : i32 to index
      %swap3A_1341 = arith.constant 32 : index
      %swap3A_1342 = tpu.vector_load %arg12[%swap3A_1340, %swap3A_1341] {strides = array<i32>} : memref<512x64xf32, #tpu.memory_space<vmem>>, vector<1x16xf32>,
      %swap3A_1343 = vector.shape_cast %swap3A_1342 : vector<1x16xf32> to vector<16xf32>
      %swap3A_1344 = vector.shape_cast %mul3A_1335 : vector<16xf32> to vector<1x16xf32>
      tpu.vector_store %arg12[%swap3A_1340, %swap3A_1341], %swap3A_1344 {strides = array<i32>} : memref<512x64xf32, #tpu.memory_space<vmem>>, vector<1x16xf32>,
      %mul3A_1345 = arith.constant 2.000000e-02 : f32
      %mul3A_1346 = vector.broadcast %mul3A_1345 : f32 to vector<16xf32>
      %mul3A_1347 = arith.mulf %scan3A_1259#7, %mul3A_1346 : vector<16xf32>
      %mul3A_1348 = arith.constant 2 : i32
      %mul3A_1349 = arith.muli %add3A_1206, %mul3A_1348 : i32
      %add3A_1350 = arith.constant 1 : i32
      %add3A_1351 = arith.addi %mul3A_1349, %add3A_1350 : i32
      %swap3A_1352 = arith.index_cast %add3A_1351 : i32 to index
      %swap3A_1353 = arith.constant 48 : index
      %swap3A_1354 = tpu.vector_load %arg12[%swap3A_1352, %swap3A_1353] {strides = array<i32>} : memref<512x64xf32, #tpu.memory_space<vmem>>, vector<1x16xf32>,
      %swap3A_1355 = vector.shape_cast %swap3A_1354 : vector<1x16xf32> to vector<16xf32>
      %swap3A_1356 = vector.shape_cast %mul3A_1347 : vector<16xf32> to vector<1x16xf32>
      tpu.vector_store %arg12[%swap3A_1352, %swap3A_1353], %swap3A_1356 {strides = array<i32>} : memref<512x64xf32, #tpu.memory_space<vmem>>, vector<1x16xf32>,
    }
    %scan3A_39 = arith.constant 42 : i32
    %dma_wait3A = arith.constant 252 : i32
    %dma_wait3A_40 = arith.constant 0 : i32
    %dma_wait3A_41 = tpu.memref_slice %arg5[%dma_wait3A, %dma_wait3A_40] : memref<256x128xi32, #tpu.memory_space<vmem>> -> memref<1x128xi32, #tpu.memory_space<vmem>>
    %dma_wait3A_42 = tpu.memref_squeeze %dma_wait3A_41 : memref<1x128xi32, #tpu.memory_space<vmem>> -> memref<128xi32, #tpu.memory_space<vmem>>
    %dma_wait3A_43 = arith.constant 0 : i32
    %dma_wait3A_44 = arith.constant 0 : i32
    %dma_wait3A_45 = tpu.memref_slice %arg3[%dma_wait3A_43, %dma_wait3A_44] : memref<1000000x64xf32, #tpu.memory_space<hbm>> -> memref<1000000x64xf32, #tpu.memory_space<hbm>>
    tpu.wait_indirect_dma semaphore(%arg13 : memref<!tpu.dma_semaphore, #tpu.memory_space<semaphore_mem>>) src(%dma_wait3A_45 : memref<1000000x64xf32, #tpu.memory_space<hbm>>) dst(%arg6 : memref<128x64xf32, #tpu.memory_space<vmem>>)
    %broadcast_in_dim3A = arith.constant 0.000000e+00 : f32
    %broadcast_in_dim3A_46 = vector.broadcast %broadcast_in_dim3A : f32 to vector<16xf32>
    %broadcast_in_dim3A_47 = arith.constant 0.000000e+00 : f32
    %broadcast_in_dim3A_48 = vector.broadcast %broadcast_in_dim3A_47 : f32 to vector<16xf32>
    %broadcast_in_dim3A_49 = arith.constant 0.000000e+00 : f32
    %broadcast_in_dim3A_50 = vector.broadcast %broadcast_in_dim3A_49 : f32 to vector<16xf32>
    %broadcast_in_dim3A_51 = arith.constant 0.000000e+00 : f32
    %broadcast_in_dim3A_52 = vector.broadcast %broadcast_in_dim3A_51 : f32 to vector<16xf32>
    %broadcast_in_dim3A_53 = arith.constant 0.000000e+00 : f32
    %broadcast_in_dim3A_54 = vector.broadcast %broadcast_in_dim3A_53 : f32 to vector<16xf32>
    %broadcast_in_dim3A_55 = arith.constant 0.000000e+00 : f32
    %broadcast_in_dim3A_56 = vector.broadcast %broadcast_in_dim3A_55 : f32 to vector<16xf32>
    %broadcast_in_dim3A_57 = arith.constant 0.000000e+00 : f32
    %broadcast_in_dim3A_58 = vector.broadcast %broadcast_in_dim3A_57 : f32 to vector<16xf32>
    %broadcast_in_dim3A_59 = arith.constant 0.000000e+00 : f32
    %broadcast_in_dim3A_60 = vector.broadcast %broadcast_in_dim3A_59 : f32 to vector<16xf32>
    %scan3A_61 = arith.constant 0 : i32
    %scan3A_62 = arith.constant 50 : i32
    %scan3A_63 = arith.addi %scan3A_61, %scan3A_62 : i32
    %scan3A_64 = arith.constant 1 : i32
    %scan3A_65:8 = scf.for %scan3A_450 = %scan3A_61 to %scan3A_63 step %scan3A_64 iter_args(%scan3A_451 = %broadcast_in_dim3A_46, %scan3A_452 = %broadcast_in_dim3A_48, %scan3A_453 = %broadcast_in_dim3A_50, %scan3A_454 = %broadcast_in_dim3A_52, %scan3A_455 = %broadcast_in_dim3A_54, %scan3A_456 = %broadcast_in_dim3A_56, %scan3A_457 = %broadcast_in_dim3A_58, %scan3A_458 = %broadcast_in_dim3A_60) -> (vector<16xf32>, vector<16xf32>, vector<16xf32>, vector<16xf32>, vector<16xf32>, vector<16xf32>, vector<16xf32>, vector<16xf32>)  : i32 {
      %add3A_459 = arith.constant 0 : i32
      %add3A_460 = arith.addi %add3A_459, %scan3A_450 : i32
      %get3A = arith.index_cast %add3A_460 : i32 to index
      %get3A_461 = arith.constant 0 : index
      %get3A_462 = tpu.vector_load %arg6[%get3A, %get3A_461] {strides = array<i32>} : memref<128x64xf32, #tpu.memory_space<vmem>>, vector<1x16xf32>,
      %get3A_463 = vector.shape_cast %get3A_462 : vector<1x16xf32> to vector<16xf32>
      %add3A_464 = arith.addf %scan3A_451, %get3A_463 : vector<16xf32>
      %add3A_465 = arith.constant 0 : i32
      %add3A_466 = arith.addi %add3A_465, %scan3A_450 : i32
      %get3A_467 = arith.index_cast %add3A_466 : i32 to index
      %get3A_468 = arith.constant 16 : index
      %get3A_469 = tpu.vector_load %arg6[%get3A_467, %get3A_468] {strides = array<i32>} : memref<128x64xf32, #tpu.memory_space<vmem>>, vector<1x16xf32>,
      %get3A_470 = vector.shape_cast %get3A_469 : vector<1x16xf32> to vector<16xf32>
      %add3A_471 = arith.addf %scan3A_452, %get3A_470 : vector<16xf32>
      %add3A_472 = arith.constant 0 : i32
      %add3A_473 = arith.addi %add3A_472, %scan3A_450 : i32
      %get3A_474 = arith.index_cast %add3A_473 : i32 to index
      %get3A_475 = arith.constant 32 : index
      %get3A_476 = tpu.vector_load %arg6[%get3A_474, %get3A_475] {strides = array<i32>} : memref<128x64xf32, #tpu.memory_space<vmem>>, vector<1x16xf32>,
      %get3A_477 = vector.shape_cast %get3A_476 : vector<1x16xf32> to vector<16xf32>
      %add3A_478 = arith.addf %scan3A_453, %get3A_477 : vector<16xf32>
      %add3A_479 = arith.constant 0 : i32
      %add3A_480 = arith.addi %add3A_479, %scan3A_450 : i32
      %get3A_481 = arith.index_cast %add3A_480 : i32 to index
      %get3A_482 = arith.constant 48 : index
      %get3A_483 = tpu.vector_load %arg6[%get3A_481, %get3A_482] {strides = array<i32>} : memref<128x64xf32, #tpu.memory_space<vmem>>, vector<1x16xf32>,
      %get3A_484 = vector.shape_cast %get3A_483 : vector<1x16xf32> to vector<16xf32>
      %add3A_485 = arith.addf %scan3A_454, %get3A_484 : vector<16xf32>
      %add3A_486 = arith.constant 50 : i32
      %add3A_487 = arith.addi %add3A_486, %scan3A_450 : i32
      %get3A_488 = arith.index_cast %add3A_487 : i32 to index
      %get3A_489 = arith.constant 0 : index
      %get3A_490 = tpu.vector_load %arg6[%get3A_488, %get3A_489] {strides = array<i32>} : memref<128x64xf32, #tpu.memory_space<vmem>>, vector<1x16xf32>,
      %get3A_491 = vector.shape_cast %get3A_490 : vector<1x16xf32> to vector<16xf32>
      %add3A_492 = arith.addf %scan3A_455, %get3A_491 : vector<16xf32>
      %add3A_493 = arith.constant 50 : i32
      %add3A_494 = arith.addi %add3A_493, %scan3A_450 : i32
      %get3A_495 = arith.index_cast %add3A_494 : i32 to index
      %get3A_496 = arith.constant 16 : index
      %get3A_497 = tpu.vector_load %arg6[%get3A_495, %get3A_496] {strides = array<i32>} : memref<128x64xf32, #tpu.memory_space<vmem>>, vector<1x16xf32>,
      %get3A_498 = vector.shape_cast %get3A_497 : vector<1x16xf32> to vector<16xf32>
      %add3A_499 = arith.addf %scan3A_456, %get3A_498 : vector<16xf32>
      %add3A_500 = arith.constant 50 : i32
      %add3A_501 = arith.addi %add3A_500, %scan3A_450 : i32
      %get3A_502 = arith.index_cast %add3A_501 : i32 to index
      %get3A_503 = arith.constant 32 : index
      %get3A_504 = tpu.vector_load %arg6[%get3A_502, %get3A_503] {strides = array<i32>} : memref<128x64xf32, #tpu.memory_space<vmem>>, vector<1x16xf32>,
      %get3A_505 = vector.shape_cast %get3A_504 : vector<1x16xf32> to vector<16xf32>
      %add3A_506 = arith.addf %scan3A_457, %get3A_505 : vector<16xf32>
      %add3A_507 = arith.constant 50 : i32
      %add3A_508 = arith.addi %add3A_507, %scan3A_450 : i32
      %get3A_509 = arith.index_cast %add3A_508 : i32 to index
      %get3A_510 = arith.constant 48 : index
      %get3A_511 = tpu.vector_load %arg6[%get3A_509, %get3A_510] {strides = array<i32>} : memref<128x64xf32, #tpu.memory_space<vmem>>, vector<1x16xf32>,
      %get3A_512 = vector.shape_cast %get3A_511 : vector<1x16xf32> to vector<16xf32>
      %add3A_513 = arith.addf %scan3A_458, %get3A_512 : vector<16xf32>
      scf.yield %add3A_464, %add3A_471, %add3A_478, %add3A_485, %add3A_492, %add3A_499, %add3A_506, %add3A_513 : vector<16xf32>, vector<16xf32>, vector<16xf32>, vector<16xf32>, vector<16xf32>, vector<16xf32>, vector<16xf32>, vector<16xf32>
    }
    %scan3A_66 = arith.constant 50 : i32
    %mul3A_67 = arith.constant 2.000000e-02 : f32
    %mul3A_68 = vector.broadcast %mul3A_67 : f32 to vector<16xf32>
    %mul3A_69 = arith.mulf %scan3A_65#0, %mul3A_68 : vector<16xf32>
    %swap3A = arith.constant 504 : i32
    %swap3A_70 = arith.index_cast %swap3A : i32 to index
    %swap3A_71 = arith.constant 0 : index
    %swap3A_72 = tpu.vector_load %arg12[%swap3A_70, %swap3A_71] {strides = array<i32>} : memref<512x64xf32, #tpu.memory_space<vmem>>, vector<1x16xf32>,
    %swap3A_73 = vector.shape_cast %swap3A_72 : vector<1x16xf32> to vector<16xf32>
    %swap3A_74 = vector.shape_cast %mul3A_69 : vector<16xf32> to vector<1x16xf32>
    tpu.vector_store %arg12[%swap3A_70, %swap3A_71], %swap3A_74 {strides = array<i32>} : memref<512x64xf32, #tpu.memory_space<vmem>>, vector<1x16xf32>,
    %mul3A_75 = arith.constant 2.000000e-02 : f32
    %mul3A_76 = vector.broadcast %mul3A_75 : f32 to vector<16xf32>
    %mul3A_77 = arith.mulf %scan3A_65#1, %mul3A_76 : vector<16xf32>
    %swap3A_78 = arith.constant 504 : i32
    %swap3A_79 = arith.index_cast %swap3A_78 : i32 to index
    %swap3A_80 = arith.constant 16 : index
    %swap3A_81 = tpu.vector_load %arg12[%swap3A_79, %swap3A_80] {strides = array<i32>} : memref<512x64xf32, #tpu.memory_space<vmem>>, vector<1x16xf32>,
    %swap3A_82 = vector.shape_cast %swap3A_81 : vector<1x16xf32> to vector<16xf32>
    %swap3A_83 = vector.shape_cast %mul3A_77 : vector<16xf32> to vector<1x16xf32>
    tpu.vector_store %arg12[%swap3A_79, %swap3A_80], %swap3A_83 {strides = array<i32>} : memref<512x64xf32, #tpu.memory_space<vmem>>, vector<1x16xf32>,
    %mul3A_84 = arith.constant 2.000000e-02 : f32
    %mul3A_85 = vector.broadcast %mul3A_84 : f32 to vector<16xf32>
    %mul3A_86 = arith.mulf %scan3A_65#2, %mul3A_85 : vector<16xf32>
    %swap3A_87 = arith.constant 504 : i32
    %swap3A_88 = arith.index_cast %swap3A_87 : i32 to index
    %swap3A_89 = arith.constant 32 : index
    %swap3A_90 = tpu.vector_load %arg12[%swap3A_88, %swap3A_89] {strides = array<i32>} : memref<512x64xf32, #tpu.memory_space<vmem>>, vector<1x16xf32>,
    %swap3A_91 = vector.shape_cast %swap3A_90 : vector<1x16xf32> to vector<16xf32>
    %swap3A_92 = vector.shape_cast %mul3A_86 : vector<16xf32> to vector<1x16xf32>
    tpu.vector_store %arg12[%swap3A_88, %swap3A_89], %swap3A_92 {strides = array<i32>} : memref<512x64xf32, #tpu.memory_space<vmem>>, vector<1x16xf32>,
    %mul3A_93 = arith.constant 2.000000e-02 : f32
    %mul3A_94 = vector.broadcast %mul3A_93 : f32 to vector<16xf32>
    %mul3A_95 = arith.mulf %scan3A_65#3, %mul3A_94 : vector<16xf32>
    %swap3A_96 = arith.constant 504 : i32
    %swap3A_97 = arith.index_cast %swap3A_96 : i32 to index
    %swap3A_98 = arith.constant 48 : index
    %swap3A_99 = tpu.vector_load %arg12[%swap3A_97, %swap3A_98] {strides = array<i32>} : memref<512x64xf32, #tpu.memory_space<vmem>>, vector<1x16xf32>,
    %swap3A_100 = vector.shape_cast %swap3A_99 : vector<1x16xf32> to vector<16xf32>
    %swap3A_101 = vector.shape_cast %mul3A_95 : vector<16xf32> to vector<1x16xf32>
    tpu.vector_store %arg12[%swap3A_97, %swap3A_98], %swap3A_101 {strides = array<i32>} : memref<512x64xf32, #tpu.memory_space<vmem>>, vector<1x16xf32>,
    %mul3A_102 = arith.constant 2.000000e-02 : f32
    %mul3A_103 = vector.broadcast %mul3A_102 : f32 to vector<16xf32>
    %mul3A_104 = arith.mulf %scan3A_65#4, %mul3A_103 : vector<16xf32>
    %swap3A_105 = arith.constant 505 : i32
    %swap3A_106 = arith.index_cast %swap3A_105 : i32 to index
    %swap3A_107 = arith.constant 0 : index
    %swap3A_108 = tpu.vector_load %arg12[%swap3A_106, %swap3A_107] {strides = array<i32>} : memref<512x64xf32, #tpu.memory_space<vmem>>, vector<1x16xf32>,
    %swap3A_109 = vector.shape_cast %swap3A_108 : vector<1x16xf32> to vector<16xf32>
    %swap3A_110 = vector.shape_cast %mul3A_104 : vector<16xf32> to vector<1x16xf32>
    tpu.vector_store %arg12[%swap3A_106, %swap3A_107], %swap3A_110 {strides = array<i32>} : memref<512x64xf32, #tpu.memory_space<vmem>>, vector<1x16xf32>,
    %mul3A_111 = arith.constant 2.000000e-02 : f32
    %mul3A_112 = vector.broadcast %mul3A_111 : f32 to vector<16xf32>
    %mul3A_113 = arith.mulf %scan3A_65#5, %mul3A_112 : vector<16xf32>
    %swap3A_114 = arith.constant 505 : i32
    %swap3A_115 = arith.index_cast %swap3A_114 : i32 to index
    %swap3A_116 = arith.constant 16 : index
    %swap3A_117 = tpu.vector_load %arg12[%swap3A_115, %swap3A_116] {strides = array<i32>} : memref<512x64xf32, #tpu.memory_space<vmem>>, vector<1x16xf32>,
    %swap3A_118 = vector.shape_cast %swap3A_117 : vector<1x16xf32> to vector<16xf32>
    %swap3A_119 = vector.shape_cast %mul3A_113 : vector<16xf32> to vector<1x16xf32>
    tpu.vector_store %arg12[%swap3A_115, %swap3A_116], %swap3A_119 {strides = array<i32>} : memref<512x64xf32, #tpu.memory_space<vmem>>, vector<1x16xf32>,
    %mul3A_120 = arith.constant 2.000000e-02 : f32
    %mul3A_121 = vector.broadcast %mul3A_120 : f32 to vector<16xf32>
    %mul3A_122 = arith.mulf %scan3A_65#6, %mul3A_121 : vector<16xf32>
    %swap3A_123 = arith.constant 505 : i32
    %swap3A_124 = arith.index_cast %swap3A_123 : i32 to index
    %swap3A_125 = arith.constant 32 : index
    %swap3A_126 = tpu.vector_load %arg12[%swap3A_124, %swap3A_125] {strides = array<i32>} : memref<512x64xf32, #tpu.memory_space<vmem>>, vector<1x16xf32>,
    %swap3A_127 = vector.shape_cast %swap3A_126 : vector<1x16xf32> to vector<16xf32>
    %swap3A_128 = vector.shape_cast %mul3A_122 : vector<16xf32> to vector<1x16xf32>
    tpu.vector_store %arg12[%swap3A_124, %swap3A_125], %swap3A_128 {strides = array<i32>} : memref<512x64xf32, #tpu.memory_space<vmem>>, vector<1x16xf32>,
    %mul3A_129 = arith.constant 2.000000e-02 : f32
    %mul3A_130 = vector.broadcast %mul3A_129 : f32 to vector<16xf32>
    %mul3A_131 = arith.mulf %scan3A_65#7, %mul3A_130 : vector<16xf32>
    %swap3A_132 = arith.constant 505 : i32
    %swap3A_133 = arith.index_cast %swap3A_132 : i32 to index
    %swap3A_134 = arith.constant 48 : index
    %swap3A_135 = tpu.vector_load %arg12[%swap3A_133, %swap3A_134] {strides = array<i32>} : memref<512x64xf32, #tpu.memory_space<vmem>>, vector<1x16xf32>,
    %swap3A_136 = vector.shape_cast %swap3A_135 : vector<1x16xf32> to vector<16xf32>
    %swap3A_137 = vector.shape_cast %mul3A_131 : vector<16xf32> to vector<1x16xf32>
    tpu.vector_store %arg12[%swap3A_133, %swap3A_134], %swap3A_137 {strides = array<i32>} : memref<512x64xf32, #tpu.memory_space<vmem>>, vector<1x16xf32>,
    %dma_wait3A_138 = arith.constant 253 : i32
    %dma_wait3A_139 = arith.constant 0 : i32
    %dma_wait3A_140 = tpu.memref_slice %arg5[%dma_wait3A_138, %dma_wait3A_139] : memref<256x128xi32, #tpu.memory_space<vmem>> -> memref<1x128xi32, #tpu.memory_space<vmem>>
    %dma_wait3A_141 = tpu.memref_squeeze %dma_wait3A_140 : memref<1x128xi32, #tpu.memory_space<vmem>> -> memref<128xi32, #tpu.memory_space<vmem>>
    %dma_wait3A_142 = arith.constant 0 : i32
    %dma_wait3A_143 = arith.constant 0 : i32
    %dma_wait3A_144 = tpu.memref_slice %arg3[%dma_wait3A_142, %dma_wait3A_143] : memref<1000000x64xf32, #tpu.memory_space<hbm>> -> memref<1000000x64xf32, #tpu.memory_space<hbm>>
    tpu.wait_indirect_dma semaphore(%arg14 : memref<!tpu.dma_semaphore, #tpu.memory_space<semaphore_mem>>) src(%dma_wait3A_144 : memref<1000000x64xf32, #tpu.memory_space<hbm>>) dst(%arg7 : memref<128x64xf32, #tpu.memory_space<vmem>>)
    %broadcast_in_dim3A_145 = arith.constant 0.000000e+00 : f32
    %broadcast_in_dim3A_146 = vector.broadcast %broadcast_in_dim3A_145 : f32 to vector<16xf32>
    %broadcast_in_dim3A_147 = arith.constant 0.000000e+00 : f32
    %broadcast_in_dim3A_148 = vector.broadcast %broadcast_in_dim3A_147 : f32 to vector<16xf32>
    %broadcast_in_dim3A_149 = arith.constant 0.000000e+00 : f32
    %broadcast_in_dim3A_150 = vector.broadcast %broadcast_in_dim3A_149 : f32 to vector<16xf32>
    %broadcast_in_dim3A_151 = arith.constant 0.000000e+00 : f32
    %broadcast_in_dim3A_152 = vector.broadcast %broadcast_in_dim3A_151 : f32 to vector<16xf32>
    %broadcast_in_dim3A_153 = arith.constant 0.000000e+00 : f32
    %broadcast_in_dim3A_154 = vector.broadcast %broadcast_in_dim3A_153 : f32 to vector<16xf32>
    %broadcast_in_dim3A_155 = arith.constant 0.000000e+00 : f32
    %broadcast_in_dim3A_156 = vector.broadcast %broadcast_in_dim3A_155 : f32 to vector<16xf32>
    %broadcast_in_dim3A_157 = arith.constant 0.000000e+00 : f32
    %broadcast_in_dim3A_158 = vector.broadcast %broadcast_in_dim3A_157 : f32 to vector<16xf32>
    %broadcast_in_dim3A_159 = arith.constant 0.000000e+00 : f32
    %broadcast_in_dim3A_160 = vector.broadcast %broadcast_in_dim3A_159 : f32 to vector<16xf32>
    %scan3A_161 = arith.constant 0 : i32
    %scan3A_162 = arith.constant 50 : i32
    %scan3A_163 = arith.addi %scan3A_161, %scan3A_162 : i32
    %scan3A_164 = arith.constant 1 : i32
    %scan3A_165:8 = scf.for %scan3A_450 = %scan3A_161 to %scan3A_163 step %scan3A_164 iter_args(%scan3A_451 = %broadcast_in_dim3A_146, %scan3A_452 = %broadcast_in_dim3A_148, %scan3A_453 = %broadcast_in_dim3A_150, %scan3A_454 = %broadcast_in_dim3A_152, %scan3A_455 = %broadcast_in_dim3A_154, %scan3A_456 = %broadcast_in_dim3A_156, %scan3A_457 = %broadcast_in_dim3A_158, %scan3A_458 = %broadcast_in_dim3A_160) -> (vector<16xf32>, vector<16xf32>, vector<16xf32>, vector<16xf32>, vector<16xf32>, vector<16xf32>, vector<16xf32>, vector<16xf32>)  : i32 {
      %add3A_459 = arith.constant 0 : i32
      %add3A_460 = arith.addi %add3A_459, %scan3A_450 : i32
      %get3A = arith.index_cast %add3A_460 : i32 to index
      %get3A_461 = arith.constant 0 : index
      %get3A_462 = tpu.vector_load %arg7[%get3A, %get3A_461] {strides = array<i32>} : memref<128x64xf32, #tpu.memory_space<vmem>>, vector<1x16xf32>,
      %get3A_463 = vector.shape_cast %get3A_462 : vector<1x16xf32> to vector<16xf32>
      %add3A_464 = arith.addf %scan3A_451, %get3A_463 : vector<16xf32>
      %add3A_465 = arith.constant 0 : i32
      %add3A_466 = arith.addi %add3A_465, %scan3A_450 : i32
      %get3A_467 = arith.index_cast %add3A_466 : i32 to index
      %get3A_468 = arith.constant 16 : index
      %get3A_469 = tpu.vector_load %arg7[%get3A_467, %get3A_468] {strides = array<i32>} : memref<128x64xf32, #tpu.memory_space<vmem>>, vector<1x16xf32>,
      %get3A_470 = vector.shape_cast %get3A_469 : vector<1x16xf32> to vector<16xf32>
      %add3A_471 = arith.addf %scan3A_452, %get3A_470 : vector<16xf32>
      %add3A_472 = arith.constant 0 : i32
      %add3A_473 = arith.addi %add3A_472, %scan3A_450 : i32
      %get3A_474 = arith.index_cast %add3A_473 : i32 to index
      %get3A_475 = arith.constant 32 : index
      %get3A_476 = tpu.vector_load %arg7[%get3A_474, %get3A_475] {strides = array<i32>} : memref<128x64xf32, #tpu.memory_space<vmem>>, vector<1x16xf32>,
      %get3A_477 = vector.shape_cast %get3A_476 : vector<1x16xf32> to vector<16xf32>
      %add3A_478 = arith.addf %scan3A_453, %get3A_477 : vector<16xf32>
      %add3A_479 = arith.constant 0 : i32
      %add3A_480 = arith.addi %add3A_479, %scan3A_450 : i32
      %get3A_481 = arith.index_cast %add3A_480 : i32 to index
      %get3A_482 = arith.constant 48 : index
      %get3A_483 = tpu.vector_load %arg7[%get3A_481, %get3A_482] {strides = array<i32>} : memref<128x64xf32, #tpu.memory_space<vmem>>, vector<1x16xf32>,
      %get3A_484 = vector.shape_cast %get3A_483 : vector<1x16xf32> to vector<16xf32>
      %add3A_485 = arith.addf %scan3A_454, %get3A_484 : vector<16xf32>
      %add3A_486 = arith.constant 50 : i32
      %add3A_487 = arith.addi %add3A_486, %scan3A_450 : i32
      %get3A_488 = arith.index_cast %add3A_487 : i32 to index
      %get3A_489 = arith.constant 0 : index
      %get3A_490 = tpu.vector_load %arg7[%get3A_488, %get3A_489] {strides = array<i32>} : memref<128x64xf32, #tpu.memory_space<vmem>>, vector<1x16xf32>,
      %get3A_491 = vector.shape_cast %get3A_490 : vector<1x16xf32> to vector<16xf32>
      %add3A_492 = arith.addf %scan3A_455, %get3A_491 : vector<16xf32>
      %add3A_493 = arith.constant 50 : i32
      %add3A_494 = arith.addi %add3A_493, %scan3A_450 : i32
      %get3A_495 = arith.index_cast %add3A_494 : i32 to index
      %get3A_496 = arith.constant 16 : index
      %get3A_497 = tpu.vector_load %arg7[%get3A_495, %get3A_496] {strides = array<i32>} : memref<128x64xf32, #tpu.memory_space<vmem>>, vector<1x16xf32>,
      %get3A_498 = vector.shape_cast %get3A_497 : vector<1x16xf32> to vector<16xf32>
      %add3A_499 = arith.addf %scan3A_456, %get3A_498 : vector<16xf32>
      %add3A_500 = arith.constant 50 : i32
      %add3A_501 = arith.addi %add3A_500, %scan3A_450 : i32
      %get3A_502 = arith.index_cast %add3A_501 : i32 to index
      %get3A_503 = arith.constant 32 : index
      %get3A_504 = tpu.vector_load %arg7[%get3A_502, %get3A_503] {strides = array<i32>} : memref<128x64xf32, #tpu.memory_space<vmem>>, vector<1x16xf32>,
      %get3A_505 = vector.shape_cast %get3A_504 : vector<1x16xf32> to vector<16xf32>
      %add3A_506 = arith.addf %scan3A_457, %get3A_505 : vector<16xf32>
      %add3A_507 = arith.constant 50 : i32
      %add3A_508 = arith.addi %add3A_507, %scan3A_450 : i32
      %get3A_509 = arith.index_cast %add3A_508 : i32 to index
      %get3A_510 = arith.constant 48 : index
      %get3A_511 = tpu.vector_load %arg7[%get3A_509, %get3A_510] {strides = array<i32>} : memref<128x64xf32, #tpu.memory_space<vmem>>, vector<1x16xf32>,
      %get3A_512 = vector.shape_cast %get3A_511 : vector<1x16xf32> to vector<16xf32>
      %add3A_513 = arith.addf %scan3A_458, %get3A_512 : vector<16xf32>
      scf.yield %add3A_464, %add3A_471, %add3A_478, %add3A_485, %add3A_492, %add3A_499, %add3A_506, %add3A_513 : vector<16xf32>, vector<16xf32>, vector<16xf32>, vector<16xf32>, vector<16xf32>, vector<16xf32>, vector<16xf32>, vector<16xf32>
    }
    %scan3A_166 = arith.constant 50 : i32
    %mul3A_167 = arith.constant 2.000000e-02 : f32
    %mul3A_168 = vector.broadcast %mul3A_167 : f32 to vector<16xf32>
    %mul3A_169 = arith.mulf %scan3A_165#0, %mul3A_168 : vector<16xf32>
    %swap3A_170 = arith.constant 506 : i32
    %swap3A_171 = arith.index_cast %swap3A_170 : i32 to index
    %swap3A_172 = arith.constant 0 : index
    %swap3A_173 = tpu.vector_load %arg12[%swap3A_171, %swap3A_172] {strides = array<i32>} : memref<512x64xf32, #tpu.memory_space<vmem>>, vector<1x16xf32>,
    %swap3A_174 = vector.shape_cast %swap3A_173 : vector<1x16xf32> to vector<16xf32>
    %swap3A_175 = vector.shape_cast %mul3A_169 : vector<16xf32> to vector<1x16xf32>
    tpu.vector_store %arg12[%swap3A_171, %swap3A_172], %swap3A_175 {strides = array<i32>} : memref<512x64xf32, #tpu.memory_space<vmem>>, vector<1x16xf32>,
    %mul3A_176 = arith.constant 2.000000e-02 : f32
    %mul3A_177 = vector.broadcast %mul3A_176 : f32 to vector<16xf32>
    %mul3A_178 = arith.mulf %scan3A_165#1, %mul3A_177 : vector<16xf32>
    %swap3A_179 = arith.constant 506 : i32
    %swap3A_180 = arith.index_cast %swap3A_179 : i32 to index
    %swap3A_181 = arith.constant 16 : index
    %swap3A_182 = tpu.vector_load %arg12[%swap3A_180, %swap3A_181] {strides = array<i32>} : memref<512x64xf32, #tpu.memory_space<vmem>>, vector<1x16xf32>,
    %swap3A_183 = vector.shape_cast %swap3A_182 : vector<1x16xf32> to vector<16xf32>
    %swap3A_184 = vector.shape_cast %mul3A_178 : vector<16xf32> to vector<1x16xf32>
    tpu.vector_store %arg12[%swap3A_180, %swap3A_181], %swap3A_184 {strides = array<i32>} : memref<512x64xf32, #tpu.memory_space<vmem>>, vector<1x16xf32>,
    %mul3A_185 = arith.constant 2.000000e-02 : f32
    %mul3A_186 = vector.broadcast %mul3A_185 : f32 to vector<16xf32>
    %mul3A_187 = arith.mulf %scan3A_165#2, %mul3A_186 : vector<16xf32>
    %swap3A_188 = arith.constant 506 : i32
    %swap3A_189 = arith.index_cast %swap3A_188 : i32 to index
    %swap3A_190 = arith.constant 32 : index
    %swap3A_191 = tpu.vector_load %arg12[%swap3A_189, %swap3A_190] {strides = array<i32>} : memref<512x64xf32, #tpu.memory_space<vmem>>, vector<1x16xf32>,
    %swap3A_192 = vector.shape_cast %swap3A_191 : vector<1x16xf32> to vector<16xf32>
    %swap3A_193 = vector.shape_cast %mul3A_187 : vector<16xf32> to vector<1x16xf32>
    tpu.vector_store %arg12[%swap3A_189, %swap3A_190], %swap3A_193 {strides = array<i32>} : memref<512x64xf32, #tpu.memory_space<vmem>>, vector<1x16xf32>,
    %mul3A_194 = arith.constant 2.000000e-02 : f32
    %mul3A_195 = vector.broadcast %mul3A_194 : f32 to vector<16xf32>
    %mul3A_196 = arith.mulf %scan3A_165#3, %mul3A_195 : vector<16xf32>
    %swap3A_197 = arith.constant 506 : i32
    %swap3A_198 = arith.index_cast %swap3A_197 : i32 to index
    %swap3A_199 = arith.constant 48 : index
    %swap3A_200 = tpu.vector_load %arg12[%swap3A_198, %swap3A_199] {strides = array<i32>} : memref<512x64xf32, #tpu.memory_space<vmem>>, vector<1x16xf32>,
    %swap3A_201 = vector.shape_cast %swap3A_200 : vector<1x16xf32> to vector<16xf32>
    %swap3A_202 = vector.shape_cast %mul3A_196 : vector<16xf32> to vector<1x16xf32>
    tpu.vector_store %arg12[%swap3A_198, %swap3A_199], %swap3A_202 {strides = array<i32>} : memref<512x64xf32, #tpu.memory_space<vmem>>, vector<1x16xf32>,
    %mul3A_203 = arith.constant 2.000000e-02 : f32
    %mul3A_204 = vector.broadcast %mul3A_203 : f32 to vector<16xf32>
    %mul3A_205 = arith.mulf %scan3A_165#4, %mul3A_204 : vector<16xf32>
    %swap3A_206 = arith.constant 507 : i32
    %swap3A_207 = arith.index_cast %swap3A_206 : i32 to index
    %swap3A_208 = arith.constant 0 : index
    %swap3A_209 = tpu.vector_load %arg12[%swap3A_207, %swap3A_208] {strides = array<i32>} : memref<512x64xf32, #tpu.memory_space<vmem>>, vector<1x16xf32>,
    %swap3A_210 = vector.shape_cast %swap3A_209 : vector<1x16xf32> to vector<16xf32>
    %swap3A_211 = vector.shape_cast %mul3A_205 : vector<16xf32> to vector<1x16xf32>
    tpu.vector_store %arg12[%swap3A_207, %swap3A_208], %swap3A_211 {strides = array<i32>} : memref<512x64xf32, #tpu.memory_space<vmem>>, vector<1x16xf32>,
    %mul3A_212 = arith.constant 2.000000e-02 : f32
    %mul3A_213 = vector.broadcast %mul3A_212 : f32 to vector<16xf32>
    %mul3A_214 = arith.mulf %scan3A_165#5, %mul3A_213 : vector<16xf32>
    %swap3A_215 = arith.constant 507 : i32
    %swap3A_216 = arith.index_cast %swap3A_215 : i32 to index
    %swap3A_217 = arith.constant 16 : index
    %swap3A_218 = tpu.vector_load %arg12[%swap3A_216, %swap3A_217] {strides = array<i32>} : memref<512x64xf32, #tpu.memory_space<vmem>>, vector<1x16xf32>,
    %swap3A_219 = vector.shape_cast %swap3A_218 : vector<1x16xf32> to vector<16xf32>
    %swap3A_220 = vector.shape_cast %mul3A_214 : vector<16xf32> to vector<1x16xf32>
    tpu.vector_store %arg12[%swap3A_216, %swap3A_217], %swap3A_220 {strides = array<i32>} : memref<512x64xf32, #tpu.memory_space<vmem>>, vector<1x16xf32>,
    %mul3A_221 = arith.constant 2.000000e-02 : f32
    %mul3A_222 = vector.broadcast %mul3A_221 : f32 to vector<16xf32>
    %mul3A_223 = arith.mulf %scan3A_165#6, %mul3A_222 : vector<16xf32>
    %swap3A_224 = arith.constant 507 : i32
    %swap3A_225 = arith.index_cast %swap3A_224 : i32 to index
    %swap3A_226 = arith.constant 32 : index
    %swap3A_227 = tpu.vector_load %arg12[%swap3A_225, %swap3A_226] {strides = array<i32>} : memref<512x64xf32, #tpu.memory_space<vmem>>, vector<1x16xf32>,
    %swap3A_228 = vector.shape_cast %swap3A_227 : vector<1x16xf32> to vector<16xf32>
    %swap3A_229 = vector.shape_cast %mul3A_223 : vector<16xf32> to vector<1x16xf32>
    tpu.vector_store %arg12[%swap3A_225, %swap3A_226], %swap3A_229 {strides = array<i32>} : memref<512x64xf32, #tpu.memory_space<vmem>>, vector<1x16xf32>,
    %mul3A_230 = arith.constant 2.000000e-02 : f32
    %mul3A_231 = vector.broadcast %mul3A_230 : f32 to vector<16xf32>
    %mul3A_232 = arith.mulf %scan3A_165#7, %mul3A_231 : vector<16xf32>
    %swap3A_233 = arith.constant 507 : i32
    %swap3A_234 = arith.index_cast %swap3A_233 : i32 to index
    %swap3A_235 = arith.constant 48 : index
    %swap3A_236 = tpu.vector_load %arg12[%swap3A_234, %swap3A_235] {strides = array<i32>} : memref<512x64xf32, #tpu.memory_space<vmem>>, vector<1x16xf32>,
    %swap3A_237 = vector.shape_cast %swap3A_236 : vector<1x16xf32> to vector<16xf32>
    %swap3A_238 = vector.shape_cast %mul3A_232 : vector<16xf32> to vector<1x16xf32>
    tpu.vector_store %arg12[%swap3A_234, %swap3A_235], %swap3A_238 {strides = array<i32>} : memref<512x64xf32, #tpu.memory_space<vmem>>, vector<1x16xf32>,
    %dma_wait3A_239 = arith.constant 254 : i32
    %dma_wait3A_240 = arith.constant 0 : i32
    %dma_wait3A_241 = tpu.memref_slice %arg5[%dma_wait3A_239, %dma_wait3A_240] : memref<256x128xi32, #tpu.memory_space<vmem>> -> memref<1x128xi32, #tpu.memory_space<vmem>>
    %dma_wait3A_242 = tpu.memref_squeeze %dma_wait3A_241 : memref<1x128xi32, #tpu.memory_space<vmem>> -> memref<128xi32, #tpu.memory_space<vmem>>
    %dma_wait3A_243 = arith.constant 0 : i32
    %dma_wait3A_244 = arith.constant 0 : i32
    %dma_wait3A_245 = tpu.memref_slice %arg3[%dma_wait3A_243, %dma_wait3A_244] : memref<1000000x64xf32, #tpu.memory_space<hbm>> -> memref<1000000x64xf32, #tpu.memory_space<hbm>>
    tpu.wait_indirect_dma semaphore(%arg15 : memref<!tpu.dma_semaphore, #tpu.memory_space<semaphore_mem>>) src(%dma_wait3A_245 : memref<1000000x64xf32, #tpu.memory_space<hbm>>) dst(%arg8 : memref<128x64xf32, #tpu.memory_space<vmem>>)
    %broadcast_in_dim3A_246 = arith.constant 0.000000e+00 : f32
    %broadcast_in_dim3A_247 = vector.broadcast %broadcast_in_dim3A_246 : f32 to vector<16xf32>
    %broadcast_in_dim3A_248 = arith.constant 0.000000e+00 : f32
    %broadcast_in_dim3A_249 = vector.broadcast %broadcast_in_dim3A_248 : f32 to vector<16xf32>
    %broadcast_in_dim3A_250 = arith.constant 0.000000e+00 : f32
    %broadcast_in_dim3A_251 = vector.broadcast %broadcast_in_dim3A_250 : f32 to vector<16xf32>
    %broadcast_in_dim3A_252 = arith.constant 0.000000e+00 : f32
    %broadcast_in_dim3A_253 = vector.broadcast %broadcast_in_dim3A_252 : f32 to vector<16xf32>
    %broadcast_in_dim3A_254 = arith.constant 0.000000e+00 : f32
    %broadcast_in_dim3A_255 = vector.broadcast %broadcast_in_dim3A_254 : f32 to vector<16xf32>
    %broadcast_in_dim3A_256 = arith.constant 0.000000e+00 : f32
    %broadcast_in_dim3A_257 = vector.broadcast %broadcast_in_dim3A_256 : f32 to vector<16xf32>
    %broadcast_in_dim3A_258 = arith.constant 0.000000e+00 : f32
    %broadcast_in_dim3A_259 = vector.broadcast %broadcast_in_dim3A_258 : f32 to vector<16xf32>
    %broadcast_in_dim3A_260 = arith.constant 0.000000e+00 : f32
    %broadcast_in_dim3A_261 = vector.broadcast %broadcast_in_dim3A_260 : f32 to vector<16xf32>
    %scan3A_262 = arith.constant 0 : i32
    %scan3A_263 = arith.constant 50 : i32
    %scan3A_264 = arith.addi %scan3A_262, %scan3A_263 : i32
    %scan3A_265 = arith.constant 1 : i32
    %scan3A_266:8 = scf.for %scan3A_450 = %scan3A_262 to %scan3A_264 step %scan3A_265 iter_args(%scan3A_451 = %broadcast_in_dim3A_247, %scan3A_452 = %broadcast_in_dim3A_249, %scan3A_453 = %broadcast_in_dim3A_251, %scan3A_454 = %broadcast_in_dim3A_253, %scan3A_455 = %broadcast_in_dim3A_255, %scan3A_456 = %broadcast_in_dim3A_257, %scan3A_457 = %broadcast_in_dim3A_259, %scan3A_458 = %broadcast_in_dim3A_261) -> (vector<16xf32>, vector<16xf32>, vector<16xf32>, vector<16xf32>, vector<16xf32>, vector<16xf32>, vector<16xf32>, vector<16xf32>)  : i32 {
      %add3A_459 = arith.constant 0 : i32
      %add3A_460 = arith.addi %add3A_459, %scan3A_450 : i32
      %get3A = arith.index_cast %add3A_460 : i32 to index
      %get3A_461 = arith.constant 0 : index
      %get3A_462 = tpu.vector_load %arg8[%get3A, %get3A_461] {strides = array<i32>} : memref<128x64xf32, #tpu.memory_space<vmem>>, vector<1x16xf32>,
      %get3A_463 = vector.shape_cast %get3A_462 : vector<1x16xf32> to vector<16xf32>
      %add3A_464 = arith.addf %scan3A_451, %get3A_463 : vector<16xf32>
      %add3A_465 = arith.constant 0 : i32
      %add3A_466 = arith.addi %add3A_465, %scan3A_450 : i32
      %get3A_467 = arith.index_cast %add3A_466 : i32 to index
      %get3A_468 = arith.constant 16 : index
      %get3A_469 = tpu.vector_load %arg8[%get3A_467, %get3A_468] {strides = array<i32>} : memref<128x64xf32, #tpu.memory_space<vmem>>, vector<1x16xf32>,
      %get3A_470 = vector.shape_cast %get3A_469 : vector<1x16xf32> to vector<16xf32>
      %add3A_471 = arith.addf %scan3A_452, %get3A_470 : vector<16xf32>
      %add3A_472 = arith.constant 0 : i32
      %add3A_473 = arith.addi %add3A_472, %scan3A_450 : i32
      %get3A_474 = arith.index_cast %add3A_473 : i32 to index
      %get3A_475 = arith.constant 32 : index
      %get3A_476 = tpu.vector_load %arg8[%get3A_474, %get3A_475] {strides = array<i32>} : memref<128x64xf32, #tpu.memory_space<vmem>>, vector<1x16xf32>,
      %get3A_477 = vector.shape_cast %get3A_476 : vector<1x16xf32> to vector<16xf32>
      %add3A_478 = arith.addf %scan3A_453, %get3A_477 : vector<16xf32>
      %add3A_479 = arith.constant 0 : i32
      %add3A_480 = arith.addi %add3A_479, %scan3A_450 : i32
      %get3A_481 = arith.index_cast %add3A_480 : i32 to index
      %get3A_482 = arith.constant 48 : index
      %get3A_483 = tpu.vector_load %arg8[%get3A_481, %get3A_482] {strides = array<i32>} : memref<128x64xf32, #tpu.memory_space<vmem>>, vector<1x16xf32>,
      %get3A_484 = vector.shape_cast %get3A_483 : vector<1x16xf32> to vector<16xf32>
      %add3A_485 = arith.addf %scan3A_454, %get3A_484 : vector<16xf32>
      %add3A_486 = arith.constant 50 : i32
      %add3A_487 = arith.addi %add3A_486, %scan3A_450 : i32
      %get3A_488 = arith.index_cast %add3A_487 : i32 to index
      %get3A_489 = arith.constant 0 : index
      %get3A_490 = tpu.vector_load %arg8[%get3A_488, %get3A_489] {strides = array<i32>} : memref<128x64xf32, #tpu.memory_space<vmem>>, vector<1x16xf32>,
      %get3A_491 = vector.shape_cast %get3A_490 : vector<1x16xf32> to vector<16xf32>
      %add3A_492 = arith.addf %scan3A_455, %get3A_491 : vector<16xf32>
      %add3A_493 = arith.constant 50 : i32
      %add3A_494 = arith.addi %add3A_493, %scan3A_450 : i32
      %get3A_495 = arith.index_cast %add3A_494 : i32 to index
      %get3A_496 = arith.constant 16 : index
      %get3A_497 = tpu.vector_load %arg8[%get3A_495, %get3A_496] {strides = array<i32>} : memref<128x64xf32, #tpu.memory_space<vmem>>, vector<1x16xf32>,
      %get3A_498 = vector.shape_cast %get3A_497 : vector<1x16xf32> to vector<16xf32>
      %add3A_499 = arith.addf %scan3A_456, %get3A_498 : vector<16xf32>
      %add3A_500 = arith.constant 50 : i32
      %add3A_501 = arith.addi %add3A_500, %scan3A_450 : i32
      %get3A_502 = arith.index_cast %add3A_501 : i32 to index
      %get3A_503 = arith.constant 32 : index
      %get3A_504 = tpu.vector_load %arg8[%get3A_502, %get3A_503] {strides = array<i32>} : memref<128x64xf32, #tpu.memory_space<vmem>>, vector<1x16xf32>,
      %get3A_505 = vector.shape_cast %get3A_504 : vector<1x16xf32> to vector<16xf32>
      %add3A_506 = arith.addf %scan3A_457, %get3A_505 : vector<16xf32>
      %add3A_507 = arith.constant 50 : i32
      %add3A_508 = arith.addi %add3A_507, %scan3A_450 : i32
      %get3A_509 = arith.index_cast %add3A_508 : i32 to index
      %get3A_510 = arith.constant 48 : index
      %get3A_511 = tpu.vector_load %arg8[%get3A_509, %get3A_510] {strides = array<i32>} : memref<128x64xf32, #tpu.memory_space<vmem>>, vector<1x16xf32>,
      %get3A_512 = vector.shape_cast %get3A_511 : vector<1x16xf32> to vector<16xf32>
      %add3A_513 = arith.addf %scan3A_458, %get3A_512 : vector<16xf32>
      scf.yield %add3A_464, %add3A_471, %add3A_478, %add3A_485, %add3A_492, %add3A_499, %add3A_506, %add3A_513 : vector<16xf32>, vector<16xf32>, vector<16xf32>, vector<16xf32>, vector<16xf32>, vector<16xf32>, vector<16xf32>, vector<16xf32>
    }
    %scan3A_267 = arith.constant 50 : i32
    %mul3A_268 = arith.constant 2.000000e-02 : f32
    %mul3A_269 = vector.broadcast %mul3A_268 : f32 to vector<16xf32>
    %mul3A_270 = arith.mulf %scan3A_266#0, %mul3A_269 : vector<16xf32>
    %swap3A_271 = arith.constant 508 : i32
    %swap3A_272 = arith.index_cast %swap3A_271 : i32 to index
    %swap3A_273 = arith.constant 0 : index
    %swap3A_274 = tpu.vector_load %arg12[%swap3A_272, %swap3A_273] {strides = array<i32>} : memref<512x64xf32, #tpu.memory_space<vmem>>, vector<1x16xf32>,
    %swap3A_275 = vector.shape_cast %swap3A_274 : vector<1x16xf32> to vector<16xf32>
    %swap3A_276 = vector.shape_cast %mul3A_270 : vector<16xf32> to vector<1x16xf32>
    tpu.vector_store %arg12[%swap3A_272, %swap3A_273], %swap3A_276 {strides = array<i32>} : memref<512x64xf32, #tpu.memory_space<vmem>>, vector<1x16xf32>,
    %mul3A_277 = arith.constant 2.000000e-02 : f32
    %mul3A_278 = vector.broadcast %mul3A_277 : f32 to vector<16xf32>
    %mul3A_279 = arith.mulf %scan3A_266#1, %mul3A_278 : vector<16xf32>
    %swap3A_280 = arith.constant 508 : i32
    %swap3A_281 = arith.index_cast %swap3A_280 : i32 to index
    %swap3A_282 = arith.constant 16 : index
    %swap3A_283 = tpu.vector_load %arg12[%swap3A_281, %swap3A_282] {strides = array<i32>} : memref<512x64xf32, #tpu.memory_space<vmem>>, vector<1x16xf32>,
    %swap3A_284 = vector.shape_cast %swap3A_283 : vector<1x16xf32> to vector<16xf32>
    %swap3A_285 = vector.shape_cast %mul3A_279 : vector<16xf32> to vector<1x16xf32>
    tpu.vector_store %arg12[%swap3A_281, %swap3A_282], %swap3A_285 {strides = array<i32>} : memref<512x64xf32, #tpu.memory_space<vmem>>, vector<1x16xf32>,
    %mul3A_286 = arith.constant 2.000000e-02 : f32
    %mul3A_287 = vector.broadcast %mul3A_286 : f32 to vector<16xf32>
    %mul3A_288 = arith.mulf %scan3A_266#2, %mul3A_287 : vector<16xf32>
    %swap3A_289 = arith.constant 508 : i32
    %swap3A_290 = arith.index_cast %swap3A_289 : i32 to index
    %swap3A_291 = arith.constant 32 : index
    %swap3A_292 = tpu.vector_load %arg12[%swap3A_290, %swap3A_291] {strides = array<i32>} : memref<512x64xf32, #tpu.memory_space<vmem>>, vector<1x16xf32>,
    %swap3A_293 = vector.shape_cast %swap3A_292 : vector<1x16xf32> to vector<16xf32>
    %swap3A_294 = vector.shape_cast %mul3A_288 : vector<16xf32> to vector<1x16xf32>
    tpu.vector_store %arg12[%swap3A_290, %swap3A_291], %swap3A_294 {strides = array<i32>} : memref<512x64xf32, #tpu.memory_space<vmem>>, vector<1x16xf32>,
    %mul3A_295 = arith.constant 2.000000e-02 : f32
    %mul3A_296 = vector.broadcast %mul3A_295 : f32 to vector<16xf32>
    %mul3A_297 = arith.mulf %scan3A_266#3, %mul3A_296 : vector<16xf32>
    %swap3A_298 = arith.constant 508 : i32
    %swap3A_299 = arith.index_cast %swap3A_298 : i32 to index
    %swap3A_300 = arith.constant 48 : index
    %swap3A_301 = tpu.vector_load %arg12[%swap3A_299, %swap3A_300] {strides = array<i32>} : memref<512x64xf32, #tpu.memory_space<vmem>>, vector<1x16xf32>,
    %swap3A_302 = vector.shape_cast %swap3A_301 : vector<1x16xf32> to vector<16xf32>
    %swap3A_303 = vector.shape_cast %mul3A_297 : vector<16xf32> to vector<1x16xf32>
    tpu.vector_store %arg12[%swap3A_299, %swap3A_300], %swap3A_303 {strides = array<i32>} : memref<512x64xf32, #tpu.memory_space<vmem>>, vector<1x16xf32>,
    %mul3A_304 = arith.constant 2.000000e-02 : f32
    %mul3A_305 = vector.broadcast %mul3A_304 : f32 to vector<16xf32>
    %mul3A_306 = arith.mulf %scan3A_266#4, %mul3A_305 : vector<16xf32>
    %swap3A_307 = arith.constant 509 : i32
    %swap3A_308 = arith.index_cast %swap3A_307 : i32 to index
    %swap3A_309 = arith.constant 0 : index
    %swap3A_310 = tpu.vector_load %arg12[%swap3A_308, %swap3A_309] {strides = array<i32>} : memref<512x64xf32, #tpu.memory_space<vmem>>, vector<1x16xf32>,
    %swap3A_311 = vector.shape_cast %swap3A_310 : vector<1x16xf32> to vector<16xf32>
    %swap3A_312 = vector.shape_cast %mul3A_306 : vector<16xf32> to vector<1x16xf32>
    tpu.vector_store %arg12[%swap3A_308, %swap3A_309], %swap3A_312 {strides = array<i32>} : memref<512x64xf32, #tpu.memory_space<vmem>>, vector<1x16xf32>,
    %mul3A_313 = arith.constant 2.000000e-02 : f32
    %mul3A_314 = vector.broadcast %mul3A_313 : f32 to vector<16xf32>
    %mul3A_315 = arith.mulf %scan3A_266#5, %mul3A_314 : vector<16xf32>
    %swap3A_316 = arith.constant 509 : i32
    %swap3A_317 = arith.index_cast %swap3A_316 : i32 to index
    %swap3A_318 = arith.constant 16 : index
    %swap3A_319 = tpu.vector_load %arg12[%swap3A_317, %swap3A_318] {strides = array<i32>} : memref<512x64xf32, #tpu.memory_space<vmem>>, vector<1x16xf32>,
    %swap3A_320 = vector.shape_cast %swap3A_319 : vector<1x16xf32> to vector<16xf32>
    %swap3A_321 = vector.shape_cast %mul3A_315 : vector<16xf32> to vector<1x16xf32>
    tpu.vector_store %arg12[%swap3A_317, %swap3A_318], %swap3A_321 {strides = array<i32>} : memref<512x64xf32, #tpu.memory_space<vmem>>, vector<1x16xf32>,
    %mul3A_322 = arith.constant 2.000000e-02 : f32
    %mul3A_323 = vector.broadcast %mul3A_322 : f32 to vector<16xf32>
    %mul3A_324 = arith.mulf %scan3A_266#6, %mul3A_323 : vector<16xf32>
    %swap3A_325 = arith.constant 509 : i32
    %swap3A_326 = arith.index_cast %swap3A_325 : i32 to index
    %swap3A_327 = arith.constant 32 : index
    %swap3A_328 = tpu.vector_load %arg12[%swap3A_326, %swap3A_327] {strides = array<i32>} : memref<512x64xf32, #tpu.memory_space<vmem>>, vector<1x16xf32>,
    %swap3A_329 = vector.shape_cast %swap3A_328 : vector<1x16xf32> to vector<16xf32>
    %swap3A_330 = vector.shape_cast %mul3A_324 : vector<16xf32> to vector<1x16xf32>
    tpu.vector_store %arg12[%swap3A_326, %swap3A_327], %swap3A_330 {strides = array<i32>} : memref<512x64xf32, #tpu.memory_space<vmem>>, vector<1x16xf32>,
    %mul3A_331 = arith.constant 2.000000e-02 : f32
    %mul3A_332 = vector.broadcast %mul3A_331 : f32 to vector<16xf32>
    %mul3A_333 = arith.mulf %scan3A_266#7, %mul3A_332 : vector<16xf32>
    %swap3A_334 = arith.constant 509 : i32
    %swap3A_335 = arith.index_cast %swap3A_334 : i32 to index
    %swap3A_336 = arith.constant 48 : index
    %swap3A_337 = tpu.vector_load %arg12[%swap3A_335, %swap3A_336] {strides = array<i32>} : memref<512x64xf32, #tpu.memory_space<vmem>>, vector<1x16xf32>,
    %swap3A_338 = vector.shape_cast %swap3A_337 : vector<1x16xf32> to vector<16xf32>
    %swap3A_339 = vector.shape_cast %mul3A_333 : vector<16xf32> to vector<1x16xf32>
    tpu.vector_store %arg12[%swap3A_335, %swap3A_336], %swap3A_339 {strides = array<i32>} : memref<512x64xf32, #tpu.memory_space<vmem>>, vector<1x16xf32>,
    %dma_wait3A_340 = arith.constant 255 : i32
    %dma_wait3A_341 = arith.constant 0 : i32
    %dma_wait3A_342 = tpu.memref_slice %arg5[%dma_wait3A_340, %dma_wait3A_341] : memref<256x128xi32, #tpu.memory_space<vmem>> -> memref<1x128xi32, #tpu.memory_space<vmem>>
    %dma_wait3A_343 = tpu.memref_squeeze %dma_wait3A_342 : memref<1x128xi32, #tpu.memory_space<vmem>> -> memref<128xi32, #tpu.memory_space<vmem>>
    %dma_wait3A_344 = arith.constant 0 : i32
    %dma_wait3A_345 = arith.constant 0 : i32
    %dma_wait3A_346 = tpu.memref_slice %arg3[%dma_wait3A_344, %dma_wait3A_345] : memref<1000000x64xf32, #tpu.memory_space<hbm>> -> memref<1000000x64xf32, #tpu.memory_space<hbm>>
    tpu.wait_indirect_dma semaphore(%arg16 : memref<!tpu.dma_semaphore, #tpu.memory_space<semaphore_mem>>) src(%dma_wait3A_346 : memref<1000000x64xf32, #tpu.memory_space<hbm>>) dst(%arg9 : memref<128x64xf32, #tpu.memory_space<vmem>>)
    %broadcast_in_dim3A_347 = arith.constant 0.000000e+00 : f32
    %broadcast_in_dim3A_348 = vector.broadcast %broadcast_in_dim3A_347 : f32 to vector<16xf32>
    %broadcast_in_dim3A_349 = arith.constant 0.000000e+00 : f32
    %broadcast_in_dim3A_350 = vector.broadcast %broadcast_in_dim3A_349 : f32 to vector<16xf32>
    %broadcast_in_dim3A_351 = arith.constant 0.000000e+00 : f32
    %broadcast_in_dim3A_352 = vector.broadcast %broadcast_in_dim3A_351 : f32 to vector<16xf32>
    %broadcast_in_dim3A_353 = arith.constant 0.000000e+00 : f32
    %broadcast_in_dim3A_354 = vector.broadcast %broadcast_in_dim3A_353 : f32 to vector<16xf32>
    %broadcast_in_dim3A_355 = arith.constant 0.000000e+00 : f32
    %broadcast_in_dim3A_356 = vector.broadcast %broadcast_in_dim3A_355 : f32 to vector<16xf32>
    %broadcast_in_dim3A_357 = arith.constant 0.000000e+00 : f32
    %broadcast_in_dim3A_358 = vector.broadcast %broadcast_in_dim3A_357 : f32 to vector<16xf32>
    %broadcast_in_dim3A_359 = arith.constant 0.000000e+00 : f32
    %broadcast_in_dim3A_360 = vector.broadcast %broadcast_in_dim3A_359 : f32 to vector<16xf32>
    %broadcast_in_dim3A_361 = arith.constant 0.000000e+00 : f32
    %broadcast_in_dim3A_362 = vector.broadcast %broadcast_in_dim3A_361 : f32 to vector<16xf32>
    %scan3A_363 = arith.constant 0 : i32
    %scan3A_364 = arith.constant 50 : i32
    %scan3A_365 = arith.addi %scan3A_363, %scan3A_364 : i32
    %scan3A_366 = arith.constant 1 : i32
    %scan3A_367:8 = scf.for %scan3A_450 = %scan3A_363 to %scan3A_365 step %scan3A_366 iter_args(%scan3A_451 = %broadcast_in_dim3A_348, %scan3A_452 = %broadcast_in_dim3A_350, %scan3A_453 = %broadcast_in_dim3A_352, %scan3A_454 = %broadcast_in_dim3A_354, %scan3A_455 = %broadcast_in_dim3A_356, %scan3A_456 = %broadcast_in_dim3A_358, %scan3A_457 = %broadcast_in_dim3A_360, %scan3A_458 = %broadcast_in_dim3A_362) -> (vector<16xf32>, vector<16xf32>, vector<16xf32>, vector<16xf32>, vector<16xf32>, vector<16xf32>, vector<16xf32>, vector<16xf32>)  : i32 {
      %add3A_459 = arith.constant 0 : i32
      %add3A_460 = arith.addi %add3A_459, %scan3A_450 : i32
      %get3A = arith.index_cast %add3A_460 : i32 to index
      %get3A_461 = arith.constant 0 : index
      %get3A_462 = tpu.vector_load %arg9[%get3A, %get3A_461] {strides = array<i32>} : memref<128x64xf32, #tpu.memory_space<vmem>>, vector<1x16xf32>,
      %get3A_463 = vector.shape_cast %get3A_462 : vector<1x16xf32> to vector<16xf32>
      %add3A_464 = arith.addf %scan3A_451, %get3A_463 : vector<16xf32>
      %add3A_465 = arith.constant 0 : i32
      %add3A_466 = arith.addi %add3A_465, %scan3A_450 : i32
      %get3A_467 = arith.index_cast %add3A_466 : i32 to index
      %get3A_468 = arith.constant 16 : index
      %get3A_469 = tpu.vector_load %arg9[%get3A_467, %get3A_468] {strides = array<i32>} : memref<128x64xf32, #tpu.memory_space<vmem>>, vector<1x16xf32>,
      %get3A_470 = vector.shape_cast %get3A_469 : vector<1x16xf32> to vector<16xf32>
      %add3A_471 = arith.addf %scan3A_452, %get3A_470 : vector<16xf32>
      %add3A_472 = arith.constant 0 : i32
      %add3A_473 = arith.addi %add3A_472, %scan3A_450 : i32
      %get3A_474 = arith.index_cast %add3A_473 : i32 to index
      %get3A_475 = arith.constant 32 : index
      %get3A_476 = tpu.vector_load %arg9[%get3A_474, %get3A_475] {strides = array<i32>} : memref<128x64xf32, #tpu.memory_space<vmem>>, vector<1x16xf32>,
      %get3A_477 = vector.shape_cast %get3A_476 : vector<1x16xf32> to vector<16xf32>
      %add3A_478 = arith.addf %scan3A_453, %get3A_477 : vector<16xf32>
      %add3A_479 = arith.constant 0 : i32
      %add3A_480 = arith.addi %add3A_479, %scan3A_450 : i32
      %get3A_481 = arith.index_cast %add3A_480 : i32 to index
      %get3A_482 = arith.constant 48 : index
      %get3A_483 = tpu.vector_load %arg9[%get3A_481, %get3A_482] {strides = array<i32>} : memref<128x64xf32, #tpu.memory_space<vmem>>, vector<1x16xf32>,
      %get3A_484 = vector.shape_cast %get3A_483 : vector<1x16xf32> to vector<16xf32>
      %add3A_485 = arith.addf %scan3A_454, %get3A_484 : vector<16xf32>
      %add3A_486 = arith.constant 50 : i32
      %add3A_487 = arith.addi %add3A_486, %scan3A_450 : i32
      %get3A_488 = arith.index_cast %add3A_487 : i32 to index
      %get3A_489 = arith.constant 0 : index
      %get3A_490 = tpu.vector_load %arg9[%get3A_488, %get3A_489] {strides = array<i32>} : memref<128x64xf32, #tpu.memory_space<vmem>>, vector<1x16xf32>,
      %get3A_491 = vector.shape_cast %get3A_490 : vector<1x16xf32> to vector<16xf32>
      %add3A_492 = arith.addf %scan3A_455, %get3A_491 : vector<16xf32>
      %add3A_493 = arith.constant 50 : i32
      %add3A_494 = arith.addi %add3A_493, %scan3A_450 : i32
      %get3A_495 = arith.index_cast %add3A_494 : i32 to index
      %get3A_496 = arith.constant 16 : index
      %get3A_497 = tpu.vector_load %arg9[%get3A_495, %get3A_496] {strides = array<i32>} : memref<128x64xf32, #tpu.memory_space<vmem>>, vector<1x16xf32>,
      %get3A_498 = vector.shape_cast %get3A_497 : vector<1x16xf32> to vector<16xf32>
      %add3A_499 = arith.addf %scan3A_456, %get3A_498 : vector<16xf32>
      %add3A_500 = arith.constant 50 : i32
      %add3A_501 = arith.addi %add3A_500, %scan3A_450 : i32
      %get3A_502 = arith.index_cast %add3A_501 : i32 to index
      %get3A_503 = arith.constant 32 : index
      %get3A_504 = tpu.vector_load %arg9[%get3A_502, %get3A_503] {strides = array<i32>} : memref<128x64xf32, #tpu.memory_space<vmem>>, vector<1x16xf32>,
      %get3A_505 = vector.shape_cast %get3A_504 : vector<1x16xf32> to vector<16xf32>
      %add3A_506 = arith.addf %scan3A_457, %get3A_505 : vector<16xf32>
      %add3A_507 = arith.constant 50 : i32
      %add3A_508 = arith.addi %add3A_507, %scan3A_450 : i32
      %get3A_509 = arith.index_cast %add3A_508 : i32 to index
      %get3A_510 = arith.constant 48 : index
      %get3A_511 = tpu.vector_load %arg9[%get3A_509, %get3A_510] {strides = array<i32>} : memref<128x64xf32, #tpu.memory_space<vmem>>, vector<1x16xf32>,
      %get3A_512 = vector.shape_cast %get3A_511 : vector<1x16xf32> to vector<16xf32>
      %add3A_513 = arith.addf %scan3A_458, %get3A_512 : vector<16xf32>
      scf.yield %add3A_464, %add3A_471, %add3A_478, %add3A_485, %add3A_492, %add3A_499, %add3A_506, %add3A_513 : vector<16xf32>, vector<16xf32>, vector<16xf32>, vector<16xf32>, vector<16xf32>, vector<16xf32>, vector<16xf32>, vector<16xf32>
    }
    %scan3A_368 = arith.constant 50 : i32
    %mul3A_369 = arith.constant 2.000000e-02 : f32
    %mul3A_370 = vector.broadcast %mul3A_369 : f32 to vector<16xf32>
    %mul3A_371 = arith.mulf %scan3A_367#0, %mul3A_370 : vector<16xf32>
    %swap3A_372 = arith.constant 510 : i32
    %swap3A_373 = arith.index_cast %swap3A_372 : i32 to index
    %swap3A_374 = arith.constant 0 : index
    %swap3A_375 = tpu.vector_load %arg12[%swap3A_373, %swap3A_374] {strides = array<i32>} : memref<512x64xf32, #tpu.memory_space<vmem>>, vector<1x16xf32>,
    %swap3A_376 = vector.shape_cast %swap3A_375 : vector<1x16xf32> to vector<16xf32>
    %swap3A_377 = vector.shape_cast %mul3A_371 : vector<16xf32> to vector<1x16xf32>
    tpu.vector_store %arg12[%swap3A_373, %swap3A_374], %swap3A_377 {strides = array<i32>} : memref<512x64xf32, #tpu.memory_space<vmem>>, vector<1x16xf32>,
    %mul3A_378 = arith.constant 2.000000e-02 : f32
    %mul3A_379 = vector.broadcast %mul3A_378 : f32 to vector<16xf32>
    %mul3A_380 = arith.mulf %scan3A_367#1, %mul3A_379 : vector<16xf32>
    %swap3A_381 = arith.constant 510 : i32
    %swap3A_382 = arith.index_cast %swap3A_381 : i32 to index
    %swap3A_383 = arith.constant 16 : index
    %swap3A_384 = tpu.vector_load %arg12[%swap3A_382, %swap3A_383] {strides = array<i32>} : memref<512x64xf32, #tpu.memory_space<vmem>>, vector<1x16xf32>,
    %swap3A_385 = vector.shape_cast %swap3A_384 : vector<1x16xf32> to vector<16xf32>
    %swap3A_386 = vector.shape_cast %mul3A_380 : vector<16xf32> to vector<1x16xf32>
    tpu.vector_store %arg12[%swap3A_382, %swap3A_383], %swap3A_386 {strides = array<i32>} : memref<512x64xf32, #tpu.memory_space<vmem>>, vector<1x16xf32>,
    %mul3A_387 = arith.constant 2.000000e-02 : f32
    %mul3A_388 = vector.broadcast %mul3A_387 : f32 to vector<16xf32>
    %mul3A_389 = arith.mulf %scan3A_367#2, %mul3A_388 : vector<16xf32>
    %swap3A_390 = arith.constant 510 : i32
    %swap3A_391 = arith.index_cast %swap3A_390 : i32 to index
    %swap3A_392 = arith.constant 32 : index
    %swap3A_393 = tpu.vector_load %arg12[%swap3A_391, %swap3A_392] {strides = array<i32>} : memref<512x64xf32, #tpu.memory_space<vmem>>, vector<1x16xf32>,
    %swap3A_394 = vector.shape_cast %swap3A_393 : vector<1x16xf32> to vector<16xf32>
    %swap3A_395 = vector.shape_cast %mul3A_389 : vector<16xf32> to vector<1x16xf32>
    tpu.vector_store %arg12[%swap3A_391, %swap3A_392], %swap3A_395 {strides = array<i32>} : memref<512x64xf32, #tpu.memory_space<vmem>>, vector<1x16xf32>,
    %mul3A_396 = arith.constant 2.000000e-02 : f32
    %mul3A_397 = vector.broadcast %mul3A_396 : f32 to vector<16xf32>
    %mul3A_398 = arith.mulf %scan3A_367#3, %mul3A_397 : vector<16xf32>
    %swap3A_399 = arith.constant 510 : i32
    %swap3A_400 = arith.index_cast %swap3A_399 : i32 to index
    %swap3A_401 = arith.constant 48 : index
    %swap3A_402 = tpu.vector_load %arg12[%swap3A_400, %swap3A_401] {strides = array<i32>} : memref<512x64xf32, #tpu.memory_space<vmem>>, vector<1x16xf32>,
    %swap3A_403 = vector.shape_cast %swap3A_402 : vector<1x16xf32> to vector<16xf32>
    %swap3A_404 = vector.shape_cast %mul3A_398 : vector<16xf32> to vector<1x16xf32>
    tpu.vector_store %arg12[%swap3A_400, %swap3A_401], %swap3A_404 {strides = array<i32>} : memref<512x64xf32, #tpu.memory_space<vmem>>, vector<1x16xf32>,
    %mul3A_405 = arith.constant 2.000000e-02 : f32
    %mul3A_406 = vector.broadcast %mul3A_405 : f32 to vector<16xf32>
    %mul3A_407 = arith.mulf %scan3A_367#4, %mul3A_406 : vector<16xf32>
    %swap3A_408 = arith.constant 511 : i32
    %swap3A_409 = arith.index_cast %swap3A_408 : i32 to index
    %swap3A_410 = arith.constant 0 : index
    %swap3A_411 = tpu.vector_load %arg12[%swap3A_409, %swap3A_410] {strides = array<i32>} : memref<512x64xf32, #tpu.memory_space<vmem>>, vector<1x16xf32>,
    %swap3A_412 = vector.shape_cast %swap3A_411 : vector<1x16xf32> to vector<16xf32>
    %swap3A_413 = vector.shape_cast %mul3A_407 : vector<16xf32> to vector<1x16xf32>
    tpu.vector_store %arg12[%swap3A_409, %swap3A_410], %swap3A_413 {strides = array<i32>} : memref<512x64xf32, #tpu.memory_space<vmem>>, vector<1x16xf32>,
    %mul3A_414 = arith.constant 2.000000e-02 : f32
    %mul3A_415 = vector.broadcast %mul3A_414 : f32 to vector<16xf32>
    %mul3A_416 = arith.mulf %scan3A_367#5, %mul3A_415 : vector<16xf32>
    %swap3A_417 = arith.constant 511 : i32
    %swap3A_418 = arith.index_cast %swap3A_417 : i32 to index
    %swap3A_419 = arith.constant 16 : index
    %swap3A_420 = tpu.vector_load %arg12[%swap3A_418, %swap3A_419] {strides = array<i32>} : memref<512x64xf32, #tpu.memory_space<vmem>>, vector<1x16xf32>,
    %swap3A_421 = vector.shape_cast %swap3A_420 : vector<1x16xf32> to vector<16xf32>
    %swap3A_422 = vector.shape_cast %mul3A_416 : vector<16xf32> to vector<1x16xf32>
    tpu.vector_store %arg12[%swap3A_418, %swap3A_419], %swap3A_422 {strides = array<i32>} : memref<512x64xf32, #tpu.memory_space<vmem>>, vector<1x16xf32>,
    %mul3A_423 = arith.constant 2.000000e-02 : f32
    %mul3A_424 = vector.broadcast %mul3A_423 : f32 to vector<16xf32>
    %mul3A_425 = arith.mulf %scan3A_367#6, %mul3A_424 : vector<16xf32>
    %swap3A_426 = arith.constant 511 : i32
    %swap3A_427 = arith.index_cast %swap3A_426 : i32 to index
    %swap3A_428 = arith.constant 32 : index
    %swap3A_429 = tpu.vector_load %arg12[%swap3A_427, %swap3A_428] {strides = array<i32>} : memref<512x64xf32, #tpu.memory_space<vmem>>, vector<1x16xf32>,
    %swap3A_430 = vector.shape_cast %swap3A_429 : vector<1x16xf32> to vector<16xf32>
    %swap3A_431 = vector.shape_cast %mul3A_425 : vector<16xf32> to vector<1x16xf32>
    tpu.vector_store %arg12[%swap3A_427, %swap3A_428], %swap3A_431 {strides = array<i32>} : memref<512x64xf32, #tpu.memory_space<vmem>>, vector<1x16xf32>,
    %mul3A_432 = arith.constant 2.000000e-02 : f32
    %mul3A_433 = vector.broadcast %mul3A_432 : f32 to vector<16xf32>
    %mul3A_434 = arith.mulf %scan3A_367#7, %mul3A_433 : vector<16xf32>
    %swap3A_435 = arith.constant 511 : i32
    %swap3A_436 = arith.index_cast %swap3A_435 : i32 to index
    %swap3A_437 = arith.constant 48 : index
    %swap3A_438 = tpu.vector_load %arg12[%swap3A_436, %swap3A_437] {strides = array<i32>} : memref<512x64xf32, #tpu.memory_space<vmem>>, vector<1x16xf32>,
    %swap3A_439 = vector.shape_cast %swap3A_438 : vector<1x16xf32> to vector<16xf32>
    %swap3A_440 = vector.shape_cast %mul3A_434 : vector<16xf32> to vector<1x16xf32>
    tpu.vector_store %arg12[%swap3A_436, %swap3A_437], %swap3A_440 {strides = array<i32>} : memref<512x64xf32, #tpu.memory_space<vmem>>, vector<1x16xf32>,
    %dma_wait3A_441 = arith.constant 0 : i32
    %dma_wait3A_442 = arith.constant 0 : i32
    %dma_wait3A_443 = tpu.memref_slice %arg5[%dma_wait3A_441, %dma_wait3A_442] : memref<256x128xi32, #tpu.memory_space<vmem>> -> memref<1x128xi32, #tpu.memory_space<vmem>>
    %dma_wait3A_444 = tpu.memref_squeeze %dma_wait3A_443 : memref<1x128xi32, #tpu.memory_space<vmem>> -> memref<128xi32, #tpu.memory_space<vmem>>
    %dma_wait3A_445 = arith.constant 0 : i32
    %dma_wait3A_446 = arith.constant 0 : i32
    %dma_wait3A_447 = tpu.memref_slice %arg3[%dma_wait3A_445, %dma_wait3A_446] : memref<1000000x64xf32, #tpu.memory_space<hbm>> -> memref<1000000x64xf32, #tpu.memory_space<hbm>>
    tpu.wait_indirect_dma semaphore(%arg17 : memref<!tpu.dma_semaphore, #tpu.memory_space<semaphore_mem>>) src(%dma_wait3A_447 : memref<1000000x64xf32, #tpu.memory_space<hbm>>) dst(%arg10 : memref<128x64xf32, #tpu.memory_space<vmem>>)
    %mul3A_448 = arith.constant 512 : i32
    %mul3A_449 = arith.muli %add3A, %mul3A_448 : i32
    "tpu.region"() ({
      %run_scoped3A = tpu.sem_alloc : memref<!tpu.dma_semaphore, #tpu.memory_space<semaphore_mem>>
      %dma_start3A_450 = arith.constant 0 : i32
      %dma_start3A_451 = tpu.memref_slice %arg4[%mul3A_449, %dma_start3A_450] : memref<16384x64xf32, #tpu.memory_space<hbm>> -> memref<512x64xf32, #tpu.memory_space<hbm>>
      %dma_start3A_452 = arith.constant 0 : i32
      %dma_start3A_453 = tpu.memref_slice %arg4[%mul3A_449, %dma_start3A_452] : memref<16384x64xf32, #tpu.memory_space<hbm>> -> memref<512x64xf32, #tpu.memory_space<hbm>>
      tpu.enqueue_dma source(%arg12 : memref<512x64xf32, #tpu.memory_space<vmem>>) target(%dma_start3A_453 : memref<512x64xf32, #tpu.memory_space<hbm>>) target_semaphore(%run_scoped3A : memref<!tpu.dma_semaphore, #tpu.memory_space<semaphore_mem>>)
      %dma_wait3A_454 = arith.constant 0 : i32
      %dma_wait3A_455 = tpu.memref_slice %arg4[%mul3A_449, %dma_wait3A_454] : memref<16384x64xf32, #tpu.memory_space<hbm>> -> memref<512x64xf32, #tpu.memory_space<hbm>>
      %dma_wait3A_456 = arith.constant 0 : i32
      %dma_wait3A_457 = tpu.memref_slice %arg4[%mul3A_449, %dma_wait3A_456] : memref<16384x64xf32, #tpu.memory_space<hbm>> -> memref<512x64xf32, #tpu.memory_space<hbm>>
      tpu.wait_dma2 semaphore(%run_scoped3A : memref<!tpu.dma_semaphore, #tpu.memory_space<semaphore_mem>>) src(%arg12 : memref<512x64xf32, #tpu.memory_space<vmem>>) dst(%dma_wait3A_457 : memref<512x64xf32, #tpu.memory_space<hbm>>)
      tpu.yield
    }) : () -> ()
    return
  }
}

module attributes {stable_mosaic.version = 14 : i64} {
  func.func @body(%arg0: i32, %arg1: memref<1024x64xf32, #tpu.memory_space<vmem>>, %arg2: memref<64x64xf32, #tpu.memory_space<vmem>>, %arg3: memref<1x64xf32, #tpu.memory_space<vmem>>, %arg4: memref<1024x64xf32, #tpu.memory_space<vmem>>) attributes {dimension_semantics = [#tpu.dimension_semantics<arbitrary>], iteration_bounds = array<i64: 16>, scalar_prefetch = 0 : i64, scratch_operands = 0 : i64, tpu.core_type = #tpu.core_type<tc>, window_params = [{transform_indices = @transform_0, window_bounds = array<i64: 1024, 64>}, {pipeline_mode = #tpu.pipeline_mode<synchronous>, transform_indices = @transform_1, window_bounds = array<i64: 64, 64>}, {pipeline_mode = #tpu.pipeline_mode<synchronous>, transform_indices = @transform_2, window_bounds = array<i64: 1, 64>}, {transform_indices = @transform_3, window_bounds = array<i64: 1024, 64>}]} {
    %get3A = arith.constant 0 : index
    %get3A_0 = arith.constant 0 : index
    %get3A_1 = vector.load %arg1[%get3A, %get3A_0] : memref<1024x64xf32, #tpu.memory_space<vmem>>, vector<1024x64xf32>
    %get3A_2 = arith.constant 0 : index
    %get3A_3 = arith.constant 0 : index
    %get3A_4 = vector.load %arg2[%get3A_2, %get3A_3] : memref<64x64xf32, #tpu.memory_space<vmem>>, vector<64x64xf32>
    %dot_general3A = arith.constant dense<0.000000e+00> : vector<1024x64xf32>
    %dot_general3A_5 = tpu.matmul %get3A_1, %get3A_4, %dot_general3A {dimension_numbers = #tpu.dot_dimension_numbers<[1], [0], [0], [1], [0, 0, 1, 1], [], []>, transpose_lhs_hint = false} : vector<1024x64xf32>, vector<64x64xf32>, vector<1024x64xf32> -> vector<1024x64xf32>
    %get3A_6 = arith.constant 0 : index
    %get3A_7 = arith.constant 0 : index
    %get3A_8 = vector.load %arg3[%get3A_6, %get3A_7] : memref<1x64xf32, #tpu.memory_space<vmem>>, vector<1x64xf32>
    %add3A = vector.broadcast %get3A_8 : vector<1x64xf32> to vector<1024x64xf32>
    %add3A_9 = arith.addf %dot_general3A_5, %add3A : vector<1024x64xf32>
    %reduce_max3A = arith.constant dense<0xFF800000> : vector<1024xf32>
    %reduce_max3A_10 = vector.multi_reduction <maximumf>, %add3A_9, %reduce_max3A [1] : vector<1024x64xf32> to vector<1024xf32>
    %broadcast_in_dim3A = vector.shape_cast %reduce_max3A_10 : vector<1024xf32> to vector<1024x1xf32>
    %sub3A = vector.broadcast %broadcast_in_dim3A : vector<1024x1xf32> to vector<1024x64xf32>
    %sub3A_11 = arith.subf %add3A_9, %sub3A : vector<1024x64xf32>
    %exp3A = math.exp %sub3A_11 : vector<1024x64xf32>
    %reduce_sum3A = arith.constant dense<0.000000e+00> : vector<1024xf32>
    %reduce_sum3A_12 = vector.multi_reduction <add>, %exp3A, %reduce_sum3A [1] : vector<1024x64xf32> to vector<1024xf32>
    %broadcast_in_dim3A_13 = vector.shape_cast %reduce_sum3A_12 : vector<1024xf32> to vector<1024x1xf32>
    %div3A = vector.broadcast %broadcast_in_dim3A_13 : vector<1024x1xf32> to vector<1024x64xf32>
    %div3A_14 = arith.divf %exp3A, %div3A : vector<1024x64xf32>
    %swap3A = arith.constant 0 : index
    %swap3A_15 = arith.constant 0 : index
    %swap3A_16 = vector.load %arg4[%swap3A, %swap3A_15] : memref<1024x64xf32, #tpu.memory_space<vmem>>, vector<1024x64xf32>
    tpu.vector_store %arg4[%swap3A, %swap3A_15], %div3A_14 {strides = array<i32>} : memref<1024x64xf32, #tpu.memory_space<vmem>>, vector<1024x64xf32>,
    return
  }
  func.func @transform_0(%arg0: i32) -> (i32, i32) {
    %c0_i32 = arith.constant 0 : i32
    %c0_i32_0 = arith.constant 0 : i32
    return %arg0, %c0_i32 : i32, i32
  }
  func.func @transform_1(%arg0: i32) -> (i32, i32) {
    %c0_i32 = arith.constant 0 : i32
    %c0_i32_0 = arith.constant 0 : i32
    %c0_i32_1 = arith.constant 0 : i32
    return %c0_i32, %c0_i32_0 : i32, i32
  }
  func.func @transform_2(%arg0: i32) -> (i32, i32) {
    %c0_i32 = arith.constant 0 : i32
    %c0_i32_0 = arith.constant 0 : i32
    %c0_i32_1 = arith.constant 0 : i32
    return %c0_i32, %c0_i32_0 : i32, i32
  }
  func.func @transform_3(%arg0: i32) -> (i32, i32) {
    %c0_i32 = arith.constant 0 : i32
    %c0_i32_0 = arith.constant 0 : i32
    return %arg0, %c0_i32 : i32, i32
  }
}

</mosaic_0001>

<sc_bundles>
// kernel: kernel.4.cloned.1.call-start
scs
__scs_entry_jumppad:
0x0: {  	(pc) =	sbr.rel $0x88, $3  }
0x1: {  	(tag) =	ssettag $0x0;
	lr =	simm.s32 $0x1  }
0x2: {  	[smem:$0x3F9D] =	sst lr;
	_ =	strace $0xD0000000  }
0x3: {  	_ = 	snop  }
0x4: {  	_ = 	snop  }
0x5: {  	_ = 	snop  }
0x6: {  	_ = 	snop  }
0x7: {  	_ = 	snop  }
__scs_overlays_trampoline_lowered:
0x8: {  	[smem:$0x3FAC] =	sst s0  }
0x9: {  	[smem:$0x3FAD] =	sst s1  }
0xa: {  	[smem:$0x3FAE] =	sst s2  }
0xb: {  	[smem:$0x3FAF] =	sst s3  }
0xc: {  	[smem:$0x3FB0] =	sst s4  }
0xd: {  	[smem:$0x3FB1] =	sst s5  }
0xe: {  	[smem:$0x3FB2] =	sst s6  }
0xf: {  	[smem:$0x3FB3] =	sst s7  }
0x10: {  	[smem:$0x3FB4] =	sst s8  }
0x11: {  	[smem:$0x3FB5] =	sst s9;
	s0 =	simm.s32 @!p0 $0x0  }
0x12: {  	s1 =	sld [smem:$0x3F9B];
	s0 =	simm.s32 @p0 $0x1  }
0x13: {  	[smem:$0x3FB6] =	sst s0;
	s0 =	simm.s32 @!p1 $0x0  }
0x14: {  	s2 =	sld [smem:$0x3F9A];
	s0 =	simm.s32 @p1 $0x1  }
0x15: {  	[smem:$0x3FB7] =	sst s0;
	s0 =	simm.s32 @!p2 $0x0  }
0x16: {  	s3 =	sld [smem:$0x3FDB];
	s0 =	simm.s32 @p2 $0x1  }
0x17: {  	s4 =	simm.s32 $0x1BF5;
	[smem:$0x3FB9] =	sst s0  }
0x18: {  	s0 =	sld [smem:$0x3F9C];
	_ =	swait.ge [sflag:s4], $0x0  }
0x19: {  	s7 =	sld [smem:$0x3F9D]  }
0x1a: {  	s8 =	sadd.s32 $0xFFFFE003, lr  }
0x1b: {  	s9 =	sadd.s32 $0xFFFFFEF7, lr;
	s5 =	simm.s32 $0xFFFFFFFF;
	p2 =	slt.u32 s8, $0xFFFFF086  }
0x1c: {  	p1 =	slt.u32 s9, $0xF7A;
	s5 =	simm.s32 @!p2 $0x0  }
0x1d: {  	s5 =	simm.s32 @p1 $0x1;
	p0 =	seq.s32 s7, s2  }
0x1e: {  	s7 =	smul.u32 @!p0 $0xF7A, s2;
	p2 =	seq.s32 @!p0 s5, $0x0  }
0x1f: {  	s9 =	smul.u32 $0xF7A, s1;
	s8 =	simm.s32 @!p0 $0x1BF5;
	p2 =	por !p2, p0  }
0x20: {  	[sflag:s8] =	ssyncset.s32 @!p0 $0xFFFFF086;
	s6 =	sadd.s32 @!p0 s3, s7;
	s7 =	simm.s32 @!p0 $0x108  }
0x21: {  	s3 =	sadd.s32 s3, s9;
	s6 =	sadd.s32 @!p0 $0x88, s6;
	s7 =	simm.s32 @p2 $0x1082  }
0x22: {  	[simem:s7], [sflag:s8] =	dma.local @!p0 [hbm:s6], $0xF7A  }
0x23: {  	s9 =	sor.u32 $0xD0000000, s2;
	s6 =	simm.s32 $0x108;
	_ =	swait.ge @!p0 [sflag:s8], $0x0  }
0x24: {  	s3 =	sadd.s32 $0x88, s3;
	s6 =	simm.s32 @!p1 $0x1082;
	[sflag:s4] =	ssyncset.s32 $0xFFFFF086  }
0x25: {  	[simem:s6], [sflag:s4] =	dma.local [hbm:s3], $0xF7A  }
0x26: {  	[smem:$0x3F9D] =	sst s1;
	(tag) =	ssettag s2;
	_ =	strace s9  }
0x27: {  	s1 =	sld [smem:$0x3FAD]  }
0x28: {  	s2 =	sld [smem:$0x3FAE]  }
0x29: {  	s4 =	sld [smem:$0x3FB0]  }
0x2a: {  	p0 =	seq.s32 s5, $0x0;
	s5 =	sld [smem:$0x3FB1]  }
0x2b: {  	s6 =	sld [smem:$0x3FB2]  }
0x2c: {  	s7 =	sld [smem:$0x3FB3]  }
0x2d: {  	s3 =	simm.s32 $0x108;
	s8 =	sld [smem:$0x3FB4]  }
0x2e: {  	s3 =	simm.s32 @!p0 $0x1082;
	s9 =	sld [smem:$0x3FB5]  }
0x2f: {  	lr =	sadd.s32 s0, s3;
	s0 =	sld [smem:$0x3FAC]  }
0x30: {  	s3 =	sld [smem:$0x3FAF]  }
0x31: {  	[smem:$0x3FB8] =	sst s10  }
0x32: {  	s10 =	sld [smem:$0x3FB6];
	_ =	sdelay $0x3  }
0x33: {  	p0 =	seq.s32 s10, $0x1;
	s10 =	sld [smem:$0x3FB8];
	_ =	sdelay $0x3  }
0x34: {  	[smem:$0x3FB8] =	sst s10  }
0x35: {  	s10 =	sld [smem:$0x3FB7];
	_ =	sdelay $0x3  }
0x36: {  	p1 =	seq.s32 s10, $0x1;
	s10 =	sld [smem:$0x3FB8];
	_ =	sdelay $0x3  }
0x37: {  	[smem:$0x3FB8] =	sst s10  }
0x38: {  	s10 =	sld [smem:$0x3FB9]  }
0x39: {  	_ = 	snop;
	(pc) =	sbr.ind lr, $3  }
0x3a: {  	_ = 	snop  }
0x3b: {  	_ = 	snop  }
0x3c: {  	p2 =	seq.s32 s10, $0x1;
	s10 =	sld [smem:$0x3FB8]  }
0x3d: {  	_ =	shalt  }
0x3e: {  	_ =	shalt  }
0x3f: {  	_ =	shalt  }
0x40: {  	_ =	shalt  }
0x41: {  	_ =	shalt  }
0x42: {  	_ =	shalt  }
0x43: {  	_ =	shalt  }
0x44: {  	_ =	shalt  }
0x45: {  	_ =	shalt  }
0x46: {  	_ =	shalt  }
0x47: {  	_ =	shalt  }
0x48: {  	_ =	shalt  }
0x49: {  	_ =	shalt  }
0x4a: {  	_ =	shalt  }
0x4b: {  	_ =	shalt  }
0x4c: {  	_ =	shalt  }
0x4d: {  	_ =	shalt  }
0x4e: {  	_ =	shalt  }
0x4f: {  	_ =	shalt  }
0x50: {  	_ =	shalt  }
0x51: {  	_ =	shalt  }
0x52: {  	_ =	shalt  }
0x53: {  	_ =	shalt  }
0x54: {  	_ =	shalt  }
0x55: {  	_ =	shalt  }
0x56: {  	_ =	shalt  }
0x57: {  	_ =	shalt  }
0x58: {  	_ =	shalt  }
0x59: {  	_ =	shalt  }
0x5a: {  	_ =	shalt  }
0x5b: {  	_ =	shalt  }
0x5c: {  	_ =	shalt  }
0x5d: {  	_ =	shalt  }
0x5e: {  	_ =	shalt  }
0x5f: {  	_ =	shalt  }
0x60: {  	_ =	shalt  }
0x61: {  	_ =	shalt  }
0x62: {  	_ =	shalt  }
0x63: {  	_ =	shalt  }
0x64: {  	_ =	shalt  }
0x65: {  	_ =	shalt  }
0x66: {  	_ =	shalt  }
0x67: {  	_ =	shalt  }
0x68: {  	_ =	shalt  }
0x69: {  	_ =	shalt  }
0x6a: {  	_ =	shalt  }
0x6b: {  	_ =	shalt  }
0x6c: {  	_ =	shalt  }
0x6d: {  	_ =	shalt  }
0x6e: {  	_ =	shalt  }
0x6f: {  	_ =	shalt  }
0x70: {  	_ =	shalt  }
0x71: {  	_ =	shalt  }
0x72: {  	_ =	shalt  }
0x73: {  	_ =	shalt  }
0x74: {  	_ =	shalt  }
0x75: {  	_ =	shalt  }
0x76: {  	_ =	shalt  }
0x77: {  	_ =	shalt  }
0x78: {  	_ =	shalt  }
0x79: {  	_ =	shalt  }
0x7a: {  	_ =	shalt  }
0x7b: {  	_ =	shalt  }
0x7c: {  	_ =	shalt  }
0x7d: {  	_ =	shalt  }
0x7e: {  	_ =	shalt  }
0x7f: {  	_ =	shalt  }
0x80: {  	_ =	shalt  }
0x81: {  	_ =	shalt  }
0x82: {  	_ =	shalt  }
0x83: {  	_ =	shalt  }
0x84: {  	_ =	shalt  }
0x85: {  	_ =	shalt  }
0x86: {  	_ =	shalt  }
0x87: {  	_ =	shalt  }
.Lfunc_end0:
.L_simem_size_0:
called_computation_lowered:
.L_overlay_start_0:
0x88: {  	s2 =	sld [smem:$0x3FD9]  }
0x89: {  	s3 =	sld [smem:$0x3FFE];
	_ =	sdelay $0x1  }
0x8a: {  	s1 =	srdreg.scid  }
0x8b: {  	s0 =	sand.u32 $0x1, s1  }
0x8c: {  	s17 =	sshll.u32 s0, $0xA;
	s2 =	sadd.s32 s3, s2  }
0x8d: {  	s2 =	sadd.s32 s2, s17  }
0x8e: {  	[smem:$0x3FC4] =	sst s2  }
0x8f: {  	_ = 	snop  }
0x90: {  	s2 =	sld [smem:$0x3FD0];
	(tm) =	ssettm $0x1  }
0x91: {  	s18 =	sld [smem:$0x3FFB];
	_ =	sdelay $0x3  }
0x92: {  	_ =	strace s18  }
0x93: {  	s3 =	sld [smem:$0x3FFC];
	_ =	sdelay $0x3  }
0x94: {  	_ =	strace s3  }
0x95: {  	s3 =	sld [smem:$0x3FFD];
	_ =	sdelay $0x3  }
0x96: {  	_ =	strace s3  }
0x97: {  	_ =	strace $0x8FFFFFFF  }
0x98: {  	s19 =	sld [smem:$0x3FDB];
	_ =	sdelay $0x1  }
0x99: {  	s4 =	simm.s32 $_scs_section_size  }
0x9a: {  	s5 =	simm.s32 $_size__tile_overlayer_lowered;
	s6 =	simm.s32 $_tile_overlayer_lowered  }
0x9b: {  	s22 =	simm.s32 $0x1BFF;
	s21 =	sshll.u32 s6, $0x1;
	s3 =	sadd.s32 s4, s19  }
0x9c: {  	s7 =	simm.s32 $0x0;
	s20 =	sshll.u32 s5, $0x1;
	s5 =	sadd.s32 s21, s3  }
0x9d: {  	[timem:s7], [sflag:s22] =	dma.local [hbm:s5], s20  }
0x9e: {  	_ =	swait.ge [sflag:s22], s20  }
0x9f: {  	s4 =	ssub.s32 $0x0, s20;
	[sflag:s22] =	ssyncset.done $0x0  }
0xa0: {  	[sflag:s22] =	ssyncadd.s32 s4;
	_ =	sdelay $0x1  }
0xa1: {  	s23 =	simm.s32 $0x1B8B  }
0xa2: {  	_ =	swait.ge [sflag:s23], $0x1  }
0xa3: {  	[sflag:s23] =	ssyncset.done $0x0  }
0xa4: {  	s25 =	simm.s32 $0x1B8E;
	s24 =	sld [smem:$0x3FFE];
	[sflag:s23] =	ssyncadd.s32 $0xFFFFFFFF  }
0xa5: {  	s26 =	simm.s32 $execute0_lowered;
	[smem:$0x3FD2] =	sst s25  }
0xa6: {  	s5 =	sshll.u32 s26, $0x1;
	_ =	strace $0x80000046;
	[dreg:$0x1] =	wrdreg $0xFFFFFFFF  }
0xa7: {  	s28 =	simm.s32 $_size_execute0_lowered;
	s3 =	sadd.s32 s3, s5;
	[dreg:$0x0] =	wrdreg $0x0  }
0xa8: {  	s5 =	sshll.u32 s28, $0x1;
	[dreg:$0x2] =	wrdreg s3  }
0xa9: {  	[dreg:$0x3] =	wrdreg s5  }
0xaa: {  	[dreg:$0x4] =	wrdreg $0xC0  }
0xab: {  	_ =	task [dreg:s7], $0x5FFFF  }
0xac: {  	[dreg:$0x1] =	wrdreg $0xFFFFFFFF  }
0xad: {  	[dreg:$0x0] =	wrdreg $0x60  }
0xae: {  	[dreg:$0x2] =	wrdreg s2  }
0xaf: {  	[dreg:$0x3] =	wrdreg s24  }
0xb0: {  	[dreg:$0x4] =	wrdreg $0x9  }
0xb1: {  	_ =	task.clear_ibuf [dreg:s7], $0x5FFFF;
	_ =	strace $0x90000046  }
0xb2: {  	s29 =	simm.s32 $0x9;
	_ =	strace $0x80000048  }
0xb3: {  	_ =	swait.ge [sflag:s29], $0x1  }
0xb4: {  	[sflag:s29] =	ssyncadd.s32 $0xFFFFFFFF  }
0xb5: {  	_ =	strace $0x90000048  }
0xb6: {  	_ =	sfence  }
0xb7: {  	s30 =	sld [smem:$0x0];
	_ =	sdelay $0x2  }
0xb8: {  	s31 =	sshll.u32 s1, $0xD;
	s1 =	sshrl.u32 s1, $0x2  }
0xb9: {  	s3 =	sand.u32 $0x4000, s31;
	s1 =	sadd.s32 s1, s30  }
0xba: {  	s0 =	sor.u32 s3, s0;
	s1 =	sshll.u32 s1, $0x11  }
0xbb: {  	s0 =	sor.u32 s1, s0  }
0xbc: {  	s0 =	sadd.s32 $0x8F2B, s0  }
0xbd: {  	[sflag:s0] =	ssyncadd.remote.s32 $0x1  }
0xbe: {  	_ =	sfence.sel $0xFFFF  }
0xbf: {  	[dreg:$0x0] =	wrdreg $0xFFFFFFFF;
	(pc) =	sbr.abs _section_cstart, $3  }
0xc0: {  	[dreg:$0x1] =	wrdreg $0xFFFFFFFF  }
0xc1: {  	_ =	task.clear_ibuf [dreg:s7], $0x2FFFF;
	_ =	strace $0x9FFFFFFF  }
0xc2: {  	(tm) =	ssettm $0x7FFFFFFF  }
0xc3: {  	_ =	shalt  }
tec
execute0_lowered:
.L_overlay_start_1:
0x0: {  	(tag) =	ssettag $0x1  }
0x1: {  	s4 =	rddreg [dreg:$0x0]  }
0x2: {  	s5 =	rddreg [dreg:$0x1]  }
0x3: {  	s2 =	simm.s32 $0x0;
	s3 =	srdreg.scid;
	s1 =	stileid.u32  }
0x4: {  	s9 =	simm.s32 $0x8000;
	s10 =	simm.s32 $0xA000;
	s11 =	simm.s32 $0x100  }
0x5: {  	s12 =	simm.s32 $0xC000;
	s13 =	simm.s32 $0x180;
	s14 =	simm.s32 $0xE000  }
0x6: {  	s15 =	simm.s32 $0x200;
	s16 =	simm.s32 $0x10000;
	s17 =	simm.s32 $0x12000  }
0x7: {  	s18 =	simm.s32 $0x1;
	s19 =	simm.s32 $0x2;
	s20 =	simm.s32 $0x3  }
0x8: {  	s21 =	simm.s32 $0x4;
	s22 =	simm.s32 $0x5;
	s23 =	simm.s32 $0x6  }
0x9: {  	s24 =	simm.s32 $0x14000;
	s25 =	simm.s32 $0x0;
	s3 =	sand.u32 $0x1, s3  }
0xa: {  	[smem:$0x7FF] =	sst s2;
	s6 =	sshll.u32 s1, $0xD;
	s7 =	sshll.u32 s3, $0xC  }
0xb: {  	_ =	strace $0x80000047;
	s8 =	ssub.s32 $0x2, s3;
	s6 =	sor.u32 s7, s6  }
0xc: {  	s3 =	sadd.s32 $0xF63000, s5;
	s31 =	sshrl.u32 s8, $0x1;
	s5 =	sadd.s32 s6, s5  }
0xd: {  	s7 =	ssub.s32 s8, s31;
	s4 =	sadd.s32 s4, s6;
	s8 =	simm.s32 $0x80  }
0xe: {  	s5 =	sadd.s32 $0xC00, s5;
	s6 =	smax.u32 s7, $0x1;
	s7 =	simm.s32 $0x7  }
.LBB2_1:
0xf: {  	[tilespmem:s2], [sflag:$0x7] =	stream.linear.gather [hbm4b:s4+s2], $0x8000, $0x38;
	[tilespmem:$0x1C000] =	vst v63  }
0x10: {  	_ =	swait.ge [sflag:s7], $0x8000  }
0x11: {  	[sflag:s7] =	ssyncset.done $0x0  }
0x12: {  	[sflag:s7] =	ssyncadd.s32 $0xFFFF8000  }
0x13: {  	[tilespmem:s9], [sflag:$0x1] =	stream.indirect.gather [hbm4b:s3+s8], $0x40, s2, s8, $0xb8;
	[tilespmem:$0x1C000] =	vst v63  }
0x14: {  	_ = 	snop  }
0x15: {  	[tilespmem:s10], [sflag:$0x2] =	stream.indirect.gather [hbm4b:s3+s8], $0x40, s8, s8, $0xb8;
	[tilespmem:$0x1C000] =	vst v63  }
0x16: {  	_ = 	snop  }
0x17: {  	[tilespmem:s12], [sflag:$0x3] =	stream.indirect.gather [hbm4b:s3+s8], $0x40, s11, s8, $0xb8;
	[tilespmem:$0x1C000] =	vst v63  }
0x18: {  	_ = 	snop  }
0x19: {  	[tilespmem:s14], [sflag:$0x4] =	stream.indirect.gather [hbm4b:s3+s8], $0x40, s13, s8, $0xb8;
	[tilespmem:$0x1C000] =	vst v63  }
0x1a: {  	s26 =	simm.s32 $0x0  }
0x1b: {  	[tilespmem:s16], [sflag:$0x5] =	stream.indirect.gather [hbm4b:s3+s8], $0x40, s15, s8, $0xb8;
	[tilespmem:$0x1C000] =	vst v63  }
.LBB2_2:
0x1c: {  	s29 =	smul.u32 $0x300, s26;
	_ =	sdelay $0x1  }
0x1d: {  	s30 =	simm.s32 $0x80;
	s28 =	sadd.s32 $0x280, s29  }
0x1e: {  	[tilespmem:s17], [sflag:$0x6] =	stream.indirect.gather [hbm4b:s3+s30], $0x40, s28, s30, $0xb8;
	[tilespmem:$0x1C000] =	vst v63  }
0x1f: {  	_ =	swait.ge [sflag:s18], $0x2000  }
0x20: {  	[sflag:s18] =	ssyncset.done $0x0  }
0x21: {  	s0 =	simm.s32 $0x20;
	[sflag:s18] =	ssyncadd.s32 $0xFFFFE000  }
0x22: {  	v0 =	vld [tilespmem:s0+$0x8C90]  }
0x23: {  	v2 =	vld [tilespmem:s0+$0x7FE0]  }
0x24: {  	v3 =	vld [tilespmem:s0+$0x7FF0]  }
0x25: {  	v12 =	vld [tilespmem:s0+$0x8000]  }
0x26: {  	v10 =	vld [tilespmem:s0+$0x8010]  }
0x27: {  	v1 =	vimm.f32 $0.0e+00;
	v6 =	vimm.f32 $0.0e+00;
	v7 =	vld [tilespmem:s0+$0x8C60]  }
0x28: {  	v9 =	vimm.f32 $0.0e+00;
	v8 =	vld [tilespmem:s0+$0x8C70];
	v0 =	vadd.f32 v0, v1;
	v5 =	vadd.f32 v2, v1  }
0x29: {  	s31 =	simm.s32 $0x280;
	s30 =	simm.s32 $0x60;
	v11 =	vld [tilespmem:s0+$0x8C80];
	v4 =	vadd.f32 v3, v1;
	v3 =	vimm.f32 $0.0e+00;
	v2 =	vimm.f32 $0.0e+00  }
.LBB2_3:
0x2a: {  	p0 =	sne.s32 s31, $0x3180;
	v13 =	vld [tilespmem:s30+$0x8C90];
	v1 =	vadd.f32 v12, v1  }
0x2b: {  	v14 =	vld [tilespmem:s30+$0x7FE0];
	v6 =	vadd.f32 v10, v6  }
0x2c: {  	v15 =	vld [tilespmem:s30+$0x7FF0];
	v9 =	vadd.f32 v7, v9  }
.Ltmp0:
0x2d: {  	v12 =	vld [tilespmem:s30+$0x8000];
	v3 =	vadd.f32 v8, v3;
	(pc) =	sbr.rel @p0 .LBB2_3-.Ltmp0, $4  }
0x2e: {  	v10 =	vld [tilespmem:s30+$0x8010];
	v2 =	vadd.f32 v11, v2  }
0x2f: {  	v7 =	vld [tilespmem:s30+$0x8C60];
	v0 =	vadd.f32 v13, v0  }
0x30: {  	v5 =	vadd.f32 v14, v5;
	v8 =	vld [tilespmem:s30+$0x8C70]  }
0x31: {  	v4 =	vadd.f32 v15, v4;
	v11 =	vld [tilespmem:s30+$0x8C80];
	s30 =	sshra.s32 s31, $0x2;
	s31 =	sadd.s32 $0x100, s31  }
0x32: {  	v13 =	vld [tilespmem:s30+$0x7FE0]  }
0x33: {  	v14 =	vld [tilespmem:s30+$0x7FF0]  }
0x34: {  	v15 =	vld [tilespmem:s30+$0x8000]  }
0x35: {  	v1 =	vadd.f32 v12, v1;
	v12 =	vld [tilespmem:s30+$0x8C70]  }
0x36: {  	v16 =	vld [tilespmem:s30+$0x8010]  }
0x37: {  	v17 =	vld [tilespmem:s30+$0x8C60];
	v7 =	vadd.f32 v7, v9;
	v5 =	vadd.f32 v13, v5  }
0x38: {  	v9 =	vld [tilespmem:s30+$0x8C90];
	v3 =	vadd.f32 v8, v3;
	v4 =	vadd.f32 v14, v4  }
0x39: {  	v6 =	vadd.f32 v10, v6;
	v10 =	vld [tilespmem:s30+$0x8C80];
	v1 =	vadd.f32 v15, v1;
	v5 =	vmul.f32 $1.999999960e-02, v5  }
0x3a: {  	v3 =	vadd.f32 v12, v3;
	v4 =	vmul.f32 $1.999999960e-02, v4  }
0x3b: {  	v6 =	vadd.f32 v16, v6;
	v1 =	vmul.f32 $1.999999960e-02, v1;
	[tilespmem:s29+$0x14000] =	vst v5  }
0x3c: {  	v2 =	vadd.f32 v11, v2;
	v7 =	vadd.f32 v17, v7;
	v3 =	vmul.f32 $1.999999960e-02, v3;
	[tilespmem:s29+$0x14010] =	vst v4  }
0x3d: {  	v0 =	vadd.f32 v9, v0;
	v4 =	vmul.f32 $1.999999960e-02, v6;
	[tilespmem:s29+$0x14020] =	vst v1  }
0x3e: {  	v2 =	vadd.f32 v10, v2;
	v1 =	vmul.f32 $1.999999960e-02, v7;
	[tilespmem:s29+$0x14050] =	vst v3  }
0x3f: {  	v0 =	vmul.f32 $1.999999960e-02, v0;
	[tilespmem:s29+$0x14030] =	vst v4  }
0x40: {  	[tilespmem:s29+$0x14040] =	vst v1;
	v1 =	vmul.f32 $1.999999960e-02, v2  }
0x41: {  	[tilespmem:s29+$0x14070] =	vst v0  }
0x42: {  	s0 =	sadd.s32 $0x300, s29;
	s30 =	simm.s32 $0x80;
	[tilespmem:s29+$0x14060] =	vst v1  }
0x43: {  	[tilespmem:s9], [sflag:$0x1] =	stream.indirect.gather [hbm4b:s3+s30], $0x40, s0, s30, $0xb8;
	[tilespmem:$0x1C000] =	vst v63  }
0x44: {  	_ =	swait.ge [sflag:s19], $0x2000  }
0x45: {  	[sflag:s19] =	ssyncset.done $0x0  }
0x46: {  	s0 =	simm.s32 $0x20;
	[sflag:s19] =	ssyncadd.s32 $0xFFFFE000  }
0x47: {  	v0 =	vld [tilespmem:s0+$0xAC90]  }
0x48: {  	v2 =	vld [tilespmem:s0+$0x9FE0]  }
0x49: {  	v3 =	vld [tilespmem:s0+$0x9FF0]  }
0x4a: {  	v12 =	vld [tilespmem:s0+$0xA000]  }
0x4b: {  	v10 =	vld [tilespmem:s0+$0xA010]  }
0x4c: {  	v9 =	vimm.f32 $0.0e+00;
	v1 =	vimm.f32 $0.0e+00;
	v7 =	vld [tilespmem:s0+$0xAC60]  }
0x4d: {  	v6 =	vimm.f32 $0.0e+00;
	v8 =	vld [tilespmem:s0+$0xAC70];
	v0 =	vadd.f32 v0, v1;
	v5 =	vadd.f32 v2, v1  }
0x4e: {  	s31 =	simm.s32 $0x280;
	s30 =	simm.s32 $0x60;
	v11 =	vld [tilespmem:s0+$0xAC80];
	v4 =	vadd.f32 v3, v1;
	v3 =	vimm.f32 $0.0e+00;
	v2 =	vimm.f32 $0.0e+00  }
.LBB2_5:
0x4f: {  	p0 =	sne.s32 s31, $0x3180;
	v13 =	vld [tilespmem:s30+$0xAC90];
	v1 =	vadd.f32 v12, v1  }
0x50: {  	v14 =	vld [tilespmem:s30+$0x9FE0];
	v6 =	vadd.f32 v10, v6  }
0x51: {  	v15 =	vld [tilespmem:s30+$0x9FF0];
	v9 =	vadd.f32 v7, v9  }
.Ltmp1:
0x52: {  	v12 =	vld [tilespmem:s30+$0xA000];
	v3 =	vadd.f32 v8, v3;
	(pc) =	sbr.rel @p0 .LBB2_5-.Ltmp1, $4  }
0x53: {  	v10 =	vld [tilespmem:s30+$0xA010];
	v2 =	vadd.f32 v11, v2  }
0x54: {  	v7 =	vld [tilespmem:s30+$0xAC60];
	v0 =	vadd.f32 v13, v0  }
0x55: {  	v5 =	vadd.f32 v14, v5;
	v8 =	vld [tilespmem:s30+$0xAC70]  }
0x56: {  	v4 =	vadd.f32 v15, v4;
	v11 =	vld [tilespmem:s30+$0xAC80];
	s30 =	sshra.s32 s31, $0x2;
	s31 =	sadd.s32 $0x100, s31  }
0x57: {  	v13 =	vld [tilespmem:s30+$0x9FE0]  }
0x58: {  	v14 =	vld [tilespmem:s30+$0x9FF0]  }
0x59: {  	v15 =	vld [tilespmem:s30+$0xA000]  }
0x5a: {  	v1 =	vadd.f32 v12, v1;
	v12 =	vld [tilespmem:s30+$0xAC70]  }
0x5b: {  	v16 =	vld [tilespmem:s30+$0xA010]  }
0x5c: {  	v17 =	vld [tilespmem:s30+$0xAC60];
	v7 =	vadd.f32 v7, v9;
	v5 =	vadd.f32 v13, v5  }
0x5d: {  	v9 =	vld [tilespmem:s30+$0xAC90];
	v3 =	vadd.f32 v8, v3;
	v4 =	vadd.f32 v14, v4  }
0x5e: {  	v6 =	vadd.f32 v10, v6;
	v10 =	vld [tilespmem:s30+$0xAC80];
	v1 =	vadd.f32 v15, v1;
	v5 =	vmul.f32 $1.999999960e-02, v5  }
0x5f: {  	v3 =	vadd.f32 v12, v3;
	v4 =	vmul.f32 $1.999999960e-02, v4  }
0x60: {  	v6 =	vadd.f32 v16, v6;
	v1 =	vmul.f32 $1.999999960e-02, v1;
	[tilespmem:s29+$0x14080] =	vst v5  }
0x61: {  	v2 =	vadd.f32 v11, v2;
	v7 =	vadd.f32 v17, v7;
	v3 =	vmul.f32 $1.999999960e-02, v3;
	[tilespmem:s29+$0x14090] =	vst v4  }
0x62: {  	v0 =	vadd.f32 v9, v0;
	v4 =	vmul.f32 $1.999999960e-02, v6;
	[tilespmem:s29+$0x140A0] =	vst v1  }
0x63: {  	v2 =	vadd.f32 v10, v2;
	v1 =	vmul.f32 $1.999999960e-02, v7;
	[tilespmem:s29+$0x140D0] =	vst v3  }
0x64: {  	v0 =	vmul.f32 $1.999999960e-02, v0;
	[tilespmem:s29+$0x140B0] =	vst v4  }
0x65: {  	[tilespmem:s29+$0x140C0] =	vst v1;
	v1 =	vmul.f32 $1.999999960e-02, v2  }
0x66: {  	[tilespmem:s29+$0x140F0] =	vst v0  }
0x67: {  	s0 =	sadd.s32 $0x380, s29;
	s30 =	simm.s32 $0x80;
	[tilespmem:s29+$0x140E0] =	vst v1  }
0x68: {  	[tilespmem:s10], [sflag:$0x2] =	stream.indirect.gather [hbm4b:s3+s30], $0x40, s0, s30, $0xb8;
	[tilespmem:$0x1C000] =	vst v63  }
0x69: {  	_ =	swait.ge [sflag:s20], $0x2000  }
0x6a: {  	[sflag:s20] =	ssyncset.done $0x0  }
0x6b: {  	s0 =	simm.s32 $0x20;
	[sflag:s20] =	ssyncadd.s32 $0xFFFFE000  }
0x6c: {  	v0 =	vld [tilespmem:s0+$0xCC90]  }
0x6d: {  	v2 =	vld [tilespmem:s0+$0xBFE0]  }
0x6e: {  	v3 =	vld [tilespmem:s0+$0xBFF0]  }
0x6f: {  	v12 =	vld [tilespmem:s0+$0xC000]  }
0x70: {  	v10 =	vld [tilespmem:s0+$0xC010]  }
0x71: {  	v9 =	vimm.f32 $0.0e+00;
	v1 =	vimm.f32 $0.0e+00;
	v7 =	vld [tilespmem:s0+$0xCC60]  }
0x72: {  	v6 =	vimm.f32 $0.0e+00;
	v8 =	vld [tilespmem:s0+$0xCC70];
	v0 =	vadd.f32 v0, v1;
	v5 =	vadd.f32 v2, v1  }
0x73: {  	s31 =	simm.s32 $0x280;
	s30 =	simm.s32 $0x60;
	v11 =	vld [tilespmem:s0+$0xCC80];
	v4 =	vadd.f32 v3, v1;
	v3 =	vimm.f32 $0.0e+00;
	v2 =	vimm.f32 $0.0e+00  }
.LBB2_7:
0x74: {  	p0 =	sne.s32 s31, $0x3180;
	v13 =	vld [tilespmem:s30+$0xCC90];
	v1 =	vadd.f32 v12, v1  }
0x75: {  	v14 =	vld [tilespmem:s30+$0xBFE0];
	v6 =	vadd.f32 v10, v6  }
0x76: {  	v15 =	vld [tilespmem:s30+$0xBFF0];
	v9 =	vadd.f32 v7, v9  }
.Ltmp2:
0x77: {  	v12 =	vld [tilespmem:s30+$0xC000];
	v3 =	vadd.f32 v8, v3;
	(pc) =	sbr.rel @p0 .LBB2_7-.Ltmp2, $4  }
0x78: {  	v10 =	vld [tilespmem:s30+$0xC010];
	v2 =	vadd.f32 v11, v2  }
0x79: {  	v7 =	vld [tilespmem:s30+$0xCC60];
	v0 =	vadd.f32 v13, v0  }
0x7a: {  	v5 =	vadd.f32 v14, v5;
	v8 =	vld [tilespmem:s30+$0xCC70]  }
0x7b: {  	v4 =	vadd.f32 v15, v4;
	v11 =	vld [tilespmem:s30+$0xCC80];
	s30 =	sshra.s32 s31, $0x2;
	s31 =	sadd.s32 $0x100, s31  }
0x7c: {  	v13 =	vld [tilespmem:s30+$0xBFE0]  }
0x7d: {  	v14 =	vld [tilespmem:s30+$0xBFF0]  }
0x7e: {  	v15 =	vld [tilespmem:s30+$0xC000]  }
0x7f: {  	v1 =	vadd.f32 v12, v1;
	v12 =	vld [tilespmem:s30+$0xCC70]  }
0x80: {  	v16 =	vld [tilespmem:s30+$0xC010]  }
0x81: {  	v17 =	vld [tilespmem:s30+$0xCC60];
	v7 =	vadd.f32 v7, v9;
	v5 =	vadd.f32 v13, v5  }
0x82: {  	v9 =	vld [tilespmem:s30+$0xCC90];
	v3 =	vadd.f32 v8, v3;
	v4 =	vadd.f32 v14, v4  }
0x83: {  	v6 =	vadd.f32 v10, v6;
	v10 =	vld [tilespmem:s30+$0xCC80];
	v1 =	vadd.f32 v15, v1;
	v5 =	vmul.f32 $1.999999960e-02, v5  }
0x84: {  	v3 =	vadd.f32 v12, v3;
	v4 =	vmul.f32 $1.999999960e-02, v4  }
0x85: {  	v6 =	vadd.f32 v16, v6;
	v1 =	vmul.f32 $1.999999960e-02, v1;
	[tilespmem:s29+$0x14100] =	vst v5  }
0x86: {  	v2 =	vadd.f32 v11, v2;
	v7 =	vadd.f32 v17, v7;
	v3 =	vmul.f32 $1.999999960e-02, v3;
	[tilespmem:s29+$0x14110] =	vst v4  }
0x87: {  	v0 =	vadd.f32 v9, v0;
	v4 =	vmul.f32 $1.999999960e-02, v6;
	[tilespmem:s29+$0x14120] =	vst v1  }
0x88: {  	v2 =	vadd.f32 v10, v2;
	v1 =	vmul.f32 $1.999999960e-02, v7;
	[tilespmem:s29+$0x14150] =	vst v3  }
0x89: {  	v0 =	vmul.f32 $1.999999960e-02, v0;
	[tilespmem:s29+$0x14130] =	vst v4  }
0x8a: {  	[tilespmem:s29+$0x14140] =	vst v1;
	v1 =	vmul.f32 $1.999999960e-02, v2  }
0x8b: {  	[tilespmem:s29+$0x14170] =	vst v0  }
0x8c: {  	s0 =	sadd.s32 $0x400, s29;
	s30 =	simm.s32 $0x80;
	[tilespmem:s29+$0x14160] =	vst v1  }
0x8d: {  	[tilespmem:s12], [sflag:$0x3] =	stream.indirect.gather [hbm4b:s3+s30], $0x40, s0, s30, $0xb8;
	[tilespmem:$0x1C000] =	vst v63  }
0x8e: {  	_ =	swait.ge [sflag:s21], $0x2000  }
0x8f: {  	[sflag:s21] =	ssyncset.done $0x0  }
0x90: {  	s0 =	simm.s32 $0x20;
	[sflag:s21] =	ssyncadd.s32 $0xFFFFE000  }
0x91: {  	v0 =	vld [tilespmem:s0+$0xEC90]  }
0x92: {  	v2 =	vld [tilespmem:s0+$0xDFE0]  }
0x93: {  	v3 =	vld [tilespmem:s0+$0xDFF0]  }
0x94: {  	v12 =	vld [tilespmem:s0+$0xE000]  }
0x95: {  	v10 =	vld [tilespmem:s0+$0xE010]  }
0x96: {  	v9 =	vimm.f32 $0.0e+00;
	v1 =	vimm.f32 $0.0e+00;
	v7 =	vld [tilespmem:s0+$0xEC60]  }
0x97: {  	v6 =	vimm.f32 $0.0e+00;
	v8 =	vld [tilespmem:s0+$0xEC70];
	v0 =	vadd.f32 v0, v1;
	v5 =	vadd.f32 v2, v1  }
0x98: {  	s31 =	simm.s32 $0x280;
	s30 =	simm.s32 $0x60;
	v11 =	vld [tilespmem:s0+$0xEC80];
	v4 =	vadd.f32 v3, v1;
	v3 =	vimm.f32 $0.0e+00;
	v2 =	vimm.f32 $0.0e+00  }
.LBB2_9:
0x99: {  	p0 =	sne.s32 s31, $0x3180;
	v13 =	vld [tilespmem:s30+$0xEC90];
	v1 =	vadd.f32 v12, v1  }
0x9a: {  	v14 =	vld [tilespmem:s30+$0xDFE0];
	v6 =	vadd.f32 v10, v6  }
0x9b: {  	v15 =	vld [tilespmem:s30+$0xDFF0];
	v9 =	vadd.f32 v7, v9  }
.Ltmp3:
0x9c: {  	v12 =	vld [tilespmem:s30+$0xE000];
	v3 =	vadd.f32 v8, v3;
	(pc) =	sbr.rel @p0 .LBB2_9-.Ltmp3, $4  }
0x9d: {  	v10 =	vld [tilespmem:s30+$0xE010];
	v2 =	vadd.f32 v11, v2  }
0x9e: {  	v7 =	vld [tilespmem:s30+$0xEC60];
	v0 =	vadd.f32 v13, v0  }
0x9f: {  	v5 =	vadd.f32 v14, v5;
	v8 =	vld [tilespmem:s30+$0xEC70]  }
0xa0: {  	v4 =	vadd.f32 v15, v4;
	v11 =	vld [tilespmem:s30+$0xEC80];
	s30 =	sshra.s32 s31, $0x2;
	s31 =	sadd.s32 $0x100, s31  }
0xa1: {  	v13 =	vld [tilespmem:s30+$0xDFE0]  }
0xa2: {  	v14 =	vld [tilespmem:s30+$0xDFF0]  }
0xa3: {  	v15 =	vld [tilespmem:s30+$0xE000]  }
0xa4: {  	v1 =	vadd.f32 v12, v1;
	v12 =	vld [tilespmem:s30+$0xEC70]  }
0xa5: {  	v16 =	vld [tilespmem:s30+$0xE010]  }
0xa6: {  	v17 =	vld [tilespmem:s30+$0xEC60];
	v7 =	vadd.f32 v7, v9;
	v5 =	vadd.f32 v13, v5  }
0xa7: {  	v9 =	vld [tilespmem:s30+$0xEC90];
	v3 =	vadd.f32 v8, v3;
	v4 =	vadd.f32 v14, v4  }
0xa8: {  	v6 =	vadd.f32 v10, v6;
	v10 =	vld [tilespmem:s30+$0xEC80];
	v1 =	vadd.f32 v15, v1;
	v5 =	vmul.f32 $1.999999960e-02, v5  }
0xa9: {  	v3 =	vadd.f32 v12, v3;
	v4 =	vmul.f32 $1.999999960e-02, v4  }
0xaa: {  	v6 =	vadd.f32 v16, v6;
	v1 =	vmul.f32 $1.999999960e-02, v1;
	[tilespmem:s29+$0x14180] =	vst v5  }
0xab: {  	v2 =	vadd.f32 v11, v2;
	v7 =	vadd.f32 v17, v7;
	v3 =	vmul.f32 $1.999999960e-02, v3;
	[tilespmem:s29+$0x14190] =	vst v4  }
0xac: {  	v0 =	vadd.f32 v9, v0;
	v4 =	vmul.f32 $1.999999960e-02, v6;
	[tilespmem:s29+$0x141A0] =	vst v1  }
0xad: {  	v2 =	vadd.f32 v10, v2;
	v1 =	vmul.f32 $1.999999960e-02, v7;
	[tilespmem:s29+$0x141D0] =	vst v3  }
0xae: {  	v0 =	vmul.f32 $1.999999960e-02, v0;
	[tilespmem:s29+$0x141B0] =	vst v4  }
0xaf: {  	[tilespmem:s29+$0x141C0] =	vst v1;
	v1 =	vmul.f32 $1.999999960e-02, v2  }
0xb0: {  	[tilespmem:s29+$0x141F0] =	vst v0  }
0xb1: {  	s0 =	sadd.s32 $0x480, s29;
	s30 =	simm.s32 $0x80;
	[tilespmem:s29+$0x141E0] =	vst v1  }
0xb2: {  	[tilespmem:s14], [sflag:$0x4] =	stream.indirect.gather [hbm4b:s3+s30], $0x40, s0, s30, $0xb8;
	[tilespmem:$0x1C000] =	vst v63  }
0xb3: {  	_ =	swait.ge [sflag:s22], $0x2000  }
0xb4: {  	[sflag:s22] =	ssyncset.done $0x0  }
0xb5: {  	s0 =	simm.s32 $0x20;
	[sflag:s22] =	ssyncadd.s32 $0xFFFFE000  }
0xb6: {  	v0 =	vld [tilespmem:s0+$0x10C90]  }
0xb7: {  	v2 =	vld [tilespmem:s0+$0xFFE0]  }
0xb8: {  	v3 =	vld [tilespmem:s0+$0xFFF0]  }
0xb9: {  	v12 =	vld [tilespmem:s0+$0x10000]  }
0xba: {  	v10 =	vld [tilespmem:s0+$0x10010]  }
0xbb: {  	v9 =	vimm.f32 $0.0e+00;
	v1 =	vimm.f32 $0.0e+00;
	v7 =	vld [tilespmem:s0+$0x10C60]  }
0xbc: {  	v6 =	vimm.f32 $0.0e+00;
	v8 =	vld [tilespmem:s0+$0x10C70];
	v0 =	vadd.f32 v0, v1;
	v5 =	vadd.f32 v2, v1  }
0xbd: {  	s31 =	simm.s32 $0x280;
	s30 =	simm.s32 $0x60;
	v11 =	vld [tilespmem:s0+$0x10C80];
	v4 =	vadd.f32 v3, v1;
	v3 =	vimm.f32 $0.0e+00;
	v2 =	vimm.f32 $0.0e+00  }
.LBB2_11:
0xbe: {  	p0 =	sne.s32 s31, $0x3180;
	v13 =	vld [tilespmem:s30+$0x10C90];
	v1 =	vadd.f32 v12, v1  }
0xbf: {  	v14 =	vld [tilespmem:s30+$0xFFE0];
	v6 =	vadd.f32 v10, v6  }
0xc0: {  	v15 =	vld [tilespmem:s30+$0xFFF0];
	v9 =	vadd.f32 v7, v9  }
.Ltmp4:
0xc1: {  	v12 =	vld [tilespmem:s30+$0x10000];
	v3 =	vadd.f32 v8, v3;
	(pc) =	sbr.rel @p0 .LBB2_11-.Ltmp4, $4  }
0xc2: {  	v10 =	vld [tilespmem:s30+$0x10010];
	v2 =	vadd.f32 v11, v2  }
0xc3: {  	v7 =	vld [tilespmem:s30+$0x10C60];
	v0 =	vadd.f32 v13, v0  }
0xc4: {  	v5 =	vadd.f32 v14, v5;
	v8 =	vld [tilespmem:s30+$0x10C70]  }
0xc5: {  	v4 =	vadd.f32 v15, v4;
	v11 =	vld [tilespmem:s30+$0x10C80];
	s30 =	sshra.s32 s31, $0x2;
	s31 =	sadd.s32 $0x100, s31  }
0xc6: {  	v13 =	vld [tilespmem:s30+$0xFFE0]  }
0xc7: {  	v14 =	vld [tilespmem:s30+$0xFFF0]  }
0xc8: {  	v15 =	vld [tilespmem:s30+$0x10000]  }
0xc9: {  	v1 =	vadd.f32 v12, v1;
	v12 =	vld [tilespmem:s30+$0x10C70]  }
0xca: {  	v16 =	vld [tilespmem:s30+$0x10010]  }
0xcb: {  	v17 =	vld [tilespmem:s30+$0x10C60];
	v7 =	vadd.f32 v7, v9;
	v5 =	vadd.f32 v13, v5  }
0xcc: {  	v9 =	vld [tilespmem:s30+$0x10C90];
	v3 =	vadd.f32 v8, v3;
	v4 =	vadd.f32 v14, v4  }
0xcd: {  	v6 =	vadd.f32 v10, v6;
	v10 =	vld [tilespmem:s30+$0x10C80];
	v1 =	vadd.f32 v15, v1;
	v5 =	vmul.f32 $1.999999960e-02, v5  }
0xce: {  	v3 =	vadd.f32 v12, v3;
	v4 =	vmul.f32 $1.999999960e-02, v4  }
0xcf: {  	v6 =	vadd.f32 v16, v6;
	v1 =	vmul.f32 $1.999999960e-02, v1;
	[tilespmem:s29+$0x14200] =	vst v5  }
0xd0: {  	v2 =	vadd.f32 v11, v2;
	v7 =	vadd.f32 v17, v7;
	v3 =	vmul.f32 $1.999999960e-02, v3;
	[tilespmem:s29+$0x14210] =	vst v4  }
0xd1: {  	v0 =	vadd.f32 v9, v0;
	v4 =	vmul.f32 $1.999999960e-02, v6;
	[tilespmem:s29+$0x14220] =	vst v1  }
0xd2: {  	v2 =	vadd.f32 v10, v2;
	v1 =	vmul.f32 $1.999999960e-02, v7;
	[tilespmem:s29+$0x14250] =	vst v3  }
0xd3: {  	v0 =	vmul.f32 $1.999999960e-02, v0;
	[tilespmem:s29+$0x14230] =	vst v4  }
0xd4: {  	[tilespmem:s29+$0x14240] =	vst v1;
	v1 =	vmul.f32 $1.999999960e-02, v2  }
0xd5: {  	s0 =	sadd.s32 $0x500, s29;
	[tilespmem:s29+$0x14270] =	vst v0  }
0xd6: {  	s0 =	sand.u32 $0x7F00, s0;
	[tilespmem:s29+$0x14260] =	vst v1;
	s29 =	simm.s32 $0x80  }
0xd7: {  	[tilespmem:s16], [sflag:$0x5] =	stream.indirect.gather [hbm4b:s3+s29], $0x40, s0, s29, $0xb8;
	[tilespmem:$0x1C000] =	vst v63  }
0xd8: {  	_ =	swait.ge [sflag:s23], $0x2000  }
0xd9: {  	[sflag:s23] =	ssyncset.done $0x0  }
0xda: {  	s31 =	simm.s32 $0x20;
	[sflag:s23] =	ssyncadd.s32 $0xFFFFE000  }
0xdb: {  	v0 =	vld [tilespmem:s31+$0x12C90]  }
0xdc: {  	v2 =	vld [tilespmem:s31+$0x11FE0]  }
0xdd: {  	v3 =	vld [tilespmem:s31+$0x11FF0]  }
0xde: {  	v12 =	vld [tilespmem:s31+$0x12000]  }
0xdf: {  	v10 =	vld [tilespmem:s31+$0x12010]  }
0xe0: {  	v9 =	vimm.f32 $0.0e+00;
	v1 =	vimm.f32 $0.0e+00;
	v7 =	vld [tilespmem:s31+$0x12C60]  }
0xe1: {  	v6 =	vimm.f32 $0.0e+00;
	v8 =	vld [tilespmem:s31+$0x12C70];
	v0 =	vadd.f32 v0, v1;
	v5 =	vadd.f32 v2, v1  }
0xe2: {  	s30 =	simm.s32 $0x280;
	s29 =	simm.s32 $0x60;
	v11 =	vld [tilespmem:s31+$0x12C80];
	v4 =	vadd.f32 v3, v1;
	v3 =	vimm.f32 $0.0e+00;
	v2 =	vimm.f32 $0.0e+00  }
.LBB2_13:
0xe3: {  	p0 =	sne.s32 s30, $0x3180;
	v13 =	vld [tilespmem:s29+$0x12C90];
	v1 =	vadd.f32 v12, v1  }
0xe4: {  	v14 =	vld [tilespmem:s29+$0x11FE0];
	v6 =	vadd.f32 v10, v6  }
0xe5: {  	v15 =	vld [tilespmem:s29+$0x11FF0];
	v9 =	vadd.f32 v7, v9  }
.Ltmp5:
0xe6: {  	v12 =	vld [tilespmem:s29+$0x12000];
	v3 =	vadd.f32 v8, v3;
	(pc) =	sbr.rel @p0 .LBB2_13-.Ltmp5, $4  }
0xe7: {  	v10 =	vld [tilespmem:s29+$0x12010];
	v2 =	vadd.f32 v11, v2  }
0xe8: {  	v7 =	vld [tilespmem:s29+$0x12C60];
	v0 =	vadd.f32 v13, v0  }
0xe9: {  	v5 =	vadd.f32 v14, v5;
	v8 =	vld [tilespmem:s29+$0x12C70]  }
0xea: {  	v4 =	vadd.f32 v15, v4;
	v11 =	vld [tilespmem:s29+$0x12C80];
	s29 =	sshra.s32 s30, $0x2;
	s30 =	sadd.s32 $0x100, s30  }
0xeb: {  	v13 =	vld [tilespmem:s29+$0x11FE0]  }
0xec: {  	v14 =	vld [tilespmem:s29+$0x11FF0]  }
0xed: {  	v15 =	vld [tilespmem:s29+$0x12000]  }
0xee: {  	v16 =	vld [tilespmem:s29+$0x12010]  }
0xef: {  	v17 =	vld [tilespmem:s29+$0x12C60]  }
0xf0: {  	v1 =	vadd.f32 v12, v1;
	v58 =	vld [tilespmem:s29+$0x12C70];
	v5 =	vadd.f32 v13, v5  }
0xf1: {  	v60 =	vld [tilespmem:s29+$0x12C90];
	v6 =	vadd.f32 v10, v6;
	v4 =	vadd.f32 v14, v4  }
0xf2: {  	v59 =	vld [tilespmem:s29+$0x12C80];
	v7 =	vadd.f32 v7, v9;
	v1 =	vadd.f32 v15, v1;
	v5 =	vmul.f32 $1.999999960e-02, v5  }
0xf3: {  	v3 =	vadd.f32 v8, v3;
	v6 =	vadd.f32 v16, v6;
	v4 =	vmul.f32 $1.999999960e-02, v4  }
0xf4: {  	v7 =	vadd.f32 v17, v7;
	v1 =	vmul.f32 $1.999999960e-02, v1;
	[tilespmem:s28+$0x14000] =	vst v5  }
0xf5: {  	s26 =	sadd.s32 $0x1, s26;
	v2 =	vadd.f32 v11, v2;
	v3 =	vadd.f32 v58, v3;
	v61 =	vmul.f32 $1.999999960e-02, v6;
	[tilespmem:s28+$0x14010] =	vst v4  }
0xf6: {  	p0 =	sne.s32 s26, $0x2A;
	v0 =	vadd.f32 v60, v0;
	v62 =	vmul.f32 $1.999999960e-02, v7;
	[tilespmem:s28+$0x14020] =	vst v1  }
.Ltmp6:
0xf7: {  	v2 =	vadd.f32 v59, v2;
	v3 =	vmul.f32 $1.999999960e-02, v3;
	[tilespmem:s28+$0x14030] =	vst v61;
	(pc) =	sbr.rel @p0 .LBB2_2-.Ltmp6, $4  }
0xf8: {  	v0 =	vmul.f32 $1.999999960e-02, v0;
	[tilespmem:s28+$0x14040] =	vst v62  }
0xf9: {  	v63 =	vmul.f32 $1.999999960e-02, v2;
	[tilespmem:s28+$0x14050] =	vst v3  }
0xfa: {  	[tilespmem:s28+$0x14070] =	vst v0  }
0xfb: {  	[tilespmem:s28+$0x14060] =	vst v63  }
0xfc: {  	_ =	swait.ge [sflag:s18], $0x2000  }
0xfd: {  	[sflag:s18] =	ssyncset.done $0x0  }
0xfe: {  	s0 =	simm.s32 $0x20;
	[sflag:s18] =	ssyncadd.s32 $0xFFFFE000  }
0xff: {  	v0 =	vld [tilespmem:s0+$0x8C90]  }
0x100: {  	v2 =	vld [tilespmem:s0+$0x7FE0]  }
0x101: {  	v3 =	vld [tilespmem:s0+$0x7FF0]  }
0x102: {  	v12 =	vld [tilespmem:s0+$0x8000]  }
0x103: {  	v10 =	vld [tilespmem:s0+$0x8010]  }
0x104: {  	v1 =	vimm.f32 $0.0e+00;
	v6 =	vimm.f32 $0.0e+00;
	v7 =	vld [tilespmem:s0+$0x8C60]  }
0x105: {  	v9 =	vimm.f32 $0.0e+00;
	v8 =	vld [tilespmem:s0+$0x8C70];
	v0 =	vadd.f32 v0, v1;
	v5 =	vadd.f32 v2, v1  }
0x106: {  	s26 =	simm.s32 $0x60;
	s28 =	simm.s32 $0x280;
	v11 =	vld [tilespmem:s0+$0x8C80];
	v4 =	vadd.f32 v3, v1;
	v3 =	vimm.f32 $0.0e+00;
	v2 =	vimm.f32 $0.0e+00  }
.LBB2_16:
0x107: {  	p0 =	sne.s32 s28, $0x3180;
	v13 =	vld [tilespmem:s26+$0x8C90];
	v1 =	vadd.f32 v12, v1  }
0x108: {  	v14 =	vld [tilespmem:s26+$0x7FE0];
	v6 =	vadd.f32 v10, v6  }
0x109: {  	v15 =	vld [tilespmem:s26+$0x7FF0];
	v9 =	vadd.f32 v7, v9  }
.Ltmp7:
0x10a: {  	v12 =	vld [tilespmem:s26+$0x8000];
	v3 =	vadd.f32 v8, v3;
	(pc) =	sbr.rel @p0 .LBB2_16-.Ltmp7, $4  }
0x10b: {  	v10 =	vld [tilespmem:s26+$0x8010];
	v2 =	vadd.f32 v11, v2  }
0x10c: {  	v7 =	vld [tilespmem:s26+$0x8C60];
	v0 =	vadd.f32 v13, v0  }
0x10d: {  	v5 =	vadd.f32 v14, v5;
	v8 =	vld [tilespmem:s26+$0x8C70]  }
0x10e: {  	v4 =	vadd.f32 v15, v4;
	v11 =	vld [tilespmem:s26+$0x8C80];
	s26 =	sshra.s32 s28, $0x2;
	s28 =	sadd.s32 $0x100, s28  }
0x10f: {  	v13 =	vld [tilespmem:s26+$0x7FE0]  }
0x110: {  	v14 =	vld [tilespmem:s26+$0x7FF0]  }
0x111: {  	v15 =	vld [tilespmem:s26+$0x8000]  }
0x112: {  	v1 =	vadd.f32 v12, v1;
	v12 =	vld [tilespmem:s26+$0x8C70]  }
0x113: {  	v16 =	vld [tilespmem:s26+$0x8010]  }
0x114: {  	v17 =	vld [tilespmem:s26+$0x8C60];
	v7 =	vadd.f32 v7, v9;
	v5 =	vadd.f32 v13, v5  }
0x115: {  	v9 =	vld [tilespmem:s26+$0x8C90];
	v3 =	vadd.f32 v8, v3;
	v4 =	vadd.f32 v14, v4  }
0x116: {  	v6 =	vadd.f32 v10, v6;
	v10 =	vld [tilespmem:s26+$0x8C80];
	v1 =	vadd.f32 v15, v1;
	v5 =	vmul.f32 $1.999999960e-02, v5  }
0x117: {  	v3 =	vadd.f32 v12, v3;
	v4 =	vmul.f32 $1.999999960e-02, v4  }
0x118: {  	v6 =	vadd.f32 v16, v6;
	v1 =	vmul.f32 $1.999999960e-02, v1;
	[tilespmem:$0x1BE00] =	vst v5  }
0x119: {  	v2 =	vadd.f32 v11, v2;
	v7 =	vadd.f32 v17, v7;
	v3 =	vmul.f32 $1.999999960e-02, v3;
	[tilespmem:$0x1BE10] =	vst v4  }
0x11a: {  	v0 =	vadd.f32 v9, v0;
	v4 =	vmul.f32 $1.999999960e-02, v6;
	[tilespmem:$0x1BE20] =	vst v1  }
0x11b: {  	v2 =	vadd.f32 v10, v2;
	v1 =	vmul.f32 $1.999999960e-02, v7;
	[tilespmem:$0x1BE50] =	vst v3  }
0x11c: {  	v0 =	vmul.f32 $1.999999960e-02, v0;
	[tilespmem:$0x1BE30] =	vst v4  }
0x11d: {  	[tilespmem:$0x1BE40] =	vst v1;
	v1 =	vmul.f32 $1.999999960e-02, v2  }
0x11e: {  	[tilespmem:$0x1BE70] =	vst v0  }
0x11f: {  	[tilespmem:$0x1BE60] =	vst v1  }
0x120: {  	_ =	swait.ge [sflag:s19], $0x2000  }
0x121: {  	[sflag:s19] =	ssyncset.done $0x0  }
0x122: {  	s0 =	simm.s32 $0x20;
	[sflag:s19] =	ssyncadd.s32 $0xFFFFE000  }
0x123: {  	v0 =	vld [tilespmem:s0+$0xAC90]  }
0x124: {  	v2 =	vld [tilespmem:s0+$0x9FE0]  }
0x125: {  	v3 =	vld [tilespmem:s0+$0x9FF0]  }
0x126: {  	v12 =	vld [tilespmem:s0+$0xA000]  }
0x127: {  	v10 =	vld [tilespmem:s0+$0xA010]  }
0x128: {  	v9 =	vimm.f32 $0.0e+00;
	v1 =	vimm.f32 $0.0e+00;
	v7 =	vld [tilespmem:s0+$0xAC60]  }
0x129: {  	v6 =	vimm.f32 $0.0e+00;
	v8 =	vld [tilespmem:s0+$0xAC70];
	v0 =	vadd.f32 v0, v1;
	v5 =	vadd.f32 v2, v1  }
0x12a: {  	s28 =	simm.s32 $0x280;
	s26 =	simm.s32 $0x60;
	v11 =	vld [tilespmem:s0+$0xAC80];
	v4 =	vadd.f32 v3, v1;
	v3 =	vimm.f32 $0.0e+00;
	v2 =	vimm.f32 $0.0e+00  }
.LBB2_18:
0x12b: {  	p0 =	sne.s32 s28, $0x3180;
	v13 =	vld [tilespmem:s26+$0xAC90];
	v1 =	vadd.f32 v12, v1  }
0x12c: {  	v14 =	vld [tilespmem:s26+$0x9FE0];
	v6 =	vadd.f32 v10, v6  }
0x12d: {  	v15 =	vld [tilespmem:s26+$0x9FF0];
	v9 =	vadd.f32 v7, v9  }
.Ltmp8:
0x12e: {  	v12 =	vld [tilespmem:s26+$0xA000];
	v3 =	vadd.f32 v8, v3;
	(pc) =	sbr.rel @p0 .LBB2_18-.Ltmp8, $4  }
0x12f: {  	v10 =	vld [tilespmem:s26+$0xA010];
	v2 =	vadd.f32 v11, v2  }
0x130: {  	v7 =	vld [tilespmem:s26+$0xAC60];
	v0 =	vadd.f32 v13, v0  }
0x131: {  	v5 =	vadd.f32 v14, v5;
	v8 =	vld [tilespmem:s26+$0xAC70]  }
0x132: {  	v4 =	vadd.f32 v15, v4;
	v11 =	vld [tilespmem:s26+$0xAC80];
	s26 =	sshra.s32 s28, $0x2;
	s28 =	sadd.s32 $0x100, s28  }
0x133: {  	v13 =	vld [tilespmem:s26+$0x9FE0]  }
0x134: {  	v14 =	vld [tilespmem:s26+$0x9FF0]  }
0x135: {  	v15 =	vld [tilespmem:s26+$0xA000]  }
0x136: {  	v1 =	vadd.f32 v12, v1;
	v12 =	vld [tilespmem:s26+$0xAC70]  }
0x137: {  	v16 =	vld [tilespmem:s26+$0xA010]  }
0x138: {  	v17 =	vld [tilespmem:s26+$0xAC60];
	v7 =	vadd.f32 v7, v9;
	v5 =	vadd.f32 v13, v5  }
0x139: {  	v9 =	vld [tilespmem:s26+$0xAC90];
	v3 =	vadd.f32 v8, v3;
	v4 =	vadd.f32 v14, v4  }
0x13a: {  	v6 =	vadd.f32 v10, v6;
	v10 =	vld [tilespmem:s26+$0xAC80];
	v1 =	vadd.f32 v15, v1;
	v5 =	vmul.f32 $1.999999960e-02, v5  }
0x13b: {  	v3 =	vadd.f32 v12, v3;
	v4 =	vmul.f32 $1.999999960e-02, v4  }
0x13c: {  	v6 =	vadd.f32 v16, v6;
	v1 =	vmul.f32 $1.999999960e-02, v1;
	[tilespmem:$0x1BE80] =	vst v5  }
0x13d: {  	v2 =	vadd.f32 v11, v2;
	v7 =	vadd.f32 v17, v7;
	v3 =	vmul.f32 $1.999999960e-02, v3;
	[tilespmem:$0x1BE90] =	vst v4  }
0x13e: {  	v0 =	vadd.f32 v9, v0;
	v4 =	vmul.f32 $1.999999960e-02, v6;
	[tilespmem:$0x1BEA0] =	vst v1  }
0x13f: {  	v2 =	vadd.f32 v10, v2;
	v1 =	vmul.f32 $1.999999960e-02, v7;
	[tilespmem:$0x1BED0] =	vst v3  }
0x140: {  	v0 =	vmul.f32 $1.999999960e-02, v0;
	[tilespmem:$0x1BEB0] =	vst v4  }
0x141: {  	[tilespmem:$0x1BEC0] =	vst v1;
	v1 =	vmul.f32 $1.999999960e-02, v2  }
0x142: {  	[tilespmem:$0x1BEF0] =	vst v0  }
0x143: {  	[tilespmem:$0x1BEE0] =	vst v1  }
0x144: {  	_ =	swait.ge [sflag:s20], $0x2000  }
0x145: {  	[sflag:s20] =	ssyncset.done $0x0  }
0x146: {  	s0 =	simm.s32 $0x20;
	[sflag:s20] =	ssyncadd.s32 $0xFFFFE000  }
0x147: {  	v0 =	vld [tilespmem:s0+$0xCC90]  }
0x148: {  	v2 =	vld [tilespmem:s0+$0xBFE0]  }
0x149: {  	v3 =	vld [tilespmem:s0+$0xBFF0]  }
0x14a: {  	v12 =	vld [tilespmem:s0+$0xC000]  }
0x14b: {  	v10 =	vld [tilespmem:s0+$0xC010]  }
0x14c: {  	v9 =	vimm.f32 $0.0e+00;
	v1 =	vimm.f32 $0.0e+00;
	v7 =	vld [tilespmem:s0+$0xCC60]  }
0x14d: {  	v6 =	vimm.f32 $0.0e+00;
	v8 =	vld [tilespmem:s0+$0xCC70];
	v0 =	vadd.f32 v0, v1;
	v5 =	vadd.f32 v2, v1  }
0x14e: {  	s28 =	simm.s32 $0x280;
	s26 =	simm.s32 $0x60;
	v11 =	vld [tilespmem:s0+$0xCC80];
	v4 =	vadd.f32 v3, v1;
	v3 =	vimm.f32 $0.0e+00;
	v2 =	vimm.f32 $0.0e+00  }
.LBB2_20:
0x14f: {  	p0 =	sne.s32 s28, $0x3180;
	v13 =	vld [tilespmem:s26+$0xCC90];
	v1 =	vadd.f32 v12, v1  }
0x150: {  	v14 =	vld [tilespmem:s26+$0xBFE0];
	v6 =	vadd.f32 v10, v6  }
0x151: {  	v15 =	vld [tilespmem:s26+$0xBFF0];
	v9 =	vadd.f32 v7, v9  }
.Ltmp9:
0x152: {  	v12 =	vld [tilespmem:s26+$0xC000];
	v3 =	vadd.f32 v8, v3;
	(pc) =	sbr.rel @p0 .LBB2_20-.Ltmp9, $4  }
0x153: {  	v10 =	vld [tilespmem:s26+$0xC010];
	v2 =	vadd.f32 v11, v2  }
0x154: {  	v7 =	vld [tilespmem:s26+$0xCC60];
	v0 =	vadd.f32 v13, v0  }
0x155: {  	v5 =	vadd.f32 v14, v5;
	v8 =	vld [tilespmem:s26+$0xCC70]  }
0x156: {  	v4 =	vadd.f32 v15, v4;
	v11 =	vld [tilespmem:s26+$0xCC80];
	s26 =	sshra.s32 s28, $0x2;
	s28 =	sadd.s32 $0x100, s28  }
0x157: {  	v13 =	vld [tilespmem:s26+$0xBFE0]  }
0x158: {  	v14 =	vld [tilespmem:s26+$0xBFF0]  }
0x159: {  	v15 =	vld [tilespmem:s26+$0xC000]  }
0x15a: {  	v1 =	vadd.f32 v12, v1;
	v12 =	vld [tilespmem:s26+$0xCC70]  }
0x15b: {  	v16 =	vld [tilespmem:s26+$0xC010]  }
0x15c: {  	v17 =	vld [tilespmem:s26+$0xCC60];
	v7 =	vadd.f32 v7, v9;
	v5 =	vadd.f32 v13, v5  }
0x15d: {  	v9 =	vld [tilespmem:s26+$0xCC90];
	v3 =	vadd.f32 v8, v3;
	v4 =	vadd.f32 v14, v4  }
0x15e: {  	v6 =	vadd.f32 v10, v6;
	v10 =	vld [tilespmem:s26+$0xCC80];
	v1 =	vadd.f32 v15, v1;
	v5 =	vmul.f32 $1.999999960e-02, v5  }
0x15f: {  	v3 =	vadd.f32 v12, v3;
	v4 =	vmul.f32 $1.999999960e-02, v4  }
0x160: {  	v6 =	vadd.f32 v16, v6;
	v1 =	vmul.f32 $1.999999960e-02, v1;
	[tilespmem:$0x1BF00] =	vst v5  }
0x161: {  	v2 =	vadd.f32 v11, v2;
	v7 =	vadd.f32 v17, v7;
	v3 =	vmul.f32 $1.999999960e-02, v3;
	[tilespmem:$0x1BF10] =	vst v4  }
0x162: {  	v0 =	vadd.f32 v9, v0;
	v4 =	vmul.f32 $1.999999960e-02, v6;
	[tilespmem:$0x1BF20] =	vst v1  }
0x163: {  	v2 =	vadd.f32 v10, v2;
	v1 =	vmul.f32 $1.999999960e-02, v7;
	[tilespmem:$0x1BF50] =	vst v3  }
0x164: {  	v0 =	vmul.f32 $1.999999960e-02, v0;
	[tilespmem:$0x1BF30] =	vst v4  }
0x165: {  	[tilespmem:$0x1BF40] =	vst v1;
	v1 =	vmul.f32 $1.999999960e-02, v2  }
0x166: {  	[tilespmem:$0x1BF70] =	vst v0  }
0x167: {  	[tilespmem:$0x1BF60] =	vst v1  }
0x168: {  	_ =	swait.ge [sflag:s21], $0x2000  }
0x169: {  	[sflag:s21] =	ssyncset.done $0x0  }
0x16a: {  	s0 =	simm.s32 $0x20;
	[sflag:s21] =	ssyncadd.s32 $0xFFFFE000  }
0x16b: {  	v0 =	vld [tilespmem:s0+$0xEC90]  }
0x16c: {  	v2 =	vld [tilespmem:s0+$0xDFE0]  }
0x16d: {  	v3 =	vld [tilespmem:s0+$0xDFF0]  }
0x16e: {  	v12 =	vld [tilespmem:s0+$0xE000]  }
0x16f: {  	v10 =	vld [tilespmem:s0+$0xE010]  }
0x170: {  	v9 =	vimm.f32 $0.0e+00;
	v1 =	vimm.f32 $0.0e+00;
	v7 =	vld [tilespmem:s0+$0xEC60]  }
0x171: {  	v6 =	vimm.f32 $0.0e+00;
	v8 =	vld [tilespmem:s0+$0xEC70];
	v0 =	vadd.f32 v0, v1;
	v5 =	vadd.f32 v2, v1  }
0x172: {  	s28 =	simm.s32 $0x280;
	s26 =	simm.s32 $0x60;
	v11 =	vld [tilespmem:s0+$0xEC80];
	v4 =	vadd.f32 v3, v1;
	v3 =	vimm.f32 $0.0e+00;
	v2 =	vimm.f32 $0.0e+00  }
.LBB2_22:
0x173: {  	p0 =	sne.s32 s28, $0x3180;
	v13 =	vld [tilespmem:s26+$0xEC90];
	v1 =	vadd.f32 v12, v1  }
0x174: {  	v14 =	vld [tilespmem:s26+$0xDFE0];
	v6 =	vadd.f32 v10, v6  }
0x175: {  	v15 =	vld [tilespmem:s26+$0xDFF0];
	v9 =	vadd.f32 v7, v9  }
.Ltmp10:
0x176: {  	v12 =	vld [tilespmem:s26+$0xE000];
	v3 =	vadd.f32 v8, v3;
	(pc) =	sbr.rel @p0 .LBB2_22-.Ltmp10, $4  }
0x177: {  	v10 =	vld [tilespmem:s26+$0xE010];
	v2 =	vadd.f32 v11, v2  }
0x178: {  	v7 =	vld [tilespmem:s26+$0xEC60];
	v0 =	vadd.f32 v13, v0  }
0x179: {  	v5 =	vadd.f32 v14, v5;
	v8 =	vld [tilespmem:s26+$0xEC70]  }
0x17a: {  	v4 =	vadd.f32 v15, v4;
	v11 =	vld [tilespmem:s26+$0xEC80];
	s26 =	sshra.s32 s28, $0x2;
	s28 =	sadd.s32 $0x100, s28  }
0x17b: {  	v13 =	vld [tilespmem:s26+$0xDFE0]  }
0x17c: {  	v14 =	vld [tilespmem:s26+$0xDFF0]  }
0x17d: {  	v15 =	vld [tilespmem:s26+$0xE000]  }
0x17e: {  	v16 =	vld [tilespmem:s26+$0xE010]  }
0x17f: {  	v17 =	vld [tilespmem:s26+$0xEC60]  }
0x180: {  	v1 =	vadd.f32 v12, v1;
	v58 =	vld [tilespmem:s26+$0xEC70];
	v5 =	vadd.f32 v13, v5  }
0x181: {  	v60 =	vld [tilespmem:s26+$0xEC90];
	v6 =	vadd.f32 v10, v6;
	v4 =	vadd.f32 v14, v4  }
0x182: {  	v59 =	vld [tilespmem:s26+$0xEC80];
	v7 =	vadd.f32 v7, v9;
	v1 =	vadd.f32 v15, v1;
	v5 =	vmul.f32 $1.999999960e-02, v5  }
0x183: {  	v3 =	vadd.f32 v8, v3;
	v6 =	vadd.f32 v16, v6;
	v4 =	vmul.f32 $1.999999960e-02, v4  }
0x184: {  	v7 =	vadd.f32 v17, v7;
	v1 =	vmul.f32 $1.999999960e-02, v1;
	[tilespmem:$0x1BF80] =	vst v5  }
0x185: {  	v2 =	vadd.f32 v11, v2;
	v3 =	vadd.f32 v58, v3;
	v61 =	vmul.f32 $1.999999960e-02, v6;
	[tilespmem:$0x1BF90] =	vst v4  }
0x186: {  	v0 =	vadd.f32 v60, v0;
	v62 =	vmul.f32 $1.999999960e-02, v7;
	[tilespmem:$0x1BFA0] =	vst v1  }
0x187: {  	v2 =	vadd.f32 v59, v2;
	v3 =	vmul.f32 $1.999999960e-02, v3;
	[tilespmem:$0x1BFB0] =	vst v61  }
0x188: {  	v0 =	vmul.f32 $1.999999960e-02, v0;
	[tilespmem:$0x1BFC0] =	vst v62  }
0x189: {  	v63 =	vmul.f32 $1.999999960e-02, v2;
	[tilespmem:$0x1BFD0] =	vst v3  }
0x18a: {  	[tilespmem:$0x1BFF0] =	vst v0  }
0x18b: {  	[tilespmem:$0x1BFE0] =	vst v63  }
0x18c: {  	s25 =	sadd.s32 $0x1, s25;
	_ =	swait.ge [sflag:s22], $0x2000  }
0x18d: {  	p0 =	sne.s32 s25, s6;
	[sflag:s22] =	ssyncset.done $0x0  }
.Ltmp11:
0x18e: {  	[sflag:s22] =	ssyncadd.s32 $0xFFFFE000;
	(pc) =	sbr.rel @p0 .LBB2_1-.Ltmp11, $4  }
0x18f: {  	[hbm4b:s5+s2] =	stream.linear.scatter [tilespmem:s24], [sflag:$0x7], $0x8000, $0x38;
	[tilespmem:$0x1C000] =	vst v63  }
0x190: {  	_ =	swait.ge [sflag:s7], $0x8000  }
0x191: {  	[sflag:s7] =	ssyncset.done $0x0  }
0x192: {  	[sflag:s7] =	ssyncadd.s32 $0xFFFF8000  }
0x193: {  	_ =	sfence.sel $0x180000  }
0x194: {  	[bflag:$0x0] =	sbarrier.arrive $0xFFFF  }
0x195: {  	_ =	strace $0x90000047  }
0x196: {  	[bflag:$0x2] =	sbarrier.arrive $0xFFFF  }
0x197: {  	p0 =	sne.s32 s1, $0x0;
	s0 =	rddreg [dreg:$0x2]  }
0x198: {  	s0 =	sadd.s32 @!p0 $0x100000, s0  }
0x199: {  	[sflag:s0] =	ssyncadd.tile.s32 @!p0 $0x1;
	_ =	shalt  }
.Lfunc_end2:
_tile_overlayer_lowered:
.L_overlay_start_2:
0x19a: {  	(tag) =	ssettag $0x2  }
0x19b: {  	s0 =	rddreg [dreg:$0x0];
	s2 =	stileid.u32  }
0x19c: {  	s1 =	rddreg [dreg:$0x1];
	p0 =	sne.s32 s2, $0x0  }
0x19d: {  	s3 =	rddreg [dreg:$0x2];
	[bflag:$0x3] =	sbarrier.arrive $0xFFFF;
	s2 =	simm.s32 @!p0 $0x1C07  }
0x19e: {  	[timem:s3], [sflag:s2] =	dma.local @!p0 [hbm:s0], s1  }
0x19f: {  	s0 =	simm.s32 @!p0 $0x7  }
0x1a0: {  	_ =	swait.ge @!p0 [sflag:s0], s1  }
0x1a1: {  	s1 =	ssub.s32 @!p0 $0x0, s1;
	[sflag:s0] =	ssyncset.done @!p0 $0x0  }
0x1a2: {  	[sflag:s0] =	ssyncadd.s32 @!p0 s1  }
0x1a3: {  	[bflag:$0x3] =	sbarrier.arrive $0xFFFF  }
0x1a4: {  	_ =	shalt  }

</sc_bundles>
